<compile_context>
chip_gen: v7x
topology: tpu7x:2x2x1
jax: 0.10.2.dev20260603
libtpu: 0.0.44.dev20260713+nightly
codegen_flags: <defaults>
</compile_context>

<pallas_src>
import jax
import jax.numpy as jnp
from jax import lax
from jax.experimental import pallas as pl
from jax.experimental.pallas import tpu as pltpu
from jax.experimental.pallas import tpu_sc as plsc

_CYCLE = 168
_LEN = 336
_CH = 256
_B = 1024
_NC = 2
_NS = 16
_NW = _NC * _NS
_BPW = _B // _NW


def _sc_body(idx_hbm, data_hbm, out_hbm, idx_v, dd_v, ddd_sh, sem, stage_sem):
    cid = lax.axis_index("c")
    sid = lax.axis_index("s")
    wid = sid * _NC + cid
    base = wid * _BPW
    stage = [
        pltpu.async_copy(idx_hbm.at[pl.ds(base, _BPW)], idx_v, stage_sem),
        pltpu.async_copy(data_hbm, dd_v.at[pl.ds(0, _CYCLE)], stage_sem),
        pltpu.async_copy(data_hbm, dd_v.at[pl.ds(_CYCLE, _CYCLE)], stage_sem),
    ]
    for c in stage:
        c.wait()

    @pl.when(sid == 0)
    def _stage_shared():
        shared = [
            pltpu.async_copy(data_hbm, ddd_sh.at[pl.ds(0, _CYCLE)], stage_sem),
            pltpu.async_copy(data_hbm, ddd_sh.at[pl.ds(_CYCLE, _CYCLE)], stage_sem),
            pltpu.async_copy(data_hbm, ddd_sh.at[pl.ds(2 * _CYCLE, _CYCLE)], stage_sem),
        ]
        for c in shared:
            c.wait()

    plsc.subcore_barrier()
    copies = []
    for g in range(_BPW // 16):
        vec = idx_v[pl.ds(g * 16, 16)]
        for j in range(16):
            b = g * 16 + j
            i = vec[j]
            if b % 8 < 5:
                copies.append(pltpu.async_copy(
                    dd_v.at[pl.ds(i, _CYCLE)],
                    out_hbm.at[base + b, pl.ds(0, _CYCLE)], sem))
                copies.append(pltpu.async_copy(
                    dd_v.at[pl.ds(i, _CYCLE)],
                    out_hbm.at[base + b, pl.ds(_CYCLE, _CYCLE)], sem))
            else:
                copies.append(pltpu.async_copy(
                    ddd_sh.at[pl.ds(i, _LEN)], out_hbm.at[base + b], sem))
    for c in copies:
        c.wait()


def kernel(index, length, data):
    start = jnp.mod(index.astype(jnp.int32) + (length - _LEN), _CYCLE)
    start = start.astype(jnp.int32)
    mesh = plsc.VectorSubcoreMesh(core_axis_name="c", subcore_axis_name="s")
    k = pl.kernel(
        _sc_body,
        out_type=jax.ShapeDtypeStruct((_B, _LEN, _CH), jnp.float32),
        mesh=mesh,
        scratch_types=[
            pltpu.VMEM((_BPW,), jnp.int32),
            pltpu.VMEM((2 * _CYCLE, _CH), jnp.float32),
            pltpu.VMEM_SHARED((3 * _CYCLE, _CH), jnp.float32),
            pltpu.SemaphoreType.DMA,
            pltpu.SemaphoreType.DMA,
        ],
        compiler_params=pltpu.CompilerParams(use_tc_tiling_on_sc=False),
    )
    return k(start, data)

# --- scband reference (transcript-rebuilt; emitter-appended) ---
"""Pipeline reference for scband-recurrent-cycle-6871947674025 (READ-ONLY COPY).

The authoritative reference and input builder live on the scoring server;
editing this copy changes nothing except your own understanding.
"""

import jax, jax.numpy as jnp
import numpy as np

CYCLE_LEN = 168
CHANNEL_SIZE = 256
BATCH = 1024
LENGTH = 336


def setup_inputs(seed: int = 0) -> dict:
    key = jax.random.key(seed)
    k1, k2 = jax.random.split(key)
    index = jax.random.randint(k1, (BATCH,), 0, CYCLE_LEN, dtype=jnp.int64 if jax.config.jax_enable_x64 else jnp.int32)
    data = jax.random.normal(k2, (CYCLE_LEN, CHANNEL_SIZE), dtype=jnp.float32) * 0.02
    return {"index": index, "length": LENGTH, "data": data}


def reference(index, length, data):
    # gather_index = (index.view(-1,1) + arange(length).view(1,-1)) % cycle_len
    cycle_len = data.shape[0]
    steps = jnp.arange(LENGTH) + (length - LENGTH)
    gather_index = (index.reshape(-1, 1) + steps.reshape(1, -1)) % cycle_len
    # data[gather_index] -> [B, length, channel_size]
    return jnp.take(data, gather_index, axis=0)

if __name__ == "__main__":
    import jax
    _d = setup_inputs()
    print(jax.jit(kernel)(*tuple(_d.values())))

</pallas_src>

<mosaic_0001>
#map = affine_map<(d0, d1) -> (0)>
#map1 = affine_map<(d0, d1) -> (0, 0)>
#map2 = affine_map<(d0, d1) -> (0, 0, 0)>
module attributes {stable_mosaic.version = 14 : i64} {
  func.func @_sc_body(%arg0: i32, %arg1: i32, %arg2: memref<1024xi32, #tpu.memory_space<hbm>>, %arg3: memref<168x256xf32, #tpu.memory_space<hbm>>, %arg4: memref<1024x336x256xf32, #tpu.memory_space<hbm>>, %arg5: memref<32xi32, #tpu.memory_space<vmem>>, %arg6: memref<336x256xf32, #tpu.memory_space<vmem>>, %arg7: memref<504x256xf32, #tpu.memory_space<vmem_shared>>, %arg8: memref<!tpu.dma_semaphore, #tpu.memory_space<semaphore_mem>>, %arg9: memref<!tpu.dma_semaphore, #tpu.memory_space<semaphore_mem>>) attributes {dimension_semantics = [#tpu.dimension_semantics<core_parallel>, #tpu.dimension_semantics<subcore_parallel>], iteration_bounds = array<i64: 2, 16>, scalar_prefetch = 0 : i64, scratch_operands = 5 : i64, tpu.core_type = #tpu.core_type<sc_vector_subcore>, window_params = [{transform_indices = #map}, {transform_indices = #map1}, {transform_indices = #map2}]} {
    %mul3A = arith.constant 2 : i32
    %mul3A_0 = arith.muli %arg1, %mul3A : i32
    %add3A = arith.addi %mul3A_0, %arg0 : i32
    %mul3A_1 = arith.constant 32 : i32
    %mul3A_2 = arith.muli %add3A, %mul3A_1 : i32
    %dma_start3A = tpu.memref_slice %arg2[%mul3A_2] : memref<1024xi32, #tpu.memory_space<hbm>> -> memref<32xi32, #tpu.memory_space<hbm>>
    %dma_start3A_3 = tpu.memref_slice %arg2[%mul3A_2] : memref<1024xi32, #tpu.memory_space<hbm>> -> memref<32xi32, #tpu.memory_space<hbm>>
    tpu.enqueue_dma source(%dma_start3A_3 : memref<32xi32, #tpu.memory_space<hbm>>) target(%arg5 : memref<32xi32, #tpu.memory_space<vmem>>) target_semaphore(%arg9 : memref<!tpu.dma_semaphore, #tpu.memory_space<semaphore_mem>>)
    %dma_start3A_4 = arith.constant 0 : i32
    %dma_start3A_5 = arith.constant 0 : i32
    %dma_start3A_6 = tpu.memref_slice %arg6[%dma_start3A_4, %dma_start3A_5] : memref<336x256xf32, #tpu.memory_space<vmem>> -> memref<168x256xf32, #tpu.memory_space<vmem>>
    %dma_start3A_7 = arith.constant 0 : i32
    %dma_start3A_8 = arith.constant 0 : i32
    %dma_start3A_9 = tpu.memref_slice %arg6[%dma_start3A_7, %dma_start3A_8] : memref<336x256xf32, #tpu.memory_space<vmem>> -> memref<168x256xf32, #tpu.memory_space<vmem>>
    tpu.enqueue_dma source(%arg3 : memref<168x256xf32, #tpu.memory_space<hbm>>) target(%dma_start3A_9 : memref<168x256xf32, #tpu.memory_space<vmem>>) target_semaphore(%arg9 : memref<!tpu.dma_semaphore, #tpu.memory_space<semaphore_mem>>)
    %dma_start3A_10 = arith.constant 168 : i32
    %dma_start3A_11 = arith.constant 0 : i32
    %dma_start3A_12 = tpu.memref_slice %arg6[%dma_start3A_10, %dma_start3A_11] : memref<336x256xf32, #tpu.memory_space<vmem>> -> memref<168x256xf32, #tpu.memory_space<vmem>>
    %dma_start3A_13 = arith.constant 168 : i32
    %dma_start3A_14 = arith.constant 0 : i32
    %dma_start3A_15 = tpu.memref_slice %arg6[%dma_start3A_13, %dma_start3A_14] : memref<336x256xf32, #tpu.memory_space<vmem>> -> memref<168x256xf32, #tpu.memory_space<vmem>>
    tpu.enqueue_dma source(%arg3 : memref<168x256xf32, #tpu.memory_space<hbm>>) target(%dma_start3A_15 : memref<168x256xf32, #tpu.memory_space<vmem>>) target_semaphore(%arg9 : memref<!tpu.dma_semaphore, #tpu.memory_space<semaphore_mem>>)
    %dma_wait3A = tpu.memref_slice %arg2[%mul3A_2] : memref<1024xi32, #tpu.memory_space<hbm>> -> memref<32xi32, #tpu.memory_space<hbm>>
    %dma_wait3A_16 = tpu.memref_slice %arg2[%mul3A_2] : memref<1024xi32, #tpu.memory_space<hbm>> -> memref<32xi32, #tpu.memory_space<hbm>>
    tpu.wait_dma2 semaphore(%arg9 : memref<!tpu.dma_semaphore, #tpu.memory_space<semaphore_mem>>) src(%dma_wait3A_16 : memref<32xi32, #tpu.memory_space<hbm>>) dst(%arg5 : memref<32xi32, #tpu.memory_space<vmem>>)
    %dma_wait3A_17 = arith.constant 0 : i32
    %dma_wait3A_18 = arith.constant 0 : i32
    %dma_wait3A_19 = tpu.memref_slice %arg6[%dma_wait3A_17, %dma_wait3A_18] : memref<336x256xf32, #tpu.memory_space<vmem>> -> memref<168x256xf32, #tpu.memory_space<vmem>>
    %dma_wait3A_20 = arith.constant 0 : i32
    %dma_wait3A_21 = arith.constant 0 : i32
    %dma_wait3A_22 = tpu.memref_slice %arg6[%dma_wait3A_20, %dma_wait3A_21] : memref<336x256xf32, #tpu.memory_space<vmem>> -> memref<168x256xf32, #tpu.memory_space<vmem>>
    tpu.wait_dma2 semaphore(%arg9 : memref<!tpu.dma_semaphore, #tpu.memory_space<semaphore_mem>>) src(%arg3 : memref<168x256xf32, #tpu.memory_space<hbm>>) dst(%dma_wait3A_22 : memref<168x256xf32, #tpu.memory_space<vmem>>)
    %dma_wait3A_23 = arith.constant 168 : i32
    %dma_wait3A_24 = arith.constant 0 : i32
    %dma_wait3A_25 = tpu.memref_slice %arg6[%dma_wait3A_23, %dma_wait3A_24] : memref<336x256xf32, #tpu.memory_space<vmem>> -> memref<168x256xf32, #tpu.memory_space<vmem>>
    %dma_wait3A_26 = arith.constant 168 : i32
    %dma_wait3A_27 = arith.constant 0 : i32
    %dma_wait3A_28 = tpu.memref_slice %arg6[%dma_wait3A_26, %dma_wait3A_27] : memref<336x256xf32, #tpu.memory_space<vmem>> -> memref<168x256xf32, #tpu.memory_space<vmem>>
    tpu.wait_dma2 semaphore(%arg9 : memref<!tpu.dma_semaphore, #tpu.memory_space<semaphore_mem>>) src(%arg3 : memref<168x256xf32, #tpu.memory_space<hbm>>) dst(%dma_wait3A_28 : memref<168x256xf32, #tpu.memory_space<vmem>>)
    %eq3A = arith.constant 0 : i32
    %eq3A_29 = arith.cmpi eq, %arg1, %eq3A : i32
    %convert_element_type3A = arith.extui %eq3A_29 : i1 to i32
    %cond3A = arith.constant 0 : i32
    %cond3A_30 = arith.cmpi ne, %convert_element_type3A, %cond3A : i32
    scf.if %cond3A_30 {
      %dma_start3A_1306 = arith.constant 0 : i32
      %dma_start3A_1307 = arith.constant 0 : i32
      %dma_start3A_1308 = tpu.memref_slice %arg7[%dma_start3A_1306, %dma_start3A_1307] : memref<504x256xf32, #tpu.memory_space<vmem_shared>> -> memref<168x256xf32, #tpu.memory_space<vmem_shared>>
      tpu.enqueue_dma source(%arg3 : memref<168x256xf32, #tpu.memory_space<hbm>>) target(%dma_start3A_1308 : memref<168x256xf32, #tpu.memory_space<vmem_shared>>) target_semaphore(%arg9 : memref<!tpu.dma_semaphore, #tpu.memory_space<semaphore_mem>>)
      %dma_start3A_1309 = arith.constant 168 : i32
      %dma_start3A_1310 = arith.constant 0 : i32
      %dma_start3A_1311 = tpu.memref_slice %arg7[%dma_start3A_1309, %dma_start3A_1310] : memref<504x256xf32, #tpu.memory_space<vmem_shared>> -> memref<168x256xf32, #tpu.memory_space<vmem_shared>>
      tpu.enqueue_dma source(%arg3 : memref<168x256xf32, #tpu.memory_space<hbm>>) target(%dma_start3A_1311 : memref<168x256xf32, #tpu.memory_space<vmem_shared>>) target_semaphore(%arg9 : memref<!tpu.dma_semaphore, #tpu.memory_space<semaphore_mem>>)
      %dma_start3A_1312 = arith.constant 336 : i32
      %dma_start3A_1313 = arith.constant 0 : i32
      %dma_start3A_1314 = tpu.memref_slice %arg7[%dma_start3A_1312, %dma_start3A_1313] : memref<504x256xf32, #tpu.memory_space<vmem_shared>> -> memref<168x256xf32, #tpu.memory_space<vmem_shared>>
      tpu.enqueue_dma source(%arg3 : memref<168x256xf32, #tpu.memory_space<hbm>>) target(%dma_start3A_1314 : memref<168x256xf32, #tpu.memory_space<vmem_shared>>) target_semaphore(%arg9 : memref<!tpu.dma_semaphore, #tpu.memory_space<semaphore_mem>>)
      %dma_wait3A_1315 = arith.constant 0 : i32
      %dma_wait3A_1316 = arith.constant 0 : i32
      %dma_wait3A_1317 = tpu.memref_slice %arg7[%dma_wait3A_1315, %dma_wait3A_1316] : memref<504x256xf32, #tpu.memory_space<vmem_shared>> -> memref<168x256xf32, #tpu.memory_space<vmem_shared>>
      tpu.wait_dma2 semaphore(%arg9 : memref<!tpu.dma_semaphore, #tpu.memory_space<semaphore_mem>>) src(%arg3 : memref<168x256xf32, #tpu.memory_space<hbm>>) dst(%dma_wait3A_1317 : memref<168x256xf32, #tpu.memory_space<vmem_shared>>)
      %dma_wait3A_1318 = arith.constant 168 : i32
      %dma_wait3A_1319 = arith.constant 0 : i32
      %dma_wait3A_1320 = tpu.memref_slice %arg7[%dma_wait3A_1318, %dma_wait3A_1319] : memref<504x256xf32, #tpu.memory_space<vmem_shared>> -> memref<168x256xf32, #tpu.memory_space<vmem_shared>>
      tpu.wait_dma2 semaphore(%arg9 : memref<!tpu.dma_semaphore, #tpu.memory_space<semaphore_mem>>) src(%arg3 : memref<168x256xf32, #tpu.memory_space<hbm>>) dst(%dma_wait3A_1320 : memref<168x256xf32, #tpu.memory_space<vmem_shared>>)
      %dma_wait3A_1321 = arith.constant 336 : i32
      %dma_wait3A_1322 = arith.constant 0 : i32
      %dma_wait3A_1323 = tpu.memref_slice %arg7[%dma_wait3A_1321, %dma_wait3A_1322] : memref<504x256xf32, #tpu.memory_space<vmem_shared>> -> memref<168x256xf32, #tpu.memory_space<vmem_shared>>
      tpu.wait_dma2 semaphore(%arg9 : memref<!tpu.dma_semaphore, #tpu.memory_space<semaphore_mem>>) src(%arg3 : memref<168x256xf32, #tpu.memory_space<hbm>>) dst(%dma_wait3A_1323 : memref<168x256xf32, #tpu.memory_space<vmem_shared>>)
    } else {
    }
    %barrier3A = arith.constant 0 : index
    tpu.barrier barrier_id(%barrier3A)
    %get3A = arith.constant 0 : index
    %get3A_31 = tpu.vector_load %arg5[%get3A] {strides = array<i32>} : memref<32xi32, #tpu.memory_space<vmem>>, vector<16xi32>,
    %get3A_32 = vector.shape_cast %get3A_31 : vector<16xi32> to vector<16xi32>
    %slice3A = vector.extract_strided_slice %get3A_32 {offsets = [0], sizes = [1], strides = [1]} : vector<16xi32> to vector<1xi32>
    %squeeze3A = vector.extract %slice3A[0] : i32 from vector<1xi32>
    %add3A_33 = arith.constant 0 : i32
    %add3A_34 = arith.addi %mul3A_2, %add3A_33 : i32
    %dma_start3A_35 = arith.constant 0 : i32
    %dma_start3A_36 = tpu.memref_slice %arg6[%squeeze3A, %dma_start3A_35] : memref<336x256xf32, #tpu.memory_space<vmem>> -> memref<168x256xf32, #tpu.memory_space<vmem>>
    %dma_start3A_37 = arith.constant 0 : i32
    %dma_start3A_38 = arith.constant 0 : i32
    %dma_start3A_39 = tpu.memref_slice %arg4[%add3A_34, %dma_start3A_37, %dma_start3A_38] : memref<1024x336x256xf32, #tpu.memory_space<hbm>> -> memref<1x168x256xf32, #tpu.memory_space<hbm>>
    %dma_start3A_40 = tpu.memref_squeeze %dma_start3A_39 : memref<1x168x256xf32, #tpu.memory_space<hbm>> -> memref<168x256xf32, #tpu.memory_space<hbm>>
    %dma_start3A_41 = arith.constant 0 : i32
    %dma_start3A_42 = arith.constant 0 : i32
    %dma_start3A_43 = tpu.memref_slice %arg4[%add3A_34, %dma_start3A_41, %dma_start3A_42] : memref<1024x336x256xf32, #tpu.memory_space<hbm>> -> memref<1x168x256xf32, #tpu.memory_space<hbm>>
    %dma_start3A_44 = tpu.memref_squeeze %dma_start3A_43 : memref<1x168x256xf32, #tpu.memory_space<hbm>> -> memref<168x256xf32, #tpu.memory_space<hbm>>
    %dma_start3A_45 = arith.constant 0 : i32
    %dma_start3A_46 = tpu.memref_slice %arg6[%squeeze3A, %dma_start3A_45] : memref<336x256xf32, #tpu.memory_space<vmem>> -> memref<168x256xf32, #tpu.memory_space<vmem>>
    tpu.enqueue_dma source(%dma_start3A_46 : memref<168x256xf32, #tpu.memory_space<vmem>>) target(%dma_start3A_44 : memref<168x256xf32, #tpu.memory_space<hbm>>) target_semaphore(%arg8 : memref<!tpu.dma_semaphore, #tpu.memory_space<semaphore_mem>>)
    %add3A_47 = arith.constant 0 : i32
    %add3A_48 = arith.addi %mul3A_2, %add3A_47 : i32
    %dma_start3A_49 = arith.constant 0 : i32
    %dma_start3A_50 = tpu.memref_slice %arg6[%squeeze3A, %dma_start3A_49] : memref<336x256xf32, #tpu.memory_space<vmem>> -> memref<168x256xf32, #tpu.memory_space<vmem>>
    %dma_start3A_51 = arith.constant 168 : i32
    %dma_start3A_52 = arith.constant 0 : i32
    %dma_start3A_53 = tpu.memref_slice %arg4[%add3A_48, %dma_start3A_51, %dma_start3A_52] : memref<1024x336x256xf32, #tpu.memory_space<hbm>> -> memref<1x168x256xf32, #tpu.memory_space<hbm>>
    %dma_start3A_54 = tpu.memref_squeeze %dma_start3A_53 : memref<1x168x256xf32, #tpu.memory_space<hbm>> -> memref<168x256xf32, #tpu.memory_space<hbm>>
    %dma_start3A_55 = arith.constant 168 : i32
    %dma_start3A_56 = arith.constant 0 : i32
    %dma_start3A_57 = tpu.memref_slice %arg4[%add3A_48, %dma_start3A_55, %dma_start3A_56] : memref<1024x336x256xf32, #tpu.memory_space<hbm>> -> memref<1x168x256xf32, #tpu.memory_space<hbm>>
    %dma_start3A_58 = tpu.memref_squeeze %dma_start3A_57 : memref<1x168x256xf32, #tpu.memory_space<hbm>> -> memref<168x256xf32, #tpu.memory_space<hbm>>
    %dma_start3A_59 = arith.constant 0 : i32
    %dma_start3A_60 = tpu.memref_slice %arg6[%squeeze3A, %dma_start3A_59] : memref<336x256xf32, #tpu.memory_space<vmem>> -> memref<168x256xf32, #tpu.memory_space<vmem>>
    tpu.enqueue_dma source(%dma_start3A_60 : memref<168x256xf32, #tpu.memory_space<vmem>>) target(%dma_start3A_58 : memref<168x256xf32, #tpu.memory_space<hbm>>) target_semaphore(%arg8 : memref<!tpu.dma_semaphore, #tpu.memory_space<semaphore_mem>>)
    %slice3A_61 = vector.extract_strided_slice %get3A_32 {offsets = [1], sizes = [1], strides = [1]} : vector<16xi32> to vector<1xi32>
    %squeeze3A_62 = vector.extract %slice3A_61[0] : i32 from vector<1xi32>
    %add3A_63 = arith.constant 1 : i32
    %add3A_64 = arith.addi %mul3A_2, %add3A_63 : i32
    %dma_start3A_65 = arith.constant 0 : i32
    %dma_start3A_66 = tpu.memref_slice %arg6[%squeeze3A_62, %dma_start3A_65] : memref<336x256xf32, #tpu.memory_space<vmem>> -> memref<168x256xf32, #tpu.memory_space<vmem>>
    %dma_start3A_67 = arith.constant 0 : i32
    %dma_start3A_68 = arith.constant 0 : i32
    %dma_start3A_69 = tpu.memref_slice %arg4[%add3A_64, %dma_start3A_67, %dma_start3A_68] : memref<1024x336x256xf32, #tpu.memory_space<hbm>> -> memref<1x168x256xf32, #tpu.memory_space<hbm>>
    %dma_start3A_70 = tpu.memref_squeeze %dma_start3A_69 : memref<1x168x256xf32, #tpu.memory_space<hbm>> -> memref<168x256xf32, #tpu.memory_space<hbm>>
    %dma_start3A_71 = arith.constant 0 : i32
    %dma_start3A_72 = arith.constant 0 : i32
    %dma_start3A_73 = tpu.memref_slice %arg4[%add3A_64, %dma_start3A_71, %dma_start3A_72] : memref<1024x336x256xf32, #tpu.memory_space<hbm>> -> memref<1x168x256xf32, #tpu.memory_space<hbm>>
    %dma_start3A_74 = tpu.memref_squeeze %dma_start3A_73 : memref<1x168x256xf32, #tpu.memory_space<hbm>> -> memref<168x256xf32, #tpu.memory_space<hbm>>
    %dma_start3A_75 = arith.constant 0 : i32
    %dma_start3A_76 = tpu.memref_slice %arg6[%squeeze3A_62, %dma_start3A_75] : memref<336x256xf32, #tpu.memory_space<vmem>> -> memref<168x256xf32, #tpu.memory_space<vmem>>
    tpu.enqueue_dma source(%dma_start3A_76 : memref<168x256xf32, #tpu.memory_space<vmem>>) target(%dma_start3A_74 : memref<168x256xf32, #tpu.memory_space<hbm>>) target_semaphore(%arg8 : memref<!tpu.dma_semaphore, #tpu.memory_space<semaphore_mem>>)
    %add3A_77 = arith.constant 1 : i32
    %add3A_78 = arith.addi %mul3A_2, %add3A_77 : i32
    %dma_start3A_79 = arith.constant 0 : i32
    %dma_start3A_80 = tpu.memref_slice %arg6[%squeeze3A_62, %dma_start3A_79] : memref<336x256xf32, #tpu.memory_space<vmem>> -> memref<168x256xf32, #tpu.memory_space<vmem>>
    %dma_start3A_81 = arith.constant 168 : i32
    %dma_start3A_82 = arith.constant 0 : i32
    %dma_start3A_83 = tpu.memref_slice %arg4[%add3A_78, %dma_start3A_81, %dma_start3A_82] : memref<1024x336x256xf32, #tpu.memory_space<hbm>> -> memref<1x168x256xf32, #tpu.memory_space<hbm>>
    %dma_start3A_84 = tpu.memref_squeeze %dma_start3A_83 : memref<1x168x256xf32, #tpu.memory_space<hbm>> -> memref<168x256xf32, #tpu.memory_space<hbm>>
    %dma_start3A_85 = arith.constant 168 : i32
    %dma_start3A_86 = arith.constant 0 : i32
    %dma_start3A_87 = tpu.memref_slice %arg4[%add3A_78, %dma_start3A_85, %dma_start3A_86] : memref<1024x336x256xf32, #tpu.memory_space<hbm>> -> memref<1x168x256xf32, #tpu.memory_space<hbm>>
    %dma_start3A_88 = tpu.memref_squeeze %dma_start3A_87 : memref<1x168x256xf32, #tpu.memory_space<hbm>> -> memref<168x256xf32, #tpu.memory_space<hbm>>
    %dma_start3A_89 = arith.constant 0 : i32
    %dma_start3A_90 = tpu.memref_slice %arg6[%squeeze3A_62, %dma_start3A_89] : memref<336x256xf32, #tpu.memory_space<vmem>> -> memref<168x256xf32, #tpu.memory_space<vmem>>
    tpu.enqueue_dma source(%dma_start3A_90 : memref<168x256xf32, #tpu.memory_space<vmem>>) target(%dma_start3A_88 : memref<168x256xf32, #tpu.memory_space<hbm>>) target_semaphore(%arg8 : memref<!tpu.dma_semaphore, #tpu.memory_space<semaphore_mem>>)
    %slice3A_91 = vector.extract_strided_slice %get3A_32 {offsets = [2], sizes = [1], strides = [1]} : vector<16xi32> to vector<1xi32>
    %squeeze3A_92 = vector.extract %slice3A_91[0] : i32 from vector<1xi32>
    %add3A_93 = arith.constant 2 : i32
    %add3A_94 = arith.addi %mul3A_2, %add3A_93 : i32
    %dma_start3A_95 = arith.constant 0 : i32
    %dma_start3A_96 = tpu.memref_slice %arg6[%squeeze3A_92, %dma_start3A_95] : memref<336x256xf32, #tpu.memory_space<vmem>> -> memref<168x256xf32, #tpu.memory_space<vmem>>
    %dma_start3A_97 = arith.constant 0 : i32
    %dma_start3A_98 = arith.constant 0 : i32
    %dma_start3A_99 = tpu.memref_slice %arg4[%add3A_94, %dma_start3A_97, %dma_start3A_98] : memref<1024x336x256xf32, #tpu.memory_space<hbm>> -> memref<1x168x256xf32, #tpu.memory_space<hbm>>
    %dma_start3A_100 = tpu.memref_squeeze %dma_start3A_99 : memref<1x168x256xf32, #tpu.memory_space<hbm>> -> memref<168x256xf32, #tpu.memory_space<hbm>>
    %dma_start3A_101 = arith.constant 0 : i32
    %dma_start3A_102 = arith.constant 0 : i32
    %dma_start3A_103 = tpu.memref_slice %arg4[%add3A_94, %dma_start3A_101, %dma_start3A_102] : memref<1024x336x256xf32, #tpu.memory_space<hbm>> -> memref<1x168x256xf32, #tpu.memory_space<hbm>>
    %dma_start3A_104 = tpu.memref_squeeze %dma_start3A_103 : memref<1x168x256xf32, #tpu.memory_space<hbm>> -> memref<168x256xf32, #tpu.memory_space<hbm>>
    %dma_start3A_105 = arith.constant 0 : i32
    %dma_start3A_106 = tpu.memref_slice %arg6[%squeeze3A_92, %dma_start3A_105] : memref<336x256xf32, #tpu.memory_space<vmem>> -> memref<168x256xf32, #tpu.memory_space<vmem>>
    tpu.enqueue_dma source(%dma_start3A_106 : memref<168x256xf32, #tpu.memory_space<vmem>>) target(%dma_start3A_104 : memref<168x256xf32, #tpu.memory_space<hbm>>) target_semaphore(%arg8 : memref<!tpu.dma_semaphore, #tpu.memory_space<semaphore_mem>>)
    %add3A_107 = arith.constant 2 : i32
    %add3A_108 = arith.addi %mul3A_2, %add3A_107 : i32
    %dma_start3A_109 = arith.constant 0 : i32
    %dma_start3A_110 = tpu.memref_slice %arg6[%squeeze3A_92, %dma_start3A_109] : memref<336x256xf32, #tpu.memory_space<vmem>> -> memref<168x256xf32, #tpu.memory_space<vmem>>
    %dma_start3A_111 = arith.constant 168 : i32
    %dma_start3A_112 = arith.constant 0 : i32
    %dma_start3A_113 = tpu.memref_slice %arg4[%add3A_108, %dma_start3A_111, %dma_start3A_112] : memref<1024x336x256xf32, #tpu.memory_space<hbm>> -> memref<1x168x256xf32, #tpu.memory_space<hbm>>
    %dma_start3A_114 = tpu.memref_squeeze %dma_start3A_113 : memref<1x168x256xf32, #tpu.memory_space<hbm>> -> memref<168x256xf32, #tpu.memory_space<hbm>>
    %dma_start3A_115 = arith.constant 168 : i32
    %dma_start3A_116 = arith.constant 0 : i32
    %dma_start3A_117 = tpu.memref_slice %arg4[%add3A_108, %dma_start3A_115, %dma_start3A_116] : memref<1024x336x256xf32, #tpu.memory_space<hbm>> -> memref<1x168x256xf32, #tpu.memory_space<hbm>>
    %dma_start3A_118 = tpu.memref_squeeze %dma_start3A_117 : memref<1x168x256xf32, #tpu.memory_space<hbm>> -> memref<168x256xf32, #tpu.memory_space<hbm>>
    %dma_start3A_119 = arith.constant 0 : i32
    %dma_start3A_120 = tpu.memref_slice %arg6[%squeeze3A_92, %dma_start3A_119] : memref<336x256xf32, #tpu.memory_space<vmem>> -> memref<168x256xf32, #tpu.memory_space<vmem>>
    tpu.enqueue_dma source(%dma_start3A_120 : memref<168x256xf32, #tpu.memory_space<vmem>>) target(%dma_start3A_118 : memref<168x256xf32, #tpu.memory_space<hbm>>) target_semaphore(%arg8 : memref<!tpu.dma_semaphore, #tpu.memory_space<semaphore_mem>>)
    %slice3A_121 = vector.extract_strided_slice %get3A_32 {offsets = [3], sizes = [1], strides = [1]} : vector<16xi32> to vector<1xi32>
    %squeeze3A_122 = vector.extract %slice3A_121[0] : i32 from vector<1xi32>
    %add3A_123 = arith.constant 3 : i32
    %add3A_124 = arith.addi %mul3A_2, %add3A_123 : i32
    %dma_start3A_125 = arith.constant 0 : i32
    %dma_start3A_126 = tpu.memref_slice %arg6[%squeeze3A_122, %dma_start3A_125] : memref<336x256xf32, #tpu.memory_space<vmem>> -> memref<168x256xf32, #tpu.memory_space<vmem>>
    %dma_start3A_127 = arith.constant 0 : i32
    %dma_start3A_128 = arith.constant 0 : i32
    %dma_start3A_129 = tpu.memref_slice %arg4[%add3A_124, %dma_start3A_127, %dma_start3A_128] : memref<1024x336x256xf32, #tpu.memory_space<hbm>> -> memref<1x168x256xf32, #tpu.memory_space<hbm>>
    %dma_start3A_130 = tpu.memref_squeeze %dma_start3A_129 : memref<1x168x256xf32, #tpu.memory_space<hbm>> -> memref<168x256xf32, #tpu.memory_space<hbm>>
    %dma_start3A_131 = arith.constant 0 : i32
    %dma_start3A_132 = arith.constant 0 : i32
    %dma_start3A_133 = tpu.memref_slice %arg4[%add3A_124, %dma_start3A_131, %dma_start3A_132] : memref<1024x336x256xf32, #tpu.memory_space<hbm>> -> memref<1x168x256xf32, #tpu.memory_space<hbm>>
    %dma_start3A_134 = tpu.memref_squeeze %dma_start3A_133 : memref<1x168x256xf32, #tpu.memory_space<hbm>> -> memref<168x256xf32, #tpu.memory_space<hbm>>
    %dma_start3A_135 = arith.constant 0 : i32
    %dma_start3A_136 = tpu.memref_slice %arg6[%squeeze3A_122, %dma_start3A_135] : memref<336x256xf32, #tpu.memory_space<vmem>> -> memref<168x256xf32, #tpu.memory_space<vmem>>
    tpu.enqueue_dma source(%dma_start3A_136 : memref<168x256xf32, #tpu.memory_space<vmem>>) target(%dma_start3A_134 : memref<168x256xf32, #tpu.memory_space<hbm>>) target_semaphore(%arg8 : memref<!tpu.dma_semaphore, #tpu.memory_space<semaphore_mem>>)
    %add3A_137 = arith.constant 3 : i32
    %add3A_138 = arith.addi %mul3A_2, %add3A_137 : i32
    %dma_start3A_139 = arith.constant 0 : i32
    %dma_start3A_140 = tpu.memref_slice %arg6[%squeeze3A_122, %dma_start3A_139] : memref<336x256xf32, #tpu.memory_space<vmem>> -> memref<168x256xf32, #tpu.memory_space<vmem>>
    %dma_start3A_141 = arith.constant 168 : i32
    %dma_start3A_142 = arith.constant 0 : i32
    %dma_start3A_143 = tpu.memref_slice %arg4[%add3A_138, %dma_start3A_141, %dma_start3A_142] : memref<1024x336x256xf32, #tpu.memory_space<hbm>> -> memref<1x168x256xf32, #tpu.memory_space<hbm>>
    %dma_start3A_144 = tpu.memref_squeeze %dma_start3A_143 : memref<1x168x256xf32, #tpu.memory_space<hbm>> -> memref<168x256xf32, #tpu.memory_space<hbm>>
    %dma_start3A_145 = arith.constant 168 : i32
    %dma_start3A_146 = arith.constant 0 : i32
    %dma_start3A_147 = tpu.memref_slice %arg4[%add3A_138, %dma_start3A_145, %dma_start3A_146] : memref<1024x336x256xf32, #tpu.memory_space<hbm>> -> memref<1x168x256xf32, #tpu.memory_space<hbm>>
    %dma_start3A_148 = tpu.memref_squeeze %dma_start3A_147 : memref<1x168x256xf32, #tpu.memory_space<hbm>> -> memref<168x256xf32, #tpu.memory_space<hbm>>
    %dma_start3A_149 = arith.constant 0 : i32
    %dma_start3A_150 = tpu.memref_slice %arg6[%squeeze3A_122, %dma_start3A_149] : memref<336x256xf32, #tpu.memory_space<vmem>> -> memref<168x256xf32, #tpu.memory_space<vmem>>
    tpu.enqueue_dma source(%dma_start3A_150 : memref<168x256xf32, #tpu.memory_space<vmem>>) target(%dma_start3A_148 : memref<168x256xf32, #tpu.memory_space<hbm>>) target_semaphore(%arg8 : memref<!tpu.dma_semaphore, #tpu.memory_space<semaphore_mem>>)
    %slice3A_151 = vector.extract_strided_slice %get3A_32 {offsets = [4], sizes = [1], strides = [1]} : vector<16xi32> to vector<1xi32>
    %squeeze3A_152 = vector.extract %slice3A_151[0] : i32 from vector<1xi32>
    %add3A_153 = arith.constant 4 : i32
    %add3A_154 = arith.addi %mul3A_2, %add3A_153 : i32
    %dma_start3A_155 = arith.constant 0 : i32
    %dma_start3A_156 = tpu.memref_slice %arg6[%squeeze3A_152, %dma_start3A_155] : memref<336x256xf32, #tpu.memory_space<vmem>> -> memref<168x256xf32, #tpu.memory_space<vmem>>
    %dma_start3A_157 = arith.constant 0 : i32
    %dma_start3A_158 = arith.constant 0 : i32
    %dma_start3A_159 = tpu.memref_slice %arg4[%add3A_154, %dma_start3A_157, %dma_start3A_158] : memref<1024x336x256xf32, #tpu.memory_space<hbm>> -> memref<1x168x256xf32, #tpu.memory_space<hbm>>
    %dma_start3A_160 = tpu.memref_squeeze %dma_start3A_159 : memref<1x168x256xf32, #tpu.memory_space<hbm>> -> memref<168x256xf32, #tpu.memory_space<hbm>>
    %dma_start3A_161 = arith.constant 0 : i32
    %dma_start3A_162 = arith.constant 0 : i32
    %dma_start3A_163 = tpu.memref_slice %arg4[%add3A_154, %dma_start3A_161, %dma_start3A_162] : memref<1024x336x256xf32, #tpu.memory_space<hbm>> -> memref<1x168x256xf32, #tpu.memory_space<hbm>>
    %dma_start3A_164 = tpu.memref_squeeze %dma_start3A_163 : memref<1x168x256xf32, #tpu.memory_space<hbm>> -> memref<168x256xf32, #tpu.memory_space<hbm>>
    %dma_start3A_165 = arith.constant 0 : i32
    %dma_start3A_166 = tpu.memref_slice %arg6[%squeeze3A_152, %dma_start3A_165] : memref<336x256xf32, #tpu.memory_space<vmem>> -> memref<168x256xf32, #tpu.memory_space<vmem>>
    tpu.enqueue_dma source(%dma_start3A_166 : memref<168x256xf32, #tpu.memory_space<vmem>>) target(%dma_start3A_164 : memref<168x256xf32, #tpu.memory_space<hbm>>) target_semaphore(%arg8 : memref<!tpu.dma_semaphore, #tpu.memory_space<semaphore_mem>>)
    %add3A_167 = arith.constant 4 : i32
    %add3A_168 = arith.addi %mul3A_2, %add3A_167 : i32
    %dma_start3A_169 = arith.constant 0 : i32
    %dma_start3A_170 = tpu.memref_slice %arg6[%squeeze3A_152, %dma_start3A_169] : memref<336x256xf32, #tpu.memory_space<vmem>> -> memref<168x256xf32, #tpu.memory_space<vmem>>
    %dma_start3A_171 = arith.constant 168 : i32
    %dma_start3A_172 = arith.constant 0 : i32
    %dma_start3A_173 = tpu.memref_slice %arg4[%add3A_168, %dma_start3A_171, %dma_start3A_172] : memref<1024x336x256xf32, #tpu.memory_space<hbm>> -> memref<1x168x256xf32, #tpu.memory_space<hbm>>
    %dma_start3A_174 = tpu.memref_squeeze %dma_start3A_173 : memref<1x168x256xf32, #tpu.memory_space<hbm>> -> memref<168x256xf32, #tpu.memory_space<hbm>>
    %dma_start3A_175 = arith.constant 168 : i32
    %dma_start3A_176 = arith.constant 0 : i32
    %dma_start3A_177 = tpu.memref_slice %arg4[%add3A_168, %dma_start3A_175, %dma_start3A_176] : memref<1024x336x256xf32, #tpu.memory_space<hbm>> -> memref<1x168x256xf32, #tpu.memory_space<hbm>>
    %dma_start3A_178 = tpu.memref_squeeze %dma_start3A_177 : memref<1x168x256xf32, #tpu.memory_space<hbm>> -> memref<168x256xf32, #tpu.memory_space<hbm>>
    %dma_start3A_179 = arith.constant 0 : i32
    %dma_start3A_180 = tpu.memref_slice %arg6[%squeeze3A_152, %dma_start3A_179] : memref<336x256xf32, #tpu.memory_space<vmem>> -> memref<168x256xf32, #tpu.memory_space<vmem>>
    tpu.enqueue_dma source(%dma_start3A_180 : memref<168x256xf32, #tpu.memory_space<vmem>>) target(%dma_start3A_178 : memref<168x256xf32, #tpu.memory_space<hbm>>) target_semaphore(%arg8 : memref<!tpu.dma_semaphore, #tpu.memory_space<semaphore_mem>>)
    %slice3A_181 = vector.extract_strided_slice %get3A_32 {offsets = [5], sizes = [1], strides = [1]} : vector<16xi32> to vector<1xi32>
    %squeeze3A_182 = vector.extract %slice3A_181[0] : i32 from vector<1xi32>
    %add3A_183 = arith.constant 5 : i32
    %add3A_184 = arith.addi %mul3A_2, %add3A_183 : i32
    %dma_start3A_185 = arith.constant 0 : i32
    %dma_start3A_186 = arith.constant 0 : i32
    %dma_start3A_187 = tpu.memref_slice %arg4[%add3A_184, %dma_start3A_185, %dma_start3A_186] : memref<1024x336x256xf32, #tpu.memory_space<hbm>> -> memref<1x336x256xf32, #tpu.memory_space<hbm>>
    %dma_start3A_188 = tpu.memref_squeeze %dma_start3A_187 : memref<1x336x256xf32, #tpu.memory_space<hbm>> -> memref<336x256xf32, #tpu.memory_space<hbm>>
    %dma_start3A_189 = arith.constant 0 : i32
    %dma_start3A_190 = tpu.memref_slice %arg7[%squeeze3A_182, %dma_start3A_189] : memref<504x256xf32, #tpu.memory_space<vmem_shared>> -> memref<336x256xf32, #tpu.memory_space<vmem_shared>>
    tpu.enqueue_dma source(%dma_start3A_190 : memref<336x256xf32, #tpu.memory_space<vmem_shared>>) target(%dma_start3A_188 : memref<336x256xf32, #tpu.memory_space<hbm>>) target_semaphore(%arg8 : memref<!tpu.dma_semaphore, #tpu.memory_space<semaphore_mem>>)
    %slice3A_191 = vector.extract_strided_slice %get3A_32 {offsets = [6], sizes = [1], strides = [1]} : vector<16xi32> to vector<1xi32>
    %squeeze3A_192 = vector.extract %slice3A_191[0] : i32 from vector<1xi32>
    %add3A_193 = arith.constant 6 : i32
    %add3A_194 = arith.addi %mul3A_2, %add3A_193 : i32
    %dma_start3A_195 = arith.constant 0 : i32
    %dma_start3A_196 = arith.constant 0 : i32
    %dma_start3A_197 = tpu.memref_slice %arg4[%add3A_194, %dma_start3A_195, %dma_start3A_196] : memref<1024x336x256xf32, #tpu.memory_space<hbm>> -> memref<1x336x256xf32, #tpu.memory_space<hbm>>
    %dma_start3A_198 = tpu.memref_squeeze %dma_start3A_197 : memref<1x336x256xf32, #tpu.memory_space<hbm>> -> memref<336x256xf32, #tpu.memory_space<hbm>>
    %dma_start3A_199 = arith.constant 0 : i32
    %dma_start3A_200 = tpu.memref_slice %arg7[%squeeze3A_192, %dma_start3A_199] : memref<504x256xf32, #tpu.memory_space<vmem_shared>> -> memref<336x256xf32, #tpu.memory_space<vmem_shared>>
    tpu.enqueue_dma source(%dma_start3A_200 : memref<336x256xf32, #tpu.memory_space<vmem_shared>>) target(%dma_start3A_198 : memref<336x256xf32, #tpu.memory_space<hbm>>) target_semaphore(%arg8 : memref<!tpu.dma_semaphore, #tpu.memory_space<semaphore_mem>>)
    %slice3A_201 = vector.extract_strided_slice %get3A_32 {offsets = [7], sizes = [1], strides = [1]} : vector<16xi32> to vector<1xi32>
    %squeeze3A_202 = vector.extract %slice3A_201[0] : i32 from vector<1xi32>
    %add3A_203 = arith.constant 7 : i32
    %add3A_204 = arith.addi %mul3A_2, %add3A_203 : i32
    %dma_start3A_205 = arith.constant 0 : i32
    %dma_start3A_206 = arith.constant 0 : i32
    %dma_start3A_207 = tpu.memref_slice %arg4[%add3A_204, %dma_start3A_205, %dma_start3A_206] : memref<1024x336x256xf32, #tpu.memory_space<hbm>> -> memref<1x336x256xf32, #tpu.memory_space<hbm>>
    %dma_start3A_208 = tpu.memref_squeeze %dma_start3A_207 : memref<1x336x256xf32, #tpu.memory_space<hbm>> -> memref<336x256xf32, #tpu.memory_space<hbm>>
    %dma_start3A_209 = arith.constant 0 : i32
    %dma_start3A_210 = tpu.memref_slice %arg7[%squeeze3A_202, %dma_start3A_209] : memref<504x256xf32, #tpu.memory_space<vmem_shared>> -> memref<336x256xf32, #tpu.memory_space<vmem_shared>>
    tpu.enqueue_dma source(%dma_start3A_210 : memref<336x256xf32, #tpu.memory_space<vmem_shared>>) target(%dma_start3A_208 : memref<336x256xf32, #tpu.memory_space<hbm>>) target_semaphore(%arg8 : memref<!tpu.dma_semaphore, #tpu.memory_space<semaphore_mem>>)
    %slice3A_211 = vector.extract_strided_slice %get3A_32 {offsets = [8], sizes = [1], strides = [1]} : vector<16xi32> to vector<1xi32>
    %squeeze3A_212 = vector.extract %slice3A_211[0] : i32 from vector<1xi32>
    %add3A_213 = arith.constant 8 : i32
    %add3A_214 = arith.addi %mul3A_2, %add3A_213 : i32
    %dma_start3A_215 = arith.constant 0 : i32
    %dma_start3A_216 = tpu.memref_slice %arg6[%squeeze3A_212, %dma_start3A_215] : memref<336x256xf32, #tpu.memory_space<vmem>> -> memref<168x256xf32, #tpu.memory_space<vmem>>
    %dma_start3A_217 = arith.constant 0 : i32
    %dma_start3A_218 = arith.constant 0 : i32
    %dma_start3A_219 = tpu.memref_slice %arg4[%add3A_214, %dma_start3A_217, %dma_start3A_218] : memref<1024x336x256xf32, #tpu.memory_space<hbm>> -> memref<1x168x256xf32, #tpu.memory_space<hbm>>
    %dma_start3A_220 = tpu.memref_squeeze %dma_start3A_219 : memref<1x168x256xf32, #tpu.memory_space<hbm>> -> memref<168x256xf32, #tpu.memory_space<hbm>>
    %dma_start3A_221 = arith.constant 0 : i32
    %dma_start3A_222 = arith.constant 0 : i32
    %dma_start3A_223 = tpu.memref_slice %arg4[%add3A_214, %dma_start3A_221, %dma_start3A_222] : memref<1024x336x256xf32, #tpu.memory_space<hbm>> -> memref<1x168x256xf32, #tpu.memory_space<hbm>>
    %dma_start3A_224 = tpu.memref_squeeze %dma_start3A_223 : memref<1x168x256xf32, #tpu.memory_space<hbm>> -> memref<168x256xf32, #tpu.memory_space<hbm>>
    %dma_start3A_225 = arith.constant 0 : i32
    %dma_start3A_226 = tpu.memref_slice %arg6[%squeeze3A_212, %dma_start3A_225] : memref<336x256xf32, #tpu.memory_space<vmem>> -> memref<168x256xf32, #tpu.memory_space<vmem>>
    tpu.enqueue_dma source(%dma_start3A_226 : memref<168x256xf32, #tpu.memory_space<vmem>>) target(%dma_start3A_224 : memref<168x256xf32, #tpu.memory_space<hbm>>) target_semaphore(%arg8 : memref<!tpu.dma_semaphore, #tpu.memory_space<semaphore_mem>>)
    %add3A_227 = arith.constant 8 : i32
    %add3A_228 = arith.addi %mul3A_2, %add3A_227 : i32
    %dma_start3A_229 = arith.constant 0 : i32
    %dma_start3A_230 = tpu.memref_slice %arg6[%squeeze3A_212, %dma_start3A_229] : memref<336x256xf32, #tpu.memory_space<vmem>> -> memref<168x256xf32, #tpu.memory_space<vmem>>
    %dma_start3A_231 = arith.constant 168 : i32
    %dma_start3A_232 = arith.constant 0 : i32
    %dma_start3A_233 = tpu.memref_slice %arg4[%add3A_228, %dma_start3A_231, %dma_start3A_232] : memref<1024x336x256xf32, #tpu.memory_space<hbm>> -> memref<1x168x256xf32, #tpu.memory_space<hbm>>
    %dma_start3A_234 = tpu.memref_squeeze %dma_start3A_233 : memref<1x168x256xf32, #tpu.memory_space<hbm>> -> memref<168x256xf32, #tpu.memory_space<hbm>>
    %dma_start3A_235 = arith.constant 168 : i32
    %dma_start3A_236 = arith.constant 0 : i32
    %dma_start3A_237 = tpu.memref_slice %arg4[%add3A_228, %dma_start3A_235, %dma_start3A_236] : memref<1024x336x256xf32, #tpu.memory_space<hbm>> -> memref<1x168x256xf32, #tpu.memory_space<hbm>>
    %dma_start3A_238 = tpu.memref_squeeze %dma_start3A_237 : memref<1x168x256xf32, #tpu.memory_space<hbm>> -> memref<168x256xf32, #tpu.memory_space<hbm>>
    %dma_start3A_239 = arith.constant 0 : i32
    %dma_start3A_240 = tpu.memref_slice %arg6[%squeeze3A_212, %dma_start3A_239] : memref<336x256xf32, #tpu.memory_space<vmem>> -> memref<168x256xf32, #tpu.memory_space<vmem>>
    tpu.enqueue_dma source(%dma_start3A_240 : memref<168x256xf32, #tpu.memory_space<vmem>>) target(%dma_start3A_238 : memref<168x256xf32, #tpu.memory_space<hbm>>) target_semaphore(%arg8 : memref<!tpu.dma_semaphore, #tpu.memory_space<semaphore_mem>>)
    %slice3A_241 = vector.extract_strided_slice %get3A_32 {offsets = [9], sizes = [1], strides = [1]} : vector<16xi32> to vector<1xi32>
    %squeeze3A_242 = vector.extract %slice3A_241[0] : i32 from vector<1xi32>
    %add3A_243 = arith.constant 9 : i32
    %add3A_244 = arith.addi %mul3A_2, %add3A_243 : i32
    %dma_start3A_245 = arith.constant 0 : i32
    %dma_start3A_246 = tpu.memref_slice %arg6[%squeeze3A_242, %dma_start3A_245] : memref<336x256xf32, #tpu.memory_space<vmem>> -> memref<168x256xf32, #tpu.memory_space<vmem>>
    %dma_start3A_247 = arith.constant 0 : i32
    %dma_start3A_248 = arith.constant 0 : i32
    %dma_start3A_249 = tpu.memref_slice %arg4[%add3A_244, %dma_start3A_247, %dma_start3A_248] : memref<1024x336x256xf32, #tpu.memory_space<hbm>> -> memref<1x168x256xf32, #tpu.memory_space<hbm>>
    %dma_start3A_250 = tpu.memref_squeeze %dma_start3A_249 : memref<1x168x256xf32, #tpu.memory_space<hbm>> -> memref<168x256xf32, #tpu.memory_space<hbm>>
    %dma_start3A_251 = arith.constant 0 : i32
    %dma_start3A_252 = arith.constant 0 : i32
    %dma_start3A_253 = tpu.memref_slice %arg4[%add3A_244, %dma_start3A_251, %dma_start3A_252] : memref<1024x336x256xf32, #tpu.memory_space<hbm>> -> memref<1x168x256xf32, #tpu.memory_space<hbm>>
    %dma_start3A_254 = tpu.memref_squeeze %dma_start3A_253 : memref<1x168x256xf32, #tpu.memory_space<hbm>> -> memref<168x256xf32, #tpu.memory_space<hbm>>
    %dma_start3A_255 = arith.constant 0 : i32
    %dma_start3A_256 = tpu.memref_slice %arg6[%squeeze3A_242, %dma_start3A_255] : memref<336x256xf32, #tpu.memory_space<vmem>> -> memref<168x256xf32, #tpu.memory_space<vmem>>
    tpu.enqueue_dma source(%dma_start3A_256 : memref<168x256xf32, #tpu.memory_space<vmem>>) target(%dma_start3A_254 : memref<168x256xf32, #tpu.memory_space<hbm>>) target_semaphore(%arg8 : memref<!tpu.dma_semaphore, #tpu.memory_space<semaphore_mem>>)
    %add3A_257 = arith.constant 9 : i32
    %add3A_258 = arith.addi %mul3A_2, %add3A_257 : i32
    %dma_start3A_259 = arith.constant 0 : i32
    %dma_start3A_260 = tpu.memref_slice %arg6[%squeeze3A_242, %dma_start3A_259] : memref<336x256xf32, #tpu.memory_space<vmem>> -> memref<168x256xf32, #tpu.memory_space<vmem>>
    %dma_start3A_261 = arith.constant 168 : i32
    %dma_start3A_262 = arith.constant 0 : i32
    %dma_start3A_263 = tpu.memref_slice %arg4[%add3A_258, %dma_start3A_261, %dma_start3A_262] : memref<1024x336x256xf32, #tpu.memory_space<hbm>> -> memref<1x168x256xf32, #tpu.memory_space<hbm>>
    %dma_start3A_264 = tpu.memref_squeeze %dma_start3A_263 : memref<1x168x256xf32, #tpu.memory_space<hbm>> -> memref<168x256xf32, #tpu.memory_space<hbm>>
    %dma_start3A_265 = arith.constant 168 : i32
    %dma_start3A_266 = arith.constant 0 : i32
    %dma_start3A_267 = tpu.memref_slice %arg4[%add3A_258, %dma_start3A_265, %dma_start3A_266] : memref<1024x336x256xf32, #tpu.memory_space<hbm>> -> memref<1x168x256xf32, #tpu.memory_space<hbm>>
    %dma_start3A_268 = tpu.memref_squeeze %dma_start3A_267 : memref<1x168x256xf32, #tpu.memory_space<hbm>> -> memref<168x256xf32, #tpu.memory_space<hbm>>
    %dma_start3A_269 = arith.constant 0 : i32
    %dma_start3A_270 = tpu.memref_slice %arg6[%squeeze3A_242, %dma_start3A_269] : memref<336x256xf32, #tpu.memory_space<vmem>> -> memref<168x256xf32, #tpu.memory_space<vmem>>
    tpu.enqueue_dma source(%dma_start3A_270 : memref<168x256xf32, #tpu.memory_space<vmem>>) target(%dma_start3A_268 : memref<168x256xf32, #tpu.memory_space<hbm>>) target_semaphore(%arg8 : memref<!tpu.dma_semaphore, #tpu.memory_space<semaphore_mem>>)
    %slice3A_271 = vector.extract_strided_slice %get3A_32 {offsets = [10], sizes = [1], strides = [1]} : vector<16xi32> to vector<1xi32>
    %squeeze3A_272 = vector.extract %slice3A_271[0] : i32 from vector<1xi32>
    %add3A_273 = arith.constant 10 : i32
    %add3A_274 = arith.addi %mul3A_2, %add3A_273 : i32
    %dma_start3A_275 = arith.constant 0 : i32
    %dma_start3A_276 = tpu.memref_slice %arg6[%squeeze3A_272, %dma_start3A_275] : memref<336x256xf32, #tpu.memory_space<vmem>> -> memref<168x256xf32, #tpu.memory_space<vmem>>
    %dma_start3A_277 = arith.constant 0 : i32
    %dma_start3A_278 = arith.constant 0 : i32
    %dma_start3A_279 = tpu.memref_slice %arg4[%add3A_274, %dma_start3A_277, %dma_start3A_278] : memref<1024x336x256xf32, #tpu.memory_space<hbm>> -> memref<1x168x256xf32, #tpu.memory_space<hbm>>
    %dma_start3A_280 = tpu.memref_squeeze %dma_start3A_279 : memref<1x168x256xf32, #tpu.memory_space<hbm>> -> memref<168x256xf32, #tpu.memory_space<hbm>>
    %dma_start3A_281 = arith.constant 0 : i32
    %dma_start3A_282 = arith.constant 0 : i32
    %dma_start3A_283 = tpu.memref_slice %arg4[%add3A_274, %dma_start3A_281, %dma_start3A_282] : memref<1024x336x256xf32, #tpu.memory_space<hbm>> -> memref<1x168x256xf32, #tpu.memory_space<hbm>>
    %dma_start3A_284 = tpu.memref_squeeze %dma_start3A_283 : memref<1x168x256xf32, #tpu.memory_space<hbm>> -> memref<168x256xf32, #tpu.memory_space<hbm>>
    %dma_start3A_285 = arith.constant 0 : i32
    %dma_start3A_286 = tpu.memref_slice %arg6[%squeeze3A_272, %dma_start3A_285] : memref<336x256xf32, #tpu.memory_space<vmem>> -> memref<168x256xf32, #tpu.memory_space<vmem>>
    tpu.enqueue_dma source(%dma_start3A_286 : memref<168x256xf32, #tpu.memory_space<vmem>>) target(%dma_start3A_284 : memref<168x256xf32, #tpu.memory_space<hbm>>) target_semaphore(%arg8 : memref<!tpu.dma_semaphore, #tpu.memory_space<semaphore_mem>>)
    %add3A_287 = arith.constant 10 : i32
    %add3A_288 = arith.addi %mul3A_2, %add3A_287 : i32
    %dma_start3A_289 = arith.constant 0 : i32
    %dma_start3A_290 = tpu.memref_slice %arg6[%squeeze3A_272, %dma_start3A_289] : memref<336x256xf32, #tpu.memory_space<vmem>> -> memref<168x256xf32, #tpu.memory_space<vmem>>
    %dma_start3A_291 = arith.constant 168 : i32
    %dma_start3A_292 = arith.constant 0 : i32
    %dma_start3A_293 = tpu.memref_slice %arg4[%add3A_288, %dma_start3A_291, %dma_start3A_292] : memref<1024x336x256xf32, #tpu.memory_space<hbm>> -> memref<1x168x256xf32, #tpu.memory_space<hbm>>
    %dma_start3A_294 = tpu.memref_squeeze %dma_start3A_293 : memref<1x168x256xf32, #tpu.memory_space<hbm>> -> memref<168x256xf32, #tpu.memory_space<hbm>>
    %dma_start3A_295 = arith.constant 168 : i32
    %dma_start3A_296 = arith.constant 0 : i32
    %dma_start3A_297 = tpu.memref_slice %arg4[%add3A_288, %dma_start3A_295, %dma_start3A_296] : memref<1024x336x256xf32, #tpu.memory_space<hbm>> -> memref<1x168x256xf32, #tpu.memory_space<hbm>>
    %dma_start3A_298 = tpu.memref_squeeze %dma_start3A_297 : memref<1x168x256xf32, #tpu.memory_space<hbm>> -> memref<168x256xf32, #tpu.memory_space<hbm>>
    %dma_start3A_299 = arith.constant 0 : i32
    %dma_start3A_300 = tpu.memref_slice %arg6[%squeeze3A_272, %dma_start3A_299] : memref<336x256xf32, #tpu.memory_space<vmem>> -> memref<168x256xf32, #tpu.memory_space<vmem>>
    tpu.enqueue_dma source(%dma_start3A_300 : memref<168x256xf32, #tpu.memory_space<vmem>>) target(%dma_start3A_298 : memref<168x256xf32, #tpu.memory_space<hbm>>) target_semaphore(%arg8 : memref<!tpu.dma_semaphore, #tpu.memory_space<semaphore_mem>>)
    %slice3A_301 = vector.extract_strided_slice %get3A_32 {offsets = [11], sizes = [1], strides = [1]} : vector<16xi32> to vector<1xi32>
    %squeeze3A_302 = vector.extract %slice3A_301[0] : i32 from vector<1xi32>
    %add3A_303 = arith.constant 11 : i32
    %add3A_304 = arith.addi %mul3A_2, %add3A_303 : i32
    %dma_start3A_305 = arith.constant 0 : i32
    %dma_start3A_306 = tpu.memref_slice %arg6[%squeeze3A_302, %dma_start3A_305] : memref<336x256xf32, #tpu.memory_space<vmem>> -> memref<168x256xf32, #tpu.memory_space<vmem>>
    %dma_start3A_307 = arith.constant 0 : i32
    %dma_start3A_308 = arith.constant 0 : i32
    %dma_start3A_309 = tpu.memref_slice %arg4[%add3A_304, %dma_start3A_307, %dma_start3A_308] : memref<1024x336x256xf32, #tpu.memory_space<hbm>> -> memref<1x168x256xf32, #tpu.memory_space<hbm>>
    %dma_start3A_310 = tpu.memref_squeeze %dma_start3A_309 : memref<1x168x256xf32, #tpu.memory_space<hbm>> -> memref<168x256xf32, #tpu.memory_space<hbm>>
    %dma_start3A_311 = arith.constant 0 : i32
    %dma_start3A_312 = arith.constant 0 : i32
    %dma_start3A_313 = tpu.memref_slice %arg4[%add3A_304, %dma_start3A_311, %dma_start3A_312] : memref<1024x336x256xf32, #tpu.memory_space<hbm>> -> memref<1x168x256xf32, #tpu.memory_space<hbm>>
    %dma_start3A_314 = tpu.memref_squeeze %dma_start3A_313 : memref<1x168x256xf32, #tpu.memory_space<hbm>> -> memref<168x256xf32, #tpu.memory_space<hbm>>
    %dma_start3A_315 = arith.constant 0 : i32
    %dma_start3A_316 = tpu.memref_slice %arg6[%squeeze3A_302, %dma_start3A_315] : memref<336x256xf32, #tpu.memory_space<vmem>> -> memref<168x256xf32, #tpu.memory_space<vmem>>
    tpu.enqueue_dma source(%dma_start3A_316 : memref<168x256xf32, #tpu.memory_space<vmem>>) target(%dma_start3A_314 : memref<168x256xf32, #tpu.memory_space<hbm>>) target_semaphore(%arg8 : memref<!tpu.dma_semaphore, #tpu.memory_space<semaphore_mem>>)
    %add3A_317 = arith.constant 11 : i32
    %add3A_318 = arith.addi %mul3A_2, %add3A_317 : i32
    %dma_start3A_319 = arith.constant 0 : i32
    %dma_start3A_320 = tpu.memref_slice %arg6[%squeeze3A_302, %dma_start3A_319] : memref<336x256xf32, #tpu.memory_space<vmem>> -> memref<168x256xf32, #tpu.memory_space<vmem>>
    %dma_start3A_321 = arith.constant 168 : i32
    %dma_start3A_322 = arith.constant 0 : i32
    %dma_start3A_323 = tpu.memref_slice %arg4[%add3A_318, %dma_start3A_321, %dma_start3A_322] : memref<1024x336x256xf32, #tpu.memory_space<hbm>> -> memref<1x168x256xf32, #tpu.memory_space<hbm>>
    %dma_start3A_324 = tpu.memref_squeeze %dma_start3A_323 : memref<1x168x256xf32, #tpu.memory_space<hbm>> -> memref<168x256xf32, #tpu.memory_space<hbm>>
    %dma_start3A_325 = arith.constant 168 : i32
    %dma_start3A_326 = arith.constant 0 : i32
    %dma_start3A_327 = tpu.memref_slice %arg4[%add3A_318, %dma_start3A_325, %dma_start3A_326] : memref<1024x336x256xf32, #tpu.memory_space<hbm>> -> memref<1x168x256xf32, #tpu.memory_space<hbm>>
    %dma_start3A_328 = tpu.memref_squeeze %dma_start3A_327 : memref<1x168x256xf32, #tpu.memory_space<hbm>> -> memref<168x256xf32, #tpu.memory_space<hbm>>
    %dma_start3A_329 = arith.constant 0 : i32
    %dma_start3A_330 = tpu.memref_slice %arg6[%squeeze3A_302, %dma_start3A_329] : memref<336x256xf32, #tpu.memory_space<vmem>> -> memref<168x256xf32, #tpu.memory_space<vmem>>
    tpu.enqueue_dma source(%dma_start3A_330 : memref<168x256xf32, #tpu.memory_space<vmem>>) target(%dma_start3A_328 : memref<168x256xf32, #tpu.memory_space<hbm>>) target_semaphore(%arg8 : memref<!tpu.dma_semaphore, #tpu.memory_space<semaphore_mem>>)
    %slice3A_331 = vector.extract_strided_slice %get3A_32 {offsets = [12], sizes = [1], strides = [1]} : vector<16xi32> to vector<1xi32>
    %squeeze3A_332 = vector.extract %slice3A_331[0] : i32 from vector<1xi32>
    %add3A_333 = arith.constant 12 : i32
    %add3A_334 = arith.addi %mul3A_2, %add3A_333 : i32
    %dma_start3A_335 = arith.constant 0 : i32
    %dma_start3A_336 = tpu.memref_slice %arg6[%squeeze3A_332, %dma_start3A_335] : memref<336x256xf32, #tpu.memory_space<vmem>> -> memref<168x256xf32, #tpu.memory_space<vmem>>
    %dma_start3A_337 = arith.constant 0 : i32
    %dma_start3A_338 = arith.constant 0 : i32
    %dma_start3A_339 = tpu.memref_slice %arg4[%add3A_334, %dma_start3A_337, %dma_start3A_338] : memref<1024x336x256xf32, #tpu.memory_space<hbm>> -> memref<1x168x256xf32, #tpu.memory_space<hbm>>
    %dma_start3A_340 = tpu.memref_squeeze %dma_start3A_339 : memref<1x168x256xf32, #tpu.memory_space<hbm>> -> memref<168x256xf32, #tpu.memory_space<hbm>>
    %dma_start3A_341 = arith.constant 0 : i32
    %dma_start3A_342 = arith.constant 0 : i32
    %dma_start3A_343 = tpu.memref_slice %arg4[%add3A_334, %dma_start3A_341, %dma_start3A_342] : memref<1024x336x256xf32, #tpu.memory_space<hbm>> -> memref<1x168x256xf32, #tpu.memory_space<hbm>>
    %dma_start3A_344 = tpu.memref_squeeze %dma_start3A_343 : memref<1x168x256xf32, #tpu.memory_space<hbm>> -> memref<168x256xf32, #tpu.memory_space<hbm>>
    %dma_start3A_345 = arith.constant 0 : i32
    %dma_start3A_346 = tpu.memref_slice %arg6[%squeeze3A_332, %dma_start3A_345] : memref<336x256xf32, #tpu.memory_space<vmem>> -> memref<168x256xf32, #tpu.memory_space<vmem>>
    tpu.enqueue_dma source(%dma_start3A_346 : memref<168x256xf32, #tpu.memory_space<vmem>>) target(%dma_start3A_344 : memref<168x256xf32, #tpu.memory_space<hbm>>) target_semaphore(%arg8 : memref<!tpu.dma_semaphore, #tpu.memory_space<semaphore_mem>>)
    %add3A_347 = arith.constant 12 : i32
    %add3A_348 = arith.addi %mul3A_2, %add3A_347 : i32
    %dma_start3A_349 = arith.constant 0 : i32
    %dma_start3A_350 = tpu.memref_slice %arg6[%squeeze3A_332, %dma_start3A_349] : memref<336x256xf32, #tpu.memory_space<vmem>> -> memref<168x256xf32, #tpu.memory_space<vmem>>
    %dma_start3A_351 = arith.constant 168 : i32
    %dma_start3A_352 = arith.constant 0 : i32
    %dma_start3A_353 = tpu.memref_slice %arg4[%add3A_348, %dma_start3A_351, %dma_start3A_352] : memref<1024x336x256xf32, #tpu.memory_space<hbm>> -> memref<1x168x256xf32, #tpu.memory_space<hbm>>
    %dma_start3A_354 = tpu.memref_squeeze %dma_start3A_353 : memref<1x168x256xf32, #tpu.memory_space<hbm>> -> memref<168x256xf32, #tpu.memory_space<hbm>>
    %dma_start3A_355 = arith.constant 168 : i32
    %dma_start3A_356 = arith.constant 0 : i32
    %dma_start3A_357 = tpu.memref_slice %arg4[%add3A_348, %dma_start3A_355, %dma_start3A_356] : memref<1024x336x256xf32, #tpu.memory_space<hbm>> -> memref<1x168x256xf32, #tpu.memory_space<hbm>>
    %dma_start3A_358 = tpu.memref_squeeze %dma_start3A_357 : memref<1x168x256xf32, #tpu.memory_space<hbm>> -> memref<168x256xf32, #tpu.memory_space<hbm>>
    %dma_start3A_359 = arith.constant 0 : i32
    %dma_start3A_360 = tpu.memref_slice %arg6[%squeeze3A_332, %dma_start3A_359] : memref<336x256xf32, #tpu.memory_space<vmem>> -> memref<168x256xf32, #tpu.memory_space<vmem>>
    tpu.enqueue_dma source(%dma_start3A_360 : memref<168x256xf32, #tpu.memory_space<vmem>>) target(%dma_start3A_358 : memref<168x256xf32, #tpu.memory_space<hbm>>) target_semaphore(%arg8 : memref<!tpu.dma_semaphore, #tpu.memory_space<semaphore_mem>>)
    %slice3A_361 = vector.extract_strided_slice %get3A_32 {offsets = [13], sizes = [1], strides = [1]} : vector<16xi32> to vector<1xi32>
    %squeeze3A_362 = vector.extract %slice3A_361[0] : i32 from vector<1xi32>
    %add3A_363 = arith.constant 13 : i32
    %add3A_364 = arith.addi %mul3A_2, %add3A_363 : i32
    %dma_start3A_365 = arith.constant 0 : i32
    %dma_start3A_366 = arith.constant 0 : i32
    %dma_start3A_367 = tpu.memref_slice %arg4[%add3A_364, %dma_start3A_365, %dma_start3A_366] : memref<1024x336x256xf32, #tpu.memory_space<hbm>> -> memref<1x336x256xf32, #tpu.memory_space<hbm>>
    %dma_start3A_368 = tpu.memref_squeeze %dma_start3A_367 : memref<1x336x256xf32, #tpu.memory_space<hbm>> -> memref<336x256xf32, #tpu.memory_space<hbm>>
    %dma_start3A_369 = arith.constant 0 : i32
    %dma_start3A_370 = tpu.memref_slice %arg7[%squeeze3A_362, %dma_start3A_369] : memref<504x256xf32, #tpu.memory_space<vmem_shared>> -> memref<336x256xf32, #tpu.memory_space<vmem_shared>>
    tpu.enqueue_dma source(%dma_start3A_370 : memref<336x256xf32, #tpu.memory_space<vmem_shared>>) target(%dma_start3A_368 : memref<336x256xf32, #tpu.memory_space<hbm>>) target_semaphore(%arg8 : memref<!tpu.dma_semaphore, #tpu.memory_space<semaphore_mem>>)
    %slice3A_371 = vector.extract_strided_slice %get3A_32 {offsets = [14], sizes = [1], strides = [1]} : vector<16xi32> to vector<1xi32>
    %squeeze3A_372 = vector.extract %slice3A_371[0] : i32 from vector<1xi32>
    %add3A_373 = arith.constant 14 : i32
    %add3A_374 = arith.addi %mul3A_2, %add3A_373 : i32
    %dma_start3A_375 = arith.constant 0 : i32
    %dma_start3A_376 = arith.constant 0 : i32
    %dma_start3A_377 = tpu.memref_slice %arg4[%add3A_374, %dma_start3A_375, %dma_start3A_376] : memref<1024x336x256xf32, #tpu.memory_space<hbm>> -> memref<1x336x256xf32, #tpu.memory_space<hbm>>
    %dma_start3A_378 = tpu.memref_squeeze %dma_start3A_377 : memref<1x336x256xf32, #tpu.memory_space<hbm>> -> memref<336x256xf32, #tpu.memory_space<hbm>>
    %dma_start3A_379 = arith.constant 0 : i32
    %dma_start3A_380 = tpu.memref_slice %arg7[%squeeze3A_372, %dma_start3A_379] : memref<504x256xf32, #tpu.memory_space<vmem_shared>> -> memref<336x256xf32, #tpu.memory_space<vmem_shared>>
    tpu.enqueue_dma source(%dma_start3A_380 : memref<336x256xf32, #tpu.memory_space<vmem_shared>>) target(%dma_start3A_378 : memref<336x256xf32, #tpu.memory_space<hbm>>) target_semaphore(%arg8 : memref<!tpu.dma_semaphore, #tpu.memory_space<semaphore_mem>>)
    %slice3A_381 = vector.extract_strided_slice %get3A_32 {offsets = [15], sizes = [1], strides = [1]} : vector<16xi32> to vector<1xi32>
    %squeeze3A_382 = vector.extract %slice3A_381[0] : i32 from vector<1xi32>
    %add3A_383 = arith.constant 15 : i32
    %add3A_384 = arith.addi %mul3A_2, %add3A_383 : i32
    %dma_start3A_385 = arith.constant 0 : i32
    %dma_start3A_386 = arith.constant 0 : i32
    %dma_start3A_387 = tpu.memref_slice %arg4[%add3A_384, %dma_start3A_385, %dma_start3A_386] : memref<1024x336x256xf32, #tpu.memory_space<hbm>> -> memref<1x336x256xf32, #tpu.memory_space<hbm>>
    %dma_start3A_388 = tpu.memref_squeeze %dma_start3A_387 : memref<1x336x256xf32, #tpu.memory_space<hbm>> -> memref<336x256xf32, #tpu.memory_space<hbm>>
    %dma_start3A_389 = arith.constant 0 : i32
    %dma_start3A_390 = tpu.memref_slice %arg7[%squeeze3A_382, %dma_start3A_389] : memref<504x256xf32, #tpu.memory_space<vmem_shared>> -> memref<336x256xf32, #tpu.memory_space<vmem_shared>>
    tpu.enqueue_dma source(%dma_start3A_390 : memref<336x256xf32, #tpu.memory_space<vmem_shared>>) target(%dma_start3A_388 : memref<336x256xf32, #tpu.memory_space<hbm>>) target_semaphore(%arg8 : memref<!tpu.dma_semaphore, #tpu.memory_space<semaphore_mem>>)
    %get3A_391 = arith.constant 16 : index
    %get3A_392 = tpu.vector_load %arg5[%get3A_391] {strides = array<i32>} : memref<32xi32, #tpu.memory_space<vmem>>, vector<16xi32>,
    %get3A_393 = vector.shape_cast %get3A_392 : vector<16xi32> to vector<16xi32>
    %slice3A_394 = vector.extract_strided_slice %get3A_393 {offsets = [0], sizes = [1], strides = [1]} : vector<16xi32> to vector<1xi32>
    %squeeze3A_395 = vector.extract %slice3A_394[0] : i32 from vector<1xi32>
    %add3A_396 = arith.constant 16 : i32
    %add3A_397 = arith.addi %mul3A_2, %add3A_396 : i32
    %dma_start3A_398 = arith.constant 0 : i32
    %dma_start3A_399 = tpu.memref_slice %arg6[%squeeze3A_395, %dma_start3A_398] : memref<336x256xf32, #tpu.memory_space<vmem>> -> memref<168x256xf32, #tpu.memory_space<vmem>>
    %dma_start3A_400 = arith.constant 0 : i32
    %dma_start3A_401 = arith.constant 0 : i32
    %dma_start3A_402 = tpu.memref_slice %arg4[%add3A_397, %dma_start3A_400, %dma_start3A_401] : memref<1024x336x256xf32, #tpu.memory_space<hbm>> -> memref<1x168x256xf32, #tpu.memory_space<hbm>>
    %dma_start3A_403 = tpu.memref_squeeze %dma_start3A_402 : memref<1x168x256xf32, #tpu.memory_space<hbm>> -> memref<168x256xf32, #tpu.memory_space<hbm>>
    %dma_start3A_404 = arith.constant 0 : i32
    %dma_start3A_405 = arith.constant 0 : i32
    %dma_start3A_406 = tpu.memref_slice %arg4[%add3A_397, %dma_start3A_404, %dma_start3A_405] : memref<1024x336x256xf32, #tpu.memory_space<hbm>> -> memref<1x168x256xf32, #tpu.memory_space<hbm>>
    %dma_start3A_407 = tpu.memref_squeeze %dma_start3A_406 : memref<1x168x256xf32, #tpu.memory_space<hbm>> -> memref<168x256xf32, #tpu.memory_space<hbm>>
    %dma_start3A_408 = arith.constant 0 : i32
    %dma_start3A_409 = tpu.memref_slice %arg6[%squeeze3A_395, %dma_start3A_408] : memref<336x256xf32, #tpu.memory_space<vmem>> -> memref<168x256xf32, #tpu.memory_space<vmem>>
    tpu.enqueue_dma source(%dma_start3A_409 : memref<168x256xf32, #tpu.memory_space<vmem>>) target(%dma_start3A_407 : memref<168x256xf32, #tpu.memory_space<hbm>>) target_semaphore(%arg8 : memref<!tpu.dma_semaphore, #tpu.memory_space<semaphore_mem>>)
    %add3A_410 = arith.constant 16 : i32
    %add3A_411 = arith.addi %mul3A_2, %add3A_410 : i32
    %dma_start3A_412 = arith.constant 0 : i32
    %dma_start3A_413 = tpu.memref_slice %arg6[%squeeze3A_395, %dma_start3A_412] : memref<336x256xf32, #tpu.memory_space<vmem>> -> memref<168x256xf32, #tpu.memory_space<vmem>>
    %dma_start3A_414 = arith.constant 168 : i32
    %dma_start3A_415 = arith.constant 0 : i32
    %dma_start3A_416 = tpu.memref_slice %arg4[%add3A_411, %dma_start3A_414, %dma_start3A_415] : memref<1024x336x256xf32, #tpu.memory_space<hbm>> -> memref<1x168x256xf32, #tpu.memory_space<hbm>>
    %dma_start3A_417 = tpu.memref_squeeze %dma_start3A_416 : memref<1x168x256xf32, #tpu.memory_space<hbm>> -> memref<168x256xf32, #tpu.memory_space<hbm>>
    %dma_start3A_418 = arith.constant 168 : i32
    %dma_start3A_419 = arith.constant 0 : i32
    %dma_start3A_420 = tpu.memref_slice %arg4[%add3A_411, %dma_start3A_418, %dma_start3A_419] : memref<1024x336x256xf32, #tpu.memory_space<hbm>> -> memref<1x168x256xf32, #tpu.memory_space<hbm>>
    %dma_start3A_421 = tpu.memref_squeeze %dma_start3A_420 : memref<1x168x256xf32, #tpu.memory_space<hbm>> -> memref<168x256xf32, #tpu.memory_space<hbm>>
    %dma_start3A_422 = arith.constant 0 : i32
    %dma_start3A_423 = tpu.memref_slice %arg6[%squeeze3A_395, %dma_start3A_422] : memref<336x256xf32, #tpu.memory_space<vmem>> -> memref<168x256xf32, #tpu.memory_space<vmem>>
    tpu.enqueue_dma source(%dma_start3A_423 : memref<168x256xf32, #tpu.memory_space<vmem>>) target(%dma_start3A_421 : memref<168x256xf32, #tpu.memory_space<hbm>>) target_semaphore(%arg8 : memref<!tpu.dma_semaphore, #tpu.memory_space<semaphore_mem>>)
    %slice3A_424 = vector.extract_strided_slice %get3A_393 {offsets = [1], sizes = [1], strides = [1]} : vector<16xi32> to vector<1xi32>
    %squeeze3A_425 = vector.extract %slice3A_424[0] : i32 from vector<1xi32>
    %add3A_426 = arith.constant 17 : i32
    %add3A_427 = arith.addi %mul3A_2, %add3A_426 : i32
    %dma_start3A_428 = arith.constant 0 : i32
    %dma_start3A_429 = tpu.memref_slice %arg6[%squeeze3A_425, %dma_start3A_428] : memref<336x256xf32, #tpu.memory_space<vmem>> -> memref<168x256xf32, #tpu.memory_space<vmem>>
    %dma_start3A_430 = arith.constant 0 : i32
    %dma_start3A_431 = arith.constant 0 : i32
    %dma_start3A_432 = tpu.memref_slice %arg4[%add3A_427, %dma_start3A_430, %dma_start3A_431] : memref<1024x336x256xf32, #tpu.memory_space<hbm>> -> memref<1x168x256xf32, #tpu.memory_space<hbm>>
    %dma_start3A_433 = tpu.memref_squeeze %dma_start3A_432 : memref<1x168x256xf32, #tpu.memory_space<hbm>> -> memref<168x256xf32, #tpu.memory_space<hbm>>
    %dma_start3A_434 = arith.constant 0 : i32
    %dma_start3A_435 = arith.constant 0 : i32
    %dma_start3A_436 = tpu.memref_slice %arg4[%add3A_427, %dma_start3A_434, %dma_start3A_435] : memref<1024x336x256xf32, #tpu.memory_space<hbm>> -> memref<1x168x256xf32, #tpu.memory_space<hbm>>
    %dma_start3A_437 = tpu.memref_squeeze %dma_start3A_436 : memref<1x168x256xf32, #tpu.memory_space<hbm>> -> memref<168x256xf32, #tpu.memory_space<hbm>>
    %dma_start3A_438 = arith.constant 0 : i32
    %dma_start3A_439 = tpu.memref_slice %arg6[%squeeze3A_425, %dma_start3A_438] : memref<336x256xf32, #tpu.memory_space<vmem>> -> memref<168x256xf32, #tpu.memory_space<vmem>>
    tpu.enqueue_dma source(%dma_start3A_439 : memref<168x256xf32, #tpu.memory_space<vmem>>) target(%dma_start3A_437 : memref<168x256xf32, #tpu.memory_space<hbm>>) target_semaphore(%arg8 : memref<!tpu.dma_semaphore, #tpu.memory_space<semaphore_mem>>)
    %add3A_440 = arith.constant 17 : i32
    %add3A_441 = arith.addi %mul3A_2, %add3A_440 : i32
    %dma_start3A_442 = arith.constant 0 : i32
    %dma_start3A_443 = tpu.memref_slice %arg6[%squeeze3A_425, %dma_start3A_442] : memref<336x256xf32, #tpu.memory_space<vmem>> -> memref<168x256xf32, #tpu.memory_space<vmem>>
    %dma_start3A_444 = arith.constant 168 : i32
    %dma_start3A_445 = arith.constant 0 : i32
    %dma_start3A_446 = tpu.memref_slice %arg4[%add3A_441, %dma_start3A_444, %dma_start3A_445] : memref<1024x336x256xf32, #tpu.memory_space<hbm>> -> memref<1x168x256xf32, #tpu.memory_space<hbm>>
    %dma_start3A_447 = tpu.memref_squeeze %dma_start3A_446 : memref<1x168x256xf32, #tpu.memory_space<hbm>> -> memref<168x256xf32, #tpu.memory_space<hbm>>
    %dma_start3A_448 = arith.constant 168 : i32
    %dma_start3A_449 = arith.constant 0 : i32
    %dma_start3A_450 = tpu.memref_slice %arg4[%add3A_441, %dma_start3A_448, %dma_start3A_449] : memref<1024x336x256xf32, #tpu.memory_space<hbm>> -> memref<1x168x256xf32, #tpu.memory_space<hbm>>
    %dma_start3A_451 = tpu.memref_squeeze %dma_start3A_450 : memref<1x168x256xf32, #tpu.memory_space<hbm>> -> memref<168x256xf32, #tpu.memory_space<hbm>>
    %dma_start3A_452 = arith.constant 0 : i32
    %dma_start3A_453 = tpu.memref_slice %arg6[%squeeze3A_425, %dma_start3A_452] : memref<336x256xf32, #tpu.memory_space<vmem>> -> memref<168x256xf32, #tpu.memory_space<vmem>>
    tpu.enqueue_dma source(%dma_start3A_453 : memref<168x256xf32, #tpu.memory_space<vmem>>) target(%dma_start3A_451 : memref<168x256xf32, #tpu.memory_space<hbm>>) target_semaphore(%arg8 : memref<!tpu.dma_semaphore, #tpu.memory_space<semaphore_mem>>)
    %slice3A_454 = vector.extract_strided_slice %get3A_393 {offsets = [2], sizes = [1], strides = [1]} : vector<16xi32> to vector<1xi32>
    %squeeze3A_455 = vector.extract %slice3A_454[0] : i32 from vector<1xi32>
    %add3A_456 = arith.constant 18 : i32
    %add3A_457 = arith.addi %mul3A_2, %add3A_456 : i32
    %dma_start3A_458 = arith.constant 0 : i32
    %dma_start3A_459 = tpu.memref_slice %arg6[%squeeze3A_455, %dma_start3A_458] : memref<336x256xf32, #tpu.memory_space<vmem>> -> memref<168x256xf32, #tpu.memory_space<vmem>>
    %dma_start3A_460 = arith.constant 0 : i32
    %dma_start3A_461 = arith.constant 0 : i32
    %dma_start3A_462 = tpu.memref_slice %arg4[%add3A_457, %dma_start3A_460, %dma_start3A_461] : memref<1024x336x256xf32, #tpu.memory_space<hbm>> -> memref<1x168x256xf32, #tpu.memory_space<hbm>>
    %dma_start3A_463 = tpu.memref_squeeze %dma_start3A_462 : memref<1x168x256xf32, #tpu.memory_space<hbm>> -> memref<168x256xf32, #tpu.memory_space<hbm>>
    %dma_start3A_464 = arith.constant 0 : i32
    %dma_start3A_465 = arith.constant 0 : i32
    %dma_start3A_466 = tpu.memref_slice %arg4[%add3A_457, %dma_start3A_464, %dma_start3A_465] : memref<1024x336x256xf32, #tpu.memory_space<hbm>> -> memref<1x168x256xf32, #tpu.memory_space<hbm>>
    %dma_start3A_467 = tpu.memref_squeeze %dma_start3A_466 : memref<1x168x256xf32, #tpu.memory_space<hbm>> -> memref<168x256xf32, #tpu.memory_space<hbm>>
    %dma_start3A_468 = arith.constant 0 : i32
    %dma_start3A_469 = tpu.memref_slice %arg6[%squeeze3A_455, %dma_start3A_468] : memref<336x256xf32, #tpu.memory_space<vmem>> -> memref<168x256xf32, #tpu.memory_space<vmem>>
    tpu.enqueue_dma source(%dma_start3A_469 : memref<168x256xf32, #tpu.memory_space<vmem>>) target(%dma_start3A_467 : memref<168x256xf32, #tpu.memory_space<hbm>>) target_semaphore(%arg8 : memref<!tpu.dma_semaphore, #tpu.memory_space<semaphore_mem>>)
    %add3A_470 = arith.constant 18 : i32
    %add3A_471 = arith.addi %mul3A_2, %add3A_470 : i32
    %dma_start3A_472 = arith.constant 0 : i32
    %dma_start3A_473 = tpu.memref_slice %arg6[%squeeze3A_455, %dma_start3A_472] : memref<336x256xf32, #tpu.memory_space<vmem>> -> memref<168x256xf32, #tpu.memory_space<vmem>>
    %dma_start3A_474 = arith.constant 168 : i32
    %dma_start3A_475 = arith.constant 0 : i32
    %dma_start3A_476 = tpu.memref_slice %arg4[%add3A_471, %dma_start3A_474, %dma_start3A_475] : memref<1024x336x256xf32, #tpu.memory_space<hbm>> -> memref<1x168x256xf32, #tpu.memory_space<hbm>>
    %dma_start3A_477 = tpu.memref_squeeze %dma_start3A_476 : memref<1x168x256xf32, #tpu.memory_space<hbm>> -> memref<168x256xf32, #tpu.memory_space<hbm>>
    %dma_start3A_478 = arith.constant 168 : i32
    %dma_start3A_479 = arith.constant 0 : i32
    %dma_start3A_480 = tpu.memref_slice %arg4[%add3A_471, %dma_start3A_478, %dma_start3A_479] : memref<1024x336x256xf32, #tpu.memory_space<hbm>> -> memref<1x168x256xf32, #tpu.memory_space<hbm>>
    %dma_start3A_481 = tpu.memref_squeeze %dma_start3A_480 : memref<1x168x256xf32, #tpu.memory_space<hbm>> -> memref<168x256xf32, #tpu.memory_space<hbm>>
    %dma_start3A_482 = arith.constant 0 : i32
    %dma_start3A_483 = tpu.memref_slice %arg6[%squeeze3A_455, %dma_start3A_482] : memref<336x256xf32, #tpu.memory_space<vmem>> -> memref<168x256xf32, #tpu.memory_space<vmem>>
    tpu.enqueue_dma source(%dma_start3A_483 : memref<168x256xf32, #tpu.memory_space<vmem>>) target(%dma_start3A_481 : memref<168x256xf32, #tpu.memory_space<hbm>>) target_semaphore(%arg8 : memref<!tpu.dma_semaphore, #tpu.memory_space<semaphore_mem>>)
    %slice3A_484 = vector.extract_strided_slice %get3A_393 {offsets = [3], sizes = [1], strides = [1]} : vector<16xi32> to vector<1xi32>
    %squeeze3A_485 = vector.extract %slice3A_484[0] : i32 from vector<1xi32>
    %add3A_486 = arith.constant 19 : i32
    %add3A_487 = arith.addi %mul3A_2, %add3A_486 : i32
    %dma_start3A_488 = arith.constant 0 : i32
    %dma_start3A_489 = tpu.memref_slice %arg6[%squeeze3A_485, %dma_start3A_488] : memref<336x256xf32, #tpu.memory_space<vmem>> -> memref<168x256xf32, #tpu.memory_space<vmem>>
    %dma_start3A_490 = arith.constant 0 : i32
    %dma_start3A_491 = arith.constant 0 : i32
    %dma_start3A_492 = tpu.memref_slice %arg4[%add3A_487, %dma_start3A_490, %dma_start3A_491] : memref<1024x336x256xf32, #tpu.memory_space<hbm>> -> memref<1x168x256xf32, #tpu.memory_space<hbm>>
    %dma_start3A_493 = tpu.memref_squeeze %dma_start3A_492 : memref<1x168x256xf32, #tpu.memory_space<hbm>> -> memref<168x256xf32, #tpu.memory_space<hbm>>
    %dma_start3A_494 = arith.constant 0 : i32
    %dma_start3A_495 = arith.constant 0 : i32
    %dma_start3A_496 = tpu.memref_slice %arg4[%add3A_487, %dma_start3A_494, %dma_start3A_495] : memref<1024x336x256xf32, #tpu.memory_space<hbm>> -> memref<1x168x256xf32, #tpu.memory_space<hbm>>
    %dma_start3A_497 = tpu.memref_squeeze %dma_start3A_496 : memref<1x168x256xf32, #tpu.memory_space<hbm>> -> memref<168x256xf32, #tpu.memory_space<hbm>>
    %dma_start3A_498 = arith.constant 0 : i32
    %dma_start3A_499 = tpu.memref_slice %arg6[%squeeze3A_485, %dma_start3A_498] : memref<336x256xf32, #tpu.memory_space<vmem>> -> memref<168x256xf32, #tpu.memory_space<vmem>>
    tpu.enqueue_dma source(%dma_start3A_499 : memref<168x256xf32, #tpu.memory_space<vmem>>) target(%dma_start3A_497 : memref<168x256xf32, #tpu.memory_space<hbm>>) target_semaphore(%arg8 : memref<!tpu.dma_semaphore, #tpu.memory_space<semaphore_mem>>)
    %add3A_500 = arith.constant 19 : i32
    %add3A_501 = arith.addi %mul3A_2, %add3A_500 : i32
    %dma_start3A_502 = arith.constant 0 : i32
    %dma_start3A_503 = tpu.memref_slice %arg6[%squeeze3A_485, %dma_start3A_502] : memref<336x256xf32, #tpu.memory_space<vmem>> -> memref<168x256xf32, #tpu.memory_space<vmem>>
    %dma_start3A_504 = arith.constant 168 : i32
    %dma_start3A_505 = arith.constant 0 : i32
    %dma_start3A_506 = tpu.memref_slice %arg4[%add3A_501, %dma_start3A_504, %dma_start3A_505] : memref<1024x336x256xf32, #tpu.memory_space<hbm>> -> memref<1x168x256xf32, #tpu.memory_space<hbm>>
    %dma_start3A_507 = tpu.memref_squeeze %dma_start3A_506 : memref<1x168x256xf32, #tpu.memory_space<hbm>> -> memref<168x256xf32, #tpu.memory_space<hbm>>
    %dma_start3A_508 = arith.constant 168 : i32
    %dma_start3A_509 = arith.constant 0 : i32
    %dma_start3A_510 = tpu.memref_slice %arg4[%add3A_501, %dma_start3A_508, %dma_start3A_509] : memref<1024x336x256xf32, #tpu.memory_space<hbm>> -> memref<1x168x256xf32, #tpu.memory_space<hbm>>
    %dma_start3A_511 = tpu.memref_squeeze %dma_start3A_510 : memref<1x168x256xf32, #tpu.memory_space<hbm>> -> memref<168x256xf32, #tpu.memory_space<hbm>>
    %dma_start3A_512 = arith.constant 0 : i32
    %dma_start3A_513 = tpu.memref_slice %arg6[%squeeze3A_485, %dma_start3A_512] : memref<336x256xf32, #tpu.memory_space<vmem>> -> memref<168x256xf32, #tpu.memory_space<vmem>>
    tpu.enqueue_dma source(%dma_start3A_513 : memref<168x256xf32, #tpu.memory_space<vmem>>) target(%dma_start3A_511 : memref<168x256xf32, #tpu.memory_space<hbm>>) target_semaphore(%arg8 : memref<!tpu.dma_semaphore, #tpu.memory_space<semaphore_mem>>)
    %slice3A_514 = vector.extract_strided_slice %get3A_393 {offsets = [4], sizes = [1], strides = [1]} : vector<16xi32> to vector<1xi32>
    %squeeze3A_515 = vector.extract %slice3A_514[0] : i32 from vector<1xi32>
    %add3A_516 = arith.constant 20 : i32
    %add3A_517 = arith.addi %mul3A_2, %add3A_516 : i32
    %dma_start3A_518 = arith.constant 0 : i32
    %dma_start3A_519 = tpu.memref_slice %arg6[%squeeze3A_515, %dma_start3A_518] : memref<336x256xf32, #tpu.memory_space<vmem>> -> memref<168x256xf32, #tpu.memory_space<vmem>>
    %dma_start3A_520 = arith.constant 0 : i32
    %dma_start3A_521 = arith.constant 0 : i32
    %dma_start3A_522 = tpu.memref_slice %arg4[%add3A_517, %dma_start3A_520, %dma_start3A_521] : memref<1024x336x256xf32, #tpu.memory_space<hbm>> -> memref<1x168x256xf32, #tpu.memory_space<hbm>>
    %dma_start3A_523 = tpu.memref_squeeze %dma_start3A_522 : memref<1x168x256xf32, #tpu.memory_space<hbm>> -> memref<168x256xf32, #tpu.memory_space<hbm>>
    %dma_start3A_524 = arith.constant 0 : i32
    %dma_start3A_525 = arith.constant 0 : i32
    %dma_start3A_526 = tpu.memref_slice %arg4[%add3A_517, %dma_start3A_524, %dma_start3A_525] : memref<1024x336x256xf32, #tpu.memory_space<hbm>> -> memref<1x168x256xf32, #tpu.memory_space<hbm>>
    %dma_start3A_527 = tpu.memref_squeeze %dma_start3A_526 : memref<1x168x256xf32, #tpu.memory_space<hbm>> -> memref<168x256xf32, #tpu.memory_space<hbm>>
    %dma_start3A_528 = arith.constant 0 : i32
    %dma_start3A_529 = tpu.memref_slice %arg6[%squeeze3A_515, %dma_start3A_528] : memref<336x256xf32, #tpu.memory_space<vmem>> -> memref<168x256xf32, #tpu.memory_space<vmem>>
    tpu.enqueue_dma source(%dma_start3A_529 : memref<168x256xf32, #tpu.memory_space<vmem>>) target(%dma_start3A_527 : memref<168x256xf32, #tpu.memory_space<hbm>>) target_semaphore(%arg8 : memref<!tpu.dma_semaphore, #tpu.memory_space<semaphore_mem>>)
    %add3A_530 = arith.constant 20 : i32
    %add3A_531 = arith.addi %mul3A_2, %add3A_530 : i32
    %dma_start3A_532 = arith.constant 0 : i32
    %dma_start3A_533 = tpu.memref_slice %arg6[%squeeze3A_515, %dma_start3A_532] : memref<336x256xf32, #tpu.memory_space<vmem>> -> memref<168x256xf32, #tpu.memory_space<vmem>>
    %dma_start3A_534 = arith.constant 168 : i32
    %dma_start3A_535 = arith.constant 0 : i32
    %dma_start3A_536 = tpu.memref_slice %arg4[%add3A_531, %dma_start3A_534, %dma_start3A_535] : memref<1024x336x256xf32, #tpu.memory_space<hbm>> -> memref<1x168x256xf32, #tpu.memory_space<hbm>>
    %dma_start3A_537 = tpu.memref_squeeze %dma_start3A_536 : memref<1x168x256xf32, #tpu.memory_space<hbm>> -> memref<168x256xf32, #tpu.memory_space<hbm>>
    %dma_start3A_538 = arith.constant 168 : i32
    %dma_start3A_539 = arith.constant 0 : i32
    %dma_start3A_540 = tpu.memref_slice %arg4[%add3A_531, %dma_start3A_538, %dma_start3A_539] : memref<1024x336x256xf32, #tpu.memory_space<hbm>> -> memref<1x168x256xf32, #tpu.memory_space<hbm>>
    %dma_start3A_541 = tpu.memref_squeeze %dma_start3A_540 : memref<1x168x256xf32, #tpu.memory_space<hbm>> -> memref<168x256xf32, #tpu.memory_space<hbm>>
    %dma_start3A_542 = arith.constant 0 : i32
    %dma_start3A_543 = tpu.memref_slice %arg6[%squeeze3A_515, %dma_start3A_542] : memref<336x256xf32, #tpu.memory_space<vmem>> -> memref<168x256xf32, #tpu.memory_space<vmem>>
    tpu.enqueue_dma source(%dma_start3A_543 : memref<168x256xf32, #tpu.memory_space<vmem>>) target(%dma_start3A_541 : memref<168x256xf32, #tpu.memory_space<hbm>>) target_semaphore(%arg8 : memref<!tpu.dma_semaphore, #tpu.memory_space<semaphore_mem>>)
    %slice3A_544 = vector.extract_strided_slice %get3A_393 {offsets = [5], sizes = [1], strides = [1]} : vector<16xi32> to vector<1xi32>
    %squeeze3A_545 = vector.extract %slice3A_544[0] : i32 from vector<1xi32>
    %add3A_546 = arith.constant 21 : i32
    %add3A_547 = arith.addi %mul3A_2, %add3A_546 : i32
    %dma_start3A_548 = arith.constant 0 : i32
    %dma_start3A_549 = arith.constant 0 : i32
    %dma_start3A_550 = tpu.memref_slice %arg4[%add3A_547, %dma_start3A_548, %dma_start3A_549] : memref<1024x336x256xf32, #tpu.memory_space<hbm>> -> memref<1x336x256xf32, #tpu.memory_space<hbm>>
    %dma_start3A_551 = tpu.memref_squeeze %dma_start3A_550 : memref<1x336x256xf32, #tpu.memory_space<hbm>> -> memref<336x256xf32, #tpu.memory_space<hbm>>
    %dma_start3A_552 = arith.constant 0 : i32
    %dma_start3A_553 = tpu.memref_slice %arg7[%squeeze3A_545, %dma_start3A_552] : memref<504x256xf32, #tpu.memory_space<vmem_shared>> -> memref<336x256xf32, #tpu.memory_space<vmem_shared>>
    tpu.enqueue_dma source(%dma_start3A_553 : memref<336x256xf32, #tpu.memory_space<vmem_shared>>) target(%dma_start3A_551 : memref<336x256xf32, #tpu.memory_space<hbm>>) target_semaphore(%arg8 : memref<!tpu.dma_semaphore, #tpu.memory_space<semaphore_mem>>)
    %slice3A_554 = vector.extract_strided_slice %get3A_393 {offsets = [6], sizes = [1], strides = [1]} : vector<16xi32> to vector<1xi32>
    %squeeze3A_555 = vector.extract %slice3A_554[0] : i32 from vector<1xi32>
    %add3A_556 = arith.constant 22 : i32
    %add3A_557 = arith.addi %mul3A_2, %add3A_556 : i32
    %dma_start3A_558 = arith.constant 0 : i32
    %dma_start3A_559 = arith.constant 0 : i32
    %dma_start3A_560 = tpu.memref_slice %arg4[%add3A_557, %dma_start3A_558, %dma_start3A_559] : memref<1024x336x256xf32, #tpu.memory_space<hbm>> -> memref<1x336x256xf32, #tpu.memory_space<hbm>>
    %dma_start3A_561 = tpu.memref_squeeze %dma_start3A_560 : memref<1x336x256xf32, #tpu.memory_space<hbm>> -> memref<336x256xf32, #tpu.memory_space<hbm>>
    %dma_start3A_562 = arith.constant 0 : i32
    %dma_start3A_563 = tpu.memref_slice %arg7[%squeeze3A_555, %dma_start3A_562] : memref<504x256xf32, #tpu.memory_space<vmem_shared>> -> memref<336x256xf32, #tpu.memory_space<vmem_shared>>
    tpu.enqueue_dma source(%dma_start3A_563 : memref<336x256xf32, #tpu.memory_space<vmem_shared>>) target(%dma_start3A_561 : memref<336x256xf32, #tpu.memory_space<hbm>>) target_semaphore(%arg8 : memref<!tpu.dma_semaphore, #tpu.memory_space<semaphore_mem>>)
    %slice3A_564 = vector.extract_strided_slice %get3A_393 {offsets = [7], sizes = [1], strides = [1]} : vector<16xi32> to vector<1xi32>
    %squeeze3A_565 = vector.extract %slice3A_564[0] : i32 from vector<1xi32>
    %add3A_566 = arith.constant 23 : i32
    %add3A_567 = arith.addi %mul3A_2, %add3A_566 : i32
    %dma_start3A_568 = arith.constant 0 : i32
    %dma_start3A_569 = arith.constant 0 : i32
    %dma_start3A_570 = tpu.memref_slice %arg4[%add3A_567, %dma_start3A_568, %dma_start3A_569] : memref<1024x336x256xf32, #tpu.memory_space<hbm>> -> memref<1x336x256xf32, #tpu.memory_space<hbm>>
    %dma_start3A_571 = tpu.memref_squeeze %dma_start3A_570 : memref<1x336x256xf32, #tpu.memory_space<hbm>> -> memref<336x256xf32, #tpu.memory_space<hbm>>
    %dma_start3A_572 = arith.constant 0 : i32
    %dma_start3A_573 = tpu.memref_slice %arg7[%squeeze3A_565, %dma_start3A_572] : memref<504x256xf32, #tpu.memory_space<vmem_shared>> -> memref<336x256xf32, #tpu.memory_space<vmem_shared>>
    tpu.enqueue_dma source(%dma_start3A_573 : memref<336x256xf32, #tpu.memory_space<vmem_shared>>) target(%dma_start3A_571 : memref<336x256xf32, #tpu.memory_space<hbm>>) target_semaphore(%arg8 : memref<!tpu.dma_semaphore, #tpu.memory_space<semaphore_mem>>)
    %slice3A_574 = vector.extract_strided_slice %get3A_393 {offsets = [8], sizes = [1], strides = [1]} : vector<16xi32> to vector<1xi32>
    %squeeze3A_575 = vector.extract %slice3A_574[0] : i32 from vector<1xi32>
    %add3A_576 = arith.constant 24 : i32
    %add3A_577 = arith.addi %mul3A_2, %add3A_576 : i32
    %dma_start3A_578 = arith.constant 0 : i32
    %dma_start3A_579 = tpu.memref_slice %arg6[%squeeze3A_575, %dma_start3A_578] : memref<336x256xf32, #tpu.memory_space<vmem>> -> memref<168x256xf32, #tpu.memory_space<vmem>>
    %dma_start3A_580 = arith.constant 0 : i32
    %dma_start3A_581 = arith.constant 0 : i32
    %dma_start3A_582 = tpu.memref_slice %arg4[%add3A_577, %dma_start3A_580, %dma_start3A_581] : memref<1024x336x256xf32, #tpu.memory_space<hbm>> -> memref<1x168x256xf32, #tpu.memory_space<hbm>>
    %dma_start3A_583 = tpu.memref_squeeze %dma_start3A_582 : memref<1x168x256xf32, #tpu.memory_space<hbm>> -> memref<168x256xf32, #tpu.memory_space<hbm>>
    %dma_start3A_584 = arith.constant 0 : i32
    %dma_start3A_585 = arith.constant 0 : i32
    %dma_start3A_586 = tpu.memref_slice %arg4[%add3A_577, %dma_start3A_584, %dma_start3A_585] : memref<1024x336x256xf32, #tpu.memory_space<hbm>> -> memref<1x168x256xf32, #tpu.memory_space<hbm>>
    %dma_start3A_587 = tpu.memref_squeeze %dma_start3A_586 : memref<1x168x256xf32, #tpu.memory_space<hbm>> -> memref<168x256xf32, #tpu.memory_space<hbm>>
    %dma_start3A_588 = arith.constant 0 : i32
    %dma_start3A_589 = tpu.memref_slice %arg6[%squeeze3A_575, %dma_start3A_588] : memref<336x256xf32, #tpu.memory_space<vmem>> -> memref<168x256xf32, #tpu.memory_space<vmem>>
    tpu.enqueue_dma source(%dma_start3A_589 : memref<168x256xf32, #tpu.memory_space<vmem>>) target(%dma_start3A_587 : memref<168x256xf32, #tpu.memory_space<hbm>>) target_semaphore(%arg8 : memref<!tpu.dma_semaphore, #tpu.memory_space<semaphore_mem>>)
    %add3A_590 = arith.constant 24 : i32
    %add3A_591 = arith.addi %mul3A_2, %add3A_590 : i32
    %dma_start3A_592 = arith.constant 0 : i32
    %dma_start3A_593 = tpu.memref_slice %arg6[%squeeze3A_575, %dma_start3A_592] : memref<336x256xf32, #tpu.memory_space<vmem>> -> memref<168x256xf32, #tpu.memory_space<vmem>>
    %dma_start3A_594 = arith.constant 168 : i32
    %dma_start3A_595 = arith.constant 0 : i32
    %dma_start3A_596 = tpu.memref_slice %arg4[%add3A_591, %dma_start3A_594, %dma_start3A_595] : memref<1024x336x256xf32, #tpu.memory_space<hbm>> -> memref<1x168x256xf32, #tpu.memory_space<hbm>>
    %dma_start3A_597 = tpu.memref_squeeze %dma_start3A_596 : memref<1x168x256xf32, #tpu.memory_space<hbm>> -> memref<168x256xf32, #tpu.memory_space<hbm>>
    %dma_start3A_598 = arith.constant 168 : i32
    %dma_start3A_599 = arith.constant 0 : i32
    %dma_start3A_600 = tpu.memref_slice %arg4[%add3A_591, %dma_start3A_598, %dma_start3A_599] : memref<1024x336x256xf32, #tpu.memory_space<hbm>> -> memref<1x168x256xf32, #tpu.memory_space<hbm>>
    %dma_start3A_601 = tpu.memref_squeeze %dma_start3A_600 : memref<1x168x256xf32, #tpu.memory_space<hbm>> -> memref<168x256xf32, #tpu.memory_space<hbm>>
    %dma_start3A_602 = arith.constant 0 : i32
    %dma_start3A_603 = tpu.memref_slice %arg6[%squeeze3A_575, %dma_start3A_602] : memref<336x256xf32, #tpu.memory_space<vmem>> -> memref<168x256xf32, #tpu.memory_space<vmem>>
    tpu.enqueue_dma source(%dma_start3A_603 : memref<168x256xf32, #tpu.memory_space<vmem>>) target(%dma_start3A_601 : memref<168x256xf32, #tpu.memory_space<hbm>>) target_semaphore(%arg8 : memref<!tpu.dma_semaphore, #tpu.memory_space<semaphore_mem>>)
    %slice3A_604 = vector.extract_strided_slice %get3A_393 {offsets = [9], sizes = [1], strides = [1]} : vector<16xi32> to vector<1xi32>
    %squeeze3A_605 = vector.extract %slice3A_604[0] : i32 from vector<1xi32>
    %add3A_606 = arith.constant 25 : i32
    %add3A_607 = arith.addi %mul3A_2, %add3A_606 : i32
    %dma_start3A_608 = arith.constant 0 : i32
    %dma_start3A_609 = tpu.memref_slice %arg6[%squeeze3A_605, %dma_start3A_608] : memref<336x256xf32, #tpu.memory_space<vmem>> -> memref<168x256xf32, #tpu.memory_space<vmem>>
    %dma_start3A_610 = arith.constant 0 : i32
    %dma_start3A_611 = arith.constant 0 : i32
    %dma_start3A_612 = tpu.memref_slice %arg4[%add3A_607, %dma_start3A_610, %dma_start3A_611] : memref<1024x336x256xf32, #tpu.memory_space<hbm>> -> memref<1x168x256xf32, #tpu.memory_space<hbm>>
    %dma_start3A_613 = tpu.memref_squeeze %dma_start3A_612 : memref<1x168x256xf32, #tpu.memory_space<hbm>> -> memref<168x256xf32, #tpu.memory_space<hbm>>
    %dma_start3A_614 = arith.constant 0 : i32
    %dma_start3A_615 = arith.constant 0 : i32
    %dma_start3A_616 = tpu.memref_slice %arg4[%add3A_607, %dma_start3A_614, %dma_start3A_615] : memref<1024x336x256xf32, #tpu.memory_space<hbm>> -> memref<1x168x256xf32, #tpu.memory_space<hbm>>
    %dma_start3A_617 = tpu.memref_squeeze %dma_start3A_616 : memref<1x168x256xf32, #tpu.memory_space<hbm>> -> memref<168x256xf32, #tpu.memory_space<hbm>>
    %dma_start3A_618 = arith.constant 0 : i32
    %dma_start3A_619 = tpu.memref_slice %arg6[%squeeze3A_605, %dma_start3A_618] : memref<336x256xf32, #tpu.memory_space<vmem>> -> memref<168x256xf32, #tpu.memory_space<vmem>>
    tpu.enqueue_dma source(%dma_start3A_619 : memref<168x256xf32, #tpu.memory_space<vmem>>) target(%dma_start3A_617 : memref<168x256xf32, #tpu.memory_space<hbm>>) target_semaphore(%arg8 : memref<!tpu.dma_semaphore, #tpu.memory_space<semaphore_mem>>)
    %add3A_620 = arith.constant 25 : i32
    %add3A_621 = arith.addi %mul3A_2, %add3A_620 : i32
    %dma_start3A_622 = arith.constant 0 : i32
    %dma_start3A_623 = tpu.memref_slice %arg6[%squeeze3A_605, %dma_start3A_622] : memref<336x256xf32, #tpu.memory_space<vmem>> -> memref<168x256xf32, #tpu.memory_space<vmem>>
    %dma_start3A_624 = arith.constant 168 : i32
    %dma_start3A_625 = arith.constant 0 : i32
    %dma_start3A_626 = tpu.memref_slice %arg4[%add3A_621, %dma_start3A_624, %dma_start3A_625] : memref<1024x336x256xf32, #tpu.memory_space<hbm>> -> memref<1x168x256xf32, #tpu.memory_space<hbm>>
    %dma_start3A_627 = tpu.memref_squeeze %dma_start3A_626 : memref<1x168x256xf32, #tpu.memory_space<hbm>> -> memref<168x256xf32, #tpu.memory_space<hbm>>
    %dma_start3A_628 = arith.constant 168 : i32
    %dma_start3A_629 = arith.constant 0 : i32
    %dma_start3A_630 = tpu.memref_slice %arg4[%add3A_621, %dma_start3A_628, %dma_start3A_629] : memref<1024x336x256xf32, #tpu.memory_space<hbm>> -> memref<1x168x256xf32, #tpu.memory_space<hbm>>
    %dma_start3A_631 = tpu.memref_squeeze %dma_start3A_630 : memref<1x168x256xf32, #tpu.memory_space<hbm>> -> memref<168x256xf32, #tpu.memory_space<hbm>>
    %dma_start3A_632 = arith.constant 0 : i32
    %dma_start3A_633 = tpu.memref_slice %arg6[%squeeze3A_605, %dma_start3A_632] : memref<336x256xf32, #tpu.memory_space<vmem>> -> memref<168x256xf32, #tpu.memory_space<vmem>>
    tpu.enqueue_dma source(%dma_start3A_633 : memref<168x256xf32, #tpu.memory_space<vmem>>) target(%dma_start3A_631 : memref<168x256xf32, #tpu.memory_space<hbm>>) target_semaphore(%arg8 : memref<!tpu.dma_semaphore, #tpu.memory_space<semaphore_mem>>)
    %slice3A_634 = vector.extract_strided_slice %get3A_393 {offsets = [10], sizes = [1], strides = [1]} : vector<16xi32> to vector<1xi32>
    %squeeze3A_635 = vector.extract %slice3A_634[0] : i32 from vector<1xi32>
    %add3A_636 = arith.constant 26 : i32
    %add3A_637 = arith.addi %mul3A_2, %add3A_636 : i32
    %dma_start3A_638 = arith.constant 0 : i32
    %dma_start3A_639 = tpu.memref_slice %arg6[%squeeze3A_635, %dma_start3A_638] : memref<336x256xf32, #tpu.memory_space<vmem>> -> memref<168x256xf32, #tpu.memory_space<vmem>>
    %dma_start3A_640 = arith.constant 0 : i32
    %dma_start3A_641 = arith.constant 0 : i32
    %dma_start3A_642 = tpu.memref_slice %arg4[%add3A_637, %dma_start3A_640, %dma_start3A_641] : memref<1024x336x256xf32, #tpu.memory_space<hbm>> -> memref<1x168x256xf32, #tpu.memory_space<hbm>>
    %dma_start3A_643 = tpu.memref_squeeze %dma_start3A_642 : memref<1x168x256xf32, #tpu.memory_space<hbm>> -> memref<168x256xf32, #tpu.memory_space<hbm>>
    %dma_start3A_644 = arith.constant 0 : i32
    %dma_start3A_645 = arith.constant 0 : i32
    %dma_start3A_646 = tpu.memref_slice %arg4[%add3A_637, %dma_start3A_644, %dma_start3A_645] : memref<1024x336x256xf32, #tpu.memory_space<hbm>> -> memref<1x168x256xf32, #tpu.memory_space<hbm>>
    %dma_start3A_647 = tpu.memref_squeeze %dma_start3A_646 : memref<1x168x256xf32, #tpu.memory_space<hbm>> -> memref<168x256xf32, #tpu.memory_space<hbm>>
    %dma_start3A_648 = arith.constant 0 : i32
    %dma_start3A_649 = tpu.memref_slice %arg6[%squeeze3A_635, %dma_start3A_648] : memref<336x256xf32, #tpu.memory_space<vmem>> -> memref<168x256xf32, #tpu.memory_space<vmem>>
    tpu.enqueue_dma source(%dma_start3A_649 : memref<168x256xf32, #tpu.memory_space<vmem>>) target(%dma_start3A_647 : memref<168x256xf32, #tpu.memory_space<hbm>>) target_semaphore(%arg8 : memref<!tpu.dma_semaphore, #tpu.memory_space<semaphore_mem>>)
    %add3A_650 = arith.constant 26 : i32
    %add3A_651 = arith.addi %mul3A_2, %add3A_650 : i32
    %dma_start3A_652 = arith.constant 0 : i32
    %dma_start3A_653 = tpu.memref_slice %arg6[%squeeze3A_635, %dma_start3A_652] : memref<336x256xf32, #tpu.memory_space<vmem>> -> memref<168x256xf32, #tpu.memory_space<vmem>>
    %dma_start3A_654 = arith.constant 168 : i32
    %dma_start3A_655 = arith.constant 0 : i32
    %dma_start3A_656 = tpu.memref_slice %arg4[%add3A_651, %dma_start3A_654, %dma_start3A_655] : memref<1024x336x256xf32, #tpu.memory_space<hbm>> -> memref<1x168x256xf32, #tpu.memory_space<hbm>>
    %dma_start3A_657 = tpu.memref_squeeze %dma_start3A_656 : memref<1x168x256xf32, #tpu.memory_space<hbm>> -> memref<168x256xf32, #tpu.memory_space<hbm>>
    %dma_start3A_658 = arith.constant 168 : i32
    %dma_start3A_659 = arith.constant 0 : i32
    %dma_start3A_660 = tpu.memref_slice %arg4[%add3A_651, %dma_start3A_658, %dma_start3A_659] : memref<1024x336x256xf32, #tpu.memory_space<hbm>> -> memref<1x168x256xf32, #tpu.memory_space<hbm>>
    %dma_start3A_661 = tpu.memref_squeeze %dma_start3A_660 : memref<1x168x256xf32, #tpu.memory_space<hbm>> -> memref<168x256xf32, #tpu.memory_space<hbm>>
    %dma_start3A_662 = arith.constant 0 : i32
    %dma_start3A_663 = tpu.memref_slice %arg6[%squeeze3A_635, %dma_start3A_662] : memref<336x256xf32, #tpu.memory_space<vmem>> -> memref<168x256xf32, #tpu.memory_space<vmem>>
    tpu.enqueue_dma source(%dma_start3A_663 : memref<168x256xf32, #tpu.memory_space<vmem>>) target(%dma_start3A_661 : memref<168x256xf32, #tpu.memory_space<hbm>>) target_semaphore(%arg8 : memref<!tpu.dma_semaphore, #tpu.memory_space<semaphore_mem>>)
    %slice3A_664 = vector.extract_strided_slice %get3A_393 {offsets = [11], sizes = [1], strides = [1]} : vector<16xi32> to vector<1xi32>
    %squeeze3A_665 = vector.extract %slice3A_664[0] : i32 from vector<1xi32>
    %add3A_666 = arith.constant 27 : i32
    %add3A_667 = arith.addi %mul3A_2, %add3A_666 : i32
    %dma_start3A_668 = arith.constant 0 : i32
    %dma_start3A_669 = tpu.memref_slice %arg6[%squeeze3A_665, %dma_start3A_668] : memref<336x256xf32, #tpu.memory_space<vmem>> -> memref<168x256xf32, #tpu.memory_space<vmem>>
    %dma_start3A_670 = arith.constant 0 : i32
    %dma_start3A_671 = arith.constant 0 : i32
    %dma_start3A_672 = tpu.memref_slice %arg4[%add3A_667, %dma_start3A_670, %dma_start3A_671] : memref<1024x336x256xf32, #tpu.memory_space<hbm>> -> memref<1x168x256xf32, #tpu.memory_space<hbm>>
    %dma_start3A_673 = tpu.memref_squeeze %dma_start3A_672 : memref<1x168x256xf32, #tpu.memory_space<hbm>> -> memref<168x256xf32, #tpu.memory_space<hbm>>
    %dma_start3A_674 = arith.constant 0 : i32
    %dma_start3A_675 = arith.constant 0 : i32
    %dma_start3A_676 = tpu.memref_slice %arg4[%add3A_667, %dma_start3A_674, %dma_start3A_675] : memref<1024x336x256xf32, #tpu.memory_space<hbm>> -> memref<1x168x256xf32, #tpu.memory_space<hbm>>
    %dma_start3A_677 = tpu.memref_squeeze %dma_start3A_676 : memref<1x168x256xf32, #tpu.memory_space<hbm>> -> memref<168x256xf32, #tpu.memory_space<hbm>>
    %dma_start3A_678 = arith.constant 0 : i32
    %dma_start3A_679 = tpu.memref_slice %arg6[%squeeze3A_665, %dma_start3A_678] : memref<336x256xf32, #tpu.memory_space<vmem>> -> memref<168x256xf32, #tpu.memory_space<vmem>>
    tpu.enqueue_dma source(%dma_start3A_679 : memref<168x256xf32, #tpu.memory_space<vmem>>) target(%dma_start3A_677 : memref<168x256xf32, #tpu.memory_space<hbm>>) target_semaphore(%arg8 : memref<!tpu.dma_semaphore, #tpu.memory_space<semaphore_mem>>)
    %add3A_680 = arith.constant 27 : i32
    %add3A_681 = arith.addi %mul3A_2, %add3A_680 : i32
    %dma_start3A_682 = arith.constant 0 : i32
    %dma_start3A_683 = tpu.memref_slice %arg6[%squeeze3A_665, %dma_start3A_682] : memref<336x256xf32, #tpu.memory_space<vmem>> -> memref<168x256xf32, #tpu.memory_space<vmem>>
    %dma_start3A_684 = arith.constant 168 : i32
    %dma_start3A_685 = arith.constant 0 : i32
    %dma_start3A_686 = tpu.memref_slice %arg4[%add3A_681, %dma_start3A_684, %dma_start3A_685] : memref<1024x336x256xf32, #tpu.memory_space<hbm>> -> memref<1x168x256xf32, #tpu.memory_space<hbm>>
    %dma_start3A_687 = tpu.memref_squeeze %dma_start3A_686 : memref<1x168x256xf32, #tpu.memory_space<hbm>> -> memref<168x256xf32, #tpu.memory_space<hbm>>
    %dma_start3A_688 = arith.constant 168 : i32
    %dma_start3A_689 = arith.constant 0 : i32
    %dma_start3A_690 = tpu.memref_slice %arg4[%add3A_681, %dma_start3A_688, %dma_start3A_689] : memref<1024x336x256xf32, #tpu.memory_space<hbm>> -> memref<1x168x256xf32, #tpu.memory_space<hbm>>
    %dma_start3A_691 = tpu.memref_squeeze %dma_start3A_690 : memref<1x168x256xf32, #tpu.memory_space<hbm>> -> memref<168x256xf32, #tpu.memory_space<hbm>>
    %dma_start3A_692 = arith.constant 0 : i32
    %dma_start3A_693 = tpu.memref_slice %arg6[%squeeze3A_665, %dma_start3A_692] : memref<336x256xf32, #tpu.memory_space<vmem>> -> memref<168x256xf32, #tpu.memory_space<vmem>>
    tpu.enqueue_dma source(%dma_start3A_693 : memref<168x256xf32, #tpu.memory_space<vmem>>) target(%dma_start3A_691 : memref<168x256xf32, #tpu.memory_space<hbm>>) target_semaphore(%arg8 : memref<!tpu.dma_semaphore, #tpu.memory_space<semaphore_mem>>)
    %slice3A_694 = vector.extract_strided_slice %get3A_393 {offsets = [12], sizes = [1], strides = [1]} : vector<16xi32> to vector<1xi32>
    %squeeze3A_695 = vector.extract %slice3A_694[0] : i32 from vector<1xi32>
    %add3A_696 = arith.constant 28 : i32
    %add3A_697 = arith.addi %mul3A_2, %add3A_696 : i32
    %dma_start3A_698 = arith.constant 0 : i32
    %dma_start3A_699 = tpu.memref_slice %arg6[%squeeze3A_695, %dma_start3A_698] : memref<336x256xf32, #tpu.memory_space<vmem>> -> memref<168x256xf32, #tpu.memory_space<vmem>>
    %dma_start3A_700 = arith.constant 0 : i32
    %dma_start3A_701 = arith.constant 0 : i32
    %dma_start3A_702 = tpu.memref_slice %arg4[%add3A_697, %dma_start3A_700, %dma_start3A_701] : memref<1024x336x256xf32, #tpu.memory_space<hbm>> -> memref<1x168x256xf32, #tpu.memory_space<hbm>>
    %dma_start3A_703 = tpu.memref_squeeze %dma_start3A_702 : memref<1x168x256xf32, #tpu.memory_space<hbm>> -> memref<168x256xf32, #tpu.memory_space<hbm>>
    %dma_start3A_704 = arith.constant 0 : i32
    %dma_start3A_705 = arith.constant 0 : i32
    %dma_start3A_706 = tpu.memref_slice %arg4[%add3A_697, %dma_start3A_704, %dma_start3A_705] : memref<1024x336x256xf32, #tpu.memory_space<hbm>> -> memref<1x168x256xf32, #tpu.memory_space<hbm>>
    %dma_start3A_707 = tpu.memref_squeeze %dma_start3A_706 : memref<1x168x256xf32, #tpu.memory_space<hbm>> -> memref<168x256xf32, #tpu.memory_space<hbm>>
    %dma_start3A_708 = arith.constant 0 : i32
    %dma_start3A_709 = tpu.memref_slice %arg6[%squeeze3A_695, %dma_start3A_708] : memref<336x256xf32, #tpu.memory_space<vmem>> -> memref<168x256xf32, #tpu.memory_space<vmem>>
    tpu.enqueue_dma source(%dma_start3A_709 : memref<168x256xf32, #tpu.memory_space<vmem>>) target(%dma_start3A_707 : memref<168x256xf32, #tpu.memory_space<hbm>>) target_semaphore(%arg8 : memref<!tpu.dma_semaphore, #tpu.memory_space<semaphore_mem>>)
    %add3A_710 = arith.constant 28 : i32
    %add3A_711 = arith.addi %mul3A_2, %add3A_710 : i32
    %dma_start3A_712 = arith.constant 0 : i32
    %dma_start3A_713 = tpu.memref_slice %arg6[%squeeze3A_695, %dma_start3A_712] : memref<336x256xf32, #tpu.memory_space<vmem>> -> memref<168x256xf32, #tpu.memory_space<vmem>>
    %dma_start3A_714 = arith.constant 168 : i32
    %dma_start3A_715 = arith.constant 0 : i32
    %dma_start3A_716 = tpu.memref_slice %arg4[%add3A_711, %dma_start3A_714, %dma_start3A_715] : memref<1024x336x256xf32, #tpu.memory_space<hbm>> -> memref<1x168x256xf32, #tpu.memory_space<hbm>>
    %dma_start3A_717 = tpu.memref_squeeze %dma_start3A_716 : memref<1x168x256xf32, #tpu.memory_space<hbm>> -> memref<168x256xf32, #tpu.memory_space<hbm>>
    %dma_start3A_718 = arith.constant 168 : i32
    %dma_start3A_719 = arith.constant 0 : i32
    %dma_start3A_720 = tpu.memref_slice %arg4[%add3A_711, %dma_start3A_718, %dma_start3A_719] : memref<1024x336x256xf32, #tpu.memory_space<hbm>> -> memref<1x168x256xf32, #tpu.memory_space<hbm>>
    %dma_start3A_721 = tpu.memref_squeeze %dma_start3A_720 : memref<1x168x256xf32, #tpu.memory_space<hbm>> -> memref<168x256xf32, #tpu.memory_space<hbm>>
    %dma_start3A_722 = arith.constant 0 : i32
    %dma_start3A_723 = tpu.memref_slice %arg6[%squeeze3A_695, %dma_start3A_722] : memref<336x256xf32, #tpu.memory_space<vmem>> -> memref<168x256xf32, #tpu.memory_space<vmem>>
    tpu.enqueue_dma source(%dma_start3A_723 : memref<168x256xf32, #tpu.memory_space<vmem>>) target(%dma_start3A_721 : memref<168x256xf32, #tpu.memory_space<hbm>>) target_semaphore(%arg8 : memref<!tpu.dma_semaphore, #tpu.memory_space<semaphore_mem>>)
    %slice3A_724 = vector.extract_strided_slice %get3A_393 {offsets = [13], sizes = [1], strides = [1]} : vector<16xi32> to vector<1xi32>
    %squeeze3A_725 = vector.extract %slice3A_724[0] : i32 from vector<1xi32>
    %add3A_726 = arith.constant 29 : i32
    %add3A_727 = arith.addi %mul3A_2, %add3A_726 : i32
    %dma_start3A_728 = arith.constant 0 : i32
    %dma_start3A_729 = arith.constant 0 : i32
    %dma_start3A_730 = tpu.memref_slice %arg4[%add3A_727, %dma_start3A_728, %dma_start3A_729] : memref<1024x336x256xf32, #tpu.memory_space<hbm>> -> memref<1x336x256xf32, #tpu.memory_space<hbm>>
    %dma_start3A_731 = tpu.memref_squeeze %dma_start3A_730 : memref<1x336x256xf32, #tpu.memory_space<hbm>> -> memref<336x256xf32, #tpu.memory_space<hbm>>
    %dma_start3A_732 = arith.constant 0 : i32
    %dma_start3A_733 = tpu.memref_slice %arg7[%squeeze3A_725, %dma_start3A_732] : memref<504x256xf32, #tpu.memory_space<vmem_shared>> -> memref<336x256xf32, #tpu.memory_space<vmem_shared>>
    tpu.enqueue_dma source(%dma_start3A_733 : memref<336x256xf32, #tpu.memory_space<vmem_shared>>) target(%dma_start3A_731 : memref<336x256xf32, #tpu.memory_space<hbm>>) target_semaphore(%arg8 : memref<!tpu.dma_semaphore, #tpu.memory_space<semaphore_mem>>)
    %slice3A_734 = vector.extract_strided_slice %get3A_393 {offsets = [14], sizes = [1], strides = [1]} : vector<16xi32> to vector<1xi32>
    %squeeze3A_735 = vector.extract %slice3A_734[0] : i32 from vector<1xi32>
    %add3A_736 = arith.constant 30 : i32
    %add3A_737 = arith.addi %mul3A_2, %add3A_736 : i32
    %dma_start3A_738 = arith.constant 0 : i32
    %dma_start3A_739 = arith.constant 0 : i32
    %dma_start3A_740 = tpu.memref_slice %arg4[%add3A_737, %dma_start3A_738, %dma_start3A_739] : memref<1024x336x256xf32, #tpu.memory_space<hbm>> -> memref<1x336x256xf32, #tpu.memory_space<hbm>>
    %dma_start3A_741 = tpu.memref_squeeze %dma_start3A_740 : memref<1x336x256xf32, #tpu.memory_space<hbm>> -> memref<336x256xf32, #tpu.memory_space<hbm>>
    %dma_start3A_742 = arith.constant 0 : i32
    %dma_start3A_743 = tpu.memref_slice %arg7[%squeeze3A_735, %dma_start3A_742] : memref<504x256xf32, #tpu.memory_space<vmem_shared>> -> memref<336x256xf32, #tpu.memory_space<vmem_shared>>
    tpu.enqueue_dma source(%dma_start3A_743 : memref<336x256xf32, #tpu.memory_space<vmem_shared>>) target(%dma_start3A_741 : memref<336x256xf32, #tpu.memory_space<hbm>>) target_semaphore(%arg8 : memref<!tpu.dma_semaphore, #tpu.memory_space<semaphore_mem>>)
    %slice3A_744 = vector.extract_strided_slice %get3A_393 {offsets = [15], sizes = [1], strides = [1]} : vector<16xi32> to vector<1xi32>
    %squeeze3A_745 = vector.extract %slice3A_744[0] : i32 from vector<1xi32>
    %add3A_746 = arith.constant 31 : i32
    %add3A_747 = arith.addi %mul3A_2, %add3A_746 : i32
    %dma_start3A_748 = arith.constant 0 : i32
    %dma_start3A_749 = arith.constant 0 : i32
    %dma_start3A_750 = tpu.memref_slice %arg4[%add3A_747, %dma_start3A_748, %dma_start3A_749] : memref<1024x336x256xf32, #tpu.memory_space<hbm>> -> memref<1x336x256xf32, #tpu.memory_space<hbm>>
    %dma_start3A_751 = tpu.memref_squeeze %dma_start3A_750 : memref<1x336x256xf32, #tpu.memory_space<hbm>> -> memref<336x256xf32, #tpu.memory_space<hbm>>
    %dma_start3A_752 = arith.constant 0 : i32
    %dma_start3A_753 = tpu.memref_slice %arg7[%squeeze3A_745, %dma_start3A_752] : memref<504x256xf32, #tpu.memory_space<vmem_shared>> -> memref<336x256xf32, #tpu.memory_space<vmem_shared>>
    tpu.enqueue_dma source(%dma_start3A_753 : memref<336x256xf32, #tpu.memory_space<vmem_shared>>) target(%dma_start3A_751 : memref<336x256xf32, #tpu.memory_space<hbm>>) target_semaphore(%arg8 : memref<!tpu.dma_semaphore, #tpu.memory_space<semaphore_mem>>)
    %dma_wait3A_754 = arith.constant 0 : i32
    %dma_wait3A_755 = tpu.memref_slice %arg6[%squeeze3A, %dma_wait3A_754] : memref<336x256xf32, #tpu.memory_space<vmem>> -> memref<168x256xf32, #tpu.memory_space<vmem>>
    %dma_wait3A_756 = arith.constant 0 : i32
    %dma_wait3A_757 = arith.constant 0 : i32
    %dma_wait3A_758 = tpu.memref_slice %arg4[%add3A_34, %dma_wait3A_756, %dma_wait3A_757] : memref<1024x336x256xf32, #tpu.memory_space<hbm>> -> memref<1x168x256xf32, #tpu.memory_space<hbm>>
    %dma_wait3A_759 = tpu.memref_squeeze %dma_wait3A_758 : memref<1x168x256xf32, #tpu.memory_space<hbm>> -> memref<168x256xf32, #tpu.memory_space<hbm>>
    %dma_wait3A_760 = arith.constant 0 : i32
    %dma_wait3A_761 = arith.constant 0 : i32
    %dma_wait3A_762 = tpu.memref_slice %arg4[%add3A_34, %dma_wait3A_760, %dma_wait3A_761] : memref<1024x336x256xf32, #tpu.memory_space<hbm>> -> memref<1x168x256xf32, #tpu.memory_space<hbm>>
    %dma_wait3A_763 = tpu.memref_squeeze %dma_wait3A_762 : memref<1x168x256xf32, #tpu.memory_space<hbm>> -> memref<168x256xf32, #tpu.memory_space<hbm>>
    %dma_wait3A_764 = arith.constant 0 : i32
    %dma_wait3A_765 = tpu.memref_slice %arg6[%squeeze3A, %dma_wait3A_764] : memref<336x256xf32, #tpu.memory_space<vmem>> -> memref<168x256xf32, #tpu.memory_space<vmem>>
    tpu.wait_dma2 semaphore(%arg8 : memref<!tpu.dma_semaphore, #tpu.memory_space<semaphore_mem>>) src(%dma_wait3A_765 : memref<168x256xf32, #tpu.memory_space<vmem>>) dst(%dma_wait3A_763 : memref<168x256xf32, #tpu.memory_space<hbm>>)
    %dma_wait3A_766 = arith.constant 0 : i32
    %dma_wait3A_767 = tpu.memref_slice %arg6[%squeeze3A, %dma_wait3A_766] : memref<336x256xf32, #tpu.memory_space<vmem>> -> memref<168x256xf32, #tpu.memory_space<vmem>>
    %dma_wait3A_768 = arith.constant 168 : i32
    %dma_wait3A_769 = arith.constant 0 : i32
    %dma_wait3A_770 = tpu.memref_slice %arg4[%add3A_48, %dma_wait3A_768, %dma_wait3A_769] : memref<1024x336x256xf32, #tpu.memory_space<hbm>> -> memref<1x168x256xf32, #tpu.memory_space<hbm>>
    %dma_wait3A_771 = tpu.memref_squeeze %dma_wait3A_770 : memref<1x168x256xf32, #tpu.memory_space<hbm>> -> memref<168x256xf32, #tpu.memory_space<hbm>>
    %dma_wait3A_772 = arith.constant 168 : i32
    %dma_wait3A_773 = arith.constant 0 : i32
    %dma_wait3A_774 = tpu.memref_slice %arg4[%add3A_48, %dma_wait3A_772, %dma_wait3A_773] : memref<1024x336x256xf32, #tpu.memory_space<hbm>> -> memref<1x168x256xf32, #tpu.memory_space<hbm>>
    %dma_wait3A_775 = tpu.memref_squeeze %dma_wait3A_774 : memref<1x168x256xf32, #tpu.memory_space<hbm>> -> memref<168x256xf32, #tpu.memory_space<hbm>>
    %dma_wait3A_776 = arith.constant 0 : i32
    %dma_wait3A_777 = tpu.memref_slice %arg6[%squeeze3A, %dma_wait3A_776] : memref<336x256xf32, #tpu.memory_space<vmem>> -> memref<168x256xf32, #tpu.memory_space<vmem>>
    tpu.wait_dma2 semaphore(%arg8 : memref<!tpu.dma_semaphore, #tpu.memory_space<semaphore_mem>>) src(%dma_wait3A_777 : memref<168x256xf32, #tpu.memory_space<vmem>>) dst(%dma_wait3A_775 : memref<168x256xf32, #tpu.memory_space<hbm>>)
    %dma_wait3A_778 = arith.constant 0 : i32
    %dma_wait3A_779 = tpu.memref_slice %arg6[%squeeze3A_62, %dma_wait3A_778] : memref<336x256xf32, #tpu.memory_space<vmem>> -> memref<168x256xf32, #tpu.memory_space<vmem>>
    %dma_wait3A_780 = arith.constant 0 : i32
    %dma_wait3A_781 = arith.constant 0 : i32
    %dma_wait3A_782 = tpu.memref_slice %arg4[%add3A_64, %dma_wait3A_780, %dma_wait3A_781] : memref<1024x336x256xf32, #tpu.memory_space<hbm>> -> memref<1x168x256xf32, #tpu.memory_space<hbm>>
    %dma_wait3A_783 = tpu.memref_squeeze %dma_wait3A_782 : memref<1x168x256xf32, #tpu.memory_space<hbm>> -> memref<168x256xf32, #tpu.memory_space<hbm>>
    %dma_wait3A_784 = arith.constant 0 : i32
    %dma_wait3A_785 = arith.constant 0 : i32
    %dma_wait3A_786 = tpu.memref_slice %arg4[%add3A_64, %dma_wait3A_784, %dma_wait3A_785] : memref<1024x336x256xf32, #tpu.memory_space<hbm>> -> memref<1x168x256xf32, #tpu.memory_space<hbm>>
    %dma_wait3A_787 = tpu.memref_squeeze %dma_wait3A_786 : memref<1x168x256xf32, #tpu.memory_space<hbm>> -> memref<168x256xf32, #tpu.memory_space<hbm>>
    %dma_wait3A_788 = arith.constant 0 : i32
    %dma_wait3A_789 = tpu.memref_slice %arg6[%squeeze3A_62, %dma_wait3A_788] : memref<336x256xf32, #tpu.memory_space<vmem>> -> memref<168x256xf32, #tpu.memory_space<vmem>>
    tpu.wait_dma2 semaphore(%arg8 : memref<!tpu.dma_semaphore, #tpu.memory_space<semaphore_mem>>) src(%dma_wait3A_789 : memref<168x256xf32, #tpu.memory_space<vmem>>) dst(%dma_wait3A_787 : memref<168x256xf32, #tpu.memory_space<hbm>>)
    %dma_wait3A_790 = arith.constant 0 : i32
    %dma_wait3A_791 = tpu.memref_slice %arg6[%squeeze3A_62, %dma_wait3A_790] : memref<336x256xf32, #tpu.memory_space<vmem>> -> memref<168x256xf32, #tpu.memory_space<vmem>>
    %dma_wait3A_792 = arith.constant 168 : i32
    %dma_wait3A_793 = arith.constant 0 : i32
    %dma_wait3A_794 = tpu.memref_slice %arg4[%add3A_78, %dma_wait3A_792, %dma_wait3A_793] : memref<1024x336x256xf32, #tpu.memory_space<hbm>> -> memref<1x168x256xf32, #tpu.memory_space<hbm>>
    %dma_wait3A_795 = tpu.memref_squeeze %dma_wait3A_794 : memref<1x168x256xf32, #tpu.memory_space<hbm>> -> memref<168x256xf32, #tpu.memory_space<hbm>>
    %dma_wait3A_796 = arith.constant 168 : i32
    %dma_wait3A_797 = arith.constant 0 : i32
    %dma_wait3A_798 = tpu.memref_slice %arg4[%add3A_78, %dma_wait3A_796, %dma_wait3A_797] : memref<1024x336x256xf32, #tpu.memory_space<hbm>> -> memref<1x168x256xf32, #tpu.memory_space<hbm>>
    %dma_wait3A_799 = tpu.memref_squeeze %dma_wait3A_798 : memref<1x168x256xf32, #tpu.memory_space<hbm>> -> memref<168x256xf32, #tpu.memory_space<hbm>>
    %dma_wait3A_800 = arith.constant 0 : i32
    %dma_wait3A_801 = tpu.memref_slice %arg6[%squeeze3A_62, %dma_wait3A_800] : memref<336x256xf32, #tpu.memory_space<vmem>> -> memref<168x256xf32, #tpu.memory_space<vmem>>
    tpu.wait_dma2 semaphore(%arg8 : memref<!tpu.dma_semaphore, #tpu.memory_space<semaphore_mem>>) src(%dma_wait3A_801 : memref<168x256xf32, #tpu.memory_space<vmem>>) dst(%dma_wait3A_799 : memref<168x256xf32, #tpu.memory_space<hbm>>)
    %dma_wait3A_802 = arith.constant 0 : i32
    %dma_wait3A_803 = tpu.memref_slice %arg6[%squeeze3A_92, %dma_wait3A_802] : memref<336x256xf32, #tpu.memory_space<vmem>> -> memref<168x256xf32, #tpu.memory_space<vmem>>
    %dma_wait3A_804 = arith.constant 0 : i32
    %dma_wait3A_805 = arith.constant 0 : i32
    %dma_wait3A_806 = tpu.memref_slice %arg4[%add3A_94, %dma_wait3A_804, %dma_wait3A_805] : memref<1024x336x256xf32, #tpu.memory_space<hbm>> -> memref<1x168x256xf32, #tpu.memory_space<hbm>>
    %dma_wait3A_807 = tpu.memref_squeeze %dma_wait3A_806 : memref<1x168x256xf32, #tpu.memory_space<hbm>> -> memref<168x256xf32, #tpu.memory_space<hbm>>
    %dma_wait3A_808 = arith.constant 0 : i32
    %dma_wait3A_809 = arith.constant 0 : i32
    %dma_wait3A_810 = tpu.memref_slice %arg4[%add3A_94, %dma_wait3A_808, %dma_wait3A_809] : memref<1024x336x256xf32, #tpu.memory_space<hbm>> -> memref<1x168x256xf32, #tpu.memory_space<hbm>>
    %dma_wait3A_811 = tpu.memref_squeeze %dma_wait3A_810 : memref<1x168x256xf32, #tpu.memory_space<hbm>> -> memref<168x256xf32, #tpu.memory_space<hbm>>
    %dma_wait3A_812 = arith.constant 0 : i32
    %dma_wait3A_813 = tpu.memref_slice %arg6[%squeeze3A_92, %dma_wait3A_812] : memref<336x256xf32, #tpu.memory_space<vmem>> -> memref<168x256xf32, #tpu.memory_space<vmem>>
    tpu.wait_dma2 semaphore(%arg8 : memref<!tpu.dma_semaphore, #tpu.memory_space<semaphore_mem>>) src(%dma_wait3A_813 : memref<168x256xf32, #tpu.memory_space<vmem>>) dst(%dma_wait3A_811 : memref<168x256xf32, #tpu.memory_space<hbm>>)
    %dma_wait3A_814 = arith.constant 0 : i32
    %dma_wait3A_815 = tpu.memref_slice %arg6[%squeeze3A_92, %dma_wait3A_814] : memref<336x256xf32, #tpu.memory_space<vmem>> -> memref<168x256xf32, #tpu.memory_space<vmem>>
    %dma_wait3A_816 = arith.constant 168 : i32
    %dma_wait3A_817 = arith.constant 0 : i32
    %dma_wait3A_818 = tpu.memref_slice %arg4[%add3A_108, %dma_wait3A_816, %dma_wait3A_817] : memref<1024x336x256xf32, #tpu.memory_space<hbm>> -> memref<1x168x256xf32, #tpu.memory_space<hbm>>
    %dma_wait3A_819 = tpu.memref_squeeze %dma_wait3A_818 : memref<1x168x256xf32, #tpu.memory_space<hbm>> -> memref<168x256xf32, #tpu.memory_space<hbm>>
    %dma_wait3A_820 = arith.constant 168 : i32
    %dma_wait3A_821 = arith.constant 0 : i32
    %dma_wait3A_822 = tpu.memref_slice %arg4[%add3A_108, %dma_wait3A_820, %dma_wait3A_821] : memref<1024x336x256xf32, #tpu.memory_space<hbm>> -> memref<1x168x256xf32, #tpu.memory_space<hbm>>
    %dma_wait3A_823 = tpu.memref_squeeze %dma_wait3A_822 : memref<1x168x256xf32, #tpu.memory_space<hbm>> -> memref<168x256xf32, #tpu.memory_space<hbm>>
    %dma_wait3A_824 = arith.constant 0 : i32
    %dma_wait3A_825 = tpu.memref_slice %arg6[%squeeze3A_92, %dma_wait3A_824] : memref<336x256xf32, #tpu.memory_space<vmem>> -> memref<168x256xf32, #tpu.memory_space<vmem>>
    tpu.wait_dma2 semaphore(%arg8 : memref<!tpu.dma_semaphore, #tpu.memory_space<semaphore_mem>>) src(%dma_wait3A_825 : memref<168x256xf32, #tpu.memory_space<vmem>>) dst(%dma_wait3A_823 : memref<168x256xf32, #tpu.memory_space<hbm>>)
    %dma_wait3A_826 = arith.constant 0 : i32
    %dma_wait3A_827 = tpu.memref_slice %arg6[%squeeze3A_122, %dma_wait3A_826] : memref<336x256xf32, #tpu.memory_space<vmem>> -> memref<168x256xf32, #tpu.memory_space<vmem>>
    %dma_wait3A_828 = arith.constant 0 : i32
    %dma_wait3A_829 = arith.constant 0 : i32
    %dma_wait3A_830 = tpu.memref_slice %arg4[%add3A_124, %dma_wait3A_828, %dma_wait3A_829] : memref<1024x336x256xf32, #tpu.memory_space<hbm>> -> memref<1x168x256xf32, #tpu.memory_space<hbm>>
    %dma_wait3A_831 = tpu.memref_squeeze %dma_wait3A_830 : memref<1x168x256xf32, #tpu.memory_space<hbm>> -> memref<168x256xf32, #tpu.memory_space<hbm>>
    %dma_wait3A_832 = arith.constant 0 : i32
    %dma_wait3A_833 = arith.constant 0 : i32
    %dma_wait3A_834 = tpu.memref_slice %arg4[%add3A_124, %dma_wait3A_832, %dma_wait3A_833] : memref<1024x336x256xf32, #tpu.memory_space<hbm>> -> memref<1x168x256xf32, #tpu.memory_space<hbm>>
    %dma_wait3A_835 = tpu.memref_squeeze %dma_wait3A_834 : memref<1x168x256xf32, #tpu.memory_space<hbm>> -> memref<168x256xf32, #tpu.memory_space<hbm>>
    %dma_wait3A_836 = arith.constant 0 : i32
    %dma_wait3A_837 = tpu.memref_slice %arg6[%squeeze3A_122, %dma_wait3A_836] : memref<336x256xf32, #tpu.memory_space<vmem>> -> memref<168x256xf32, #tpu.memory_space<vmem>>
    tpu.wait_dma2 semaphore(%arg8 : memref<!tpu.dma_semaphore, #tpu.memory_space<semaphore_mem>>) src(%dma_wait3A_837 : memref<168x256xf32, #tpu.memory_space<vmem>>) dst(%dma_wait3A_835 : memref<168x256xf32, #tpu.memory_space<hbm>>)
    %dma_wait3A_838 = arith.constant 0 : i32
    %dma_wait3A_839 = tpu.memref_slice %arg6[%squeeze3A_122, %dma_wait3A_838] : memref<336x256xf32, #tpu.memory_space<vmem>> -> memref<168x256xf32, #tpu.memory_space<vmem>>
    %dma_wait3A_840 = arith.constant 168 : i32
    %dma_wait3A_841 = arith.constant 0 : i32
    %dma_wait3A_842 = tpu.memref_slice %arg4[%add3A_138, %dma_wait3A_840, %dma_wait3A_841] : memref<1024x336x256xf32, #tpu.memory_space<hbm>> -> memref<1x168x256xf32, #tpu.memory_space<hbm>>
    %dma_wait3A_843 = tpu.memref_squeeze %dma_wait3A_842 : memref<1x168x256xf32, #tpu.memory_space<hbm>> -> memref<168x256xf32, #tpu.memory_space<hbm>>
    %dma_wait3A_844 = arith.constant 168 : i32
    %dma_wait3A_845 = arith.constant 0 : i32
    %dma_wait3A_846 = tpu.memref_slice %arg4[%add3A_138, %dma_wait3A_844, %dma_wait3A_845] : memref<1024x336x256xf32, #tpu.memory_space<hbm>> -> memref<1x168x256xf32, #tpu.memory_space<hbm>>
    %dma_wait3A_847 = tpu.memref_squeeze %dma_wait3A_846 : memref<1x168x256xf32, #tpu.memory_space<hbm>> -> memref<168x256xf32, #tpu.memory_space<hbm>>
    %dma_wait3A_848 = arith.constant 0 : i32
    %dma_wait3A_849 = tpu.memref_slice %arg6[%squeeze3A_122, %dma_wait3A_848] : memref<336x256xf32, #tpu.memory_space<vmem>> -> memref<168x256xf32, #tpu.memory_space<vmem>>
    tpu.wait_dma2 semaphore(%arg8 : memref<!tpu.dma_semaphore, #tpu.memory_space<semaphore_mem>>) src(%dma_wait3A_849 : memref<168x256xf32, #tpu.memory_space<vmem>>) dst(%dma_wait3A_847 : memref<168x256xf32, #tpu.memory_space<hbm>>)
    %dma_wait3A_850 = arith.constant 0 : i32
    %dma_wait3A_851 = tpu.memref_slice %arg6[%squeeze3A_152, %dma_wait3A_850] : memref<336x256xf32, #tpu.memory_space<vmem>> -> memref<168x256xf32, #tpu.memory_space<vmem>>
    %dma_wait3A_852 = arith.constant 0 : i32
    %dma_wait3A_853 = arith.constant 0 : i32
    %dma_wait3A_854 = tpu.memref_slice %arg4[%add3A_154, %dma_wait3A_852, %dma_wait3A_853] : memref<1024x336x256xf32, #tpu.memory_space<hbm>> -> memref<1x168x256xf32, #tpu.memory_space<hbm>>
    %dma_wait3A_855 = tpu.memref_squeeze %dma_wait3A_854 : memref<1x168x256xf32, #tpu.memory_space<hbm>> -> memref<168x256xf32, #tpu.memory_space<hbm>>
    %dma_wait3A_856 = arith.constant 0 : i32
    %dma_wait3A_857 = arith.constant 0 : i32
    %dma_wait3A_858 = tpu.memref_slice %arg4[%add3A_154, %dma_wait3A_856, %dma_wait3A_857] : memref<1024x336x256xf32, #tpu.memory_space<hbm>> -> memref<1x168x256xf32, #tpu.memory_space<hbm>>
    %dma_wait3A_859 = tpu.memref_squeeze %dma_wait3A_858 : memref<1x168x256xf32, #tpu.memory_space<hbm>> -> memref<168x256xf32, #tpu.memory_space<hbm>>
    %dma_wait3A_860 = arith.constant 0 : i32
    %dma_wait3A_861 = tpu.memref_slice %arg6[%squeeze3A_152, %dma_wait3A_860] : memref<336x256xf32, #tpu.memory_space<vmem>> -> memref<168x256xf32, #tpu.memory_space<vmem>>
    tpu.wait_dma2 semaphore(%arg8 : memref<!tpu.dma_semaphore, #tpu.memory_space<semaphore_mem>>) src(%dma_wait3A_861 : memref<168x256xf32, #tpu.memory_space<vmem>>) dst(%dma_wait3A_859 : memref<168x256xf32, #tpu.memory_space<hbm>>)
    %dma_wait3A_862 = arith.constant 0 : i32
    %dma_wait3A_863 = tpu.memref_slice %arg6[%squeeze3A_152, %dma_wait3A_862] : memref<336x256xf32, #tpu.memory_space<vmem>> -> memref<168x256xf32, #tpu.memory_space<vmem>>
    %dma_wait3A_864 = arith.constant 168 : i32
    %dma_wait3A_865 = arith.constant 0 : i32
    %dma_wait3A_866 = tpu.memref_slice %arg4[%add3A_168, %dma_wait3A_864, %dma_wait3A_865] : memref<1024x336x256xf32, #tpu.memory_space<hbm>> -> memref<1x168x256xf32, #tpu.memory_space<hbm>>
    %dma_wait3A_867 = tpu.memref_squeeze %dma_wait3A_866 : memref<1x168x256xf32, #tpu.memory_space<hbm>> -> memref<168x256xf32, #tpu.memory_space<hbm>>
    %dma_wait3A_868 = arith.constant 168 : i32
    %dma_wait3A_869 = arith.constant 0 : i32
    %dma_wait3A_870 = tpu.memref_slice %arg4[%add3A_168, %dma_wait3A_868, %dma_wait3A_869] : memref<1024x336x256xf32, #tpu.memory_space<hbm>> -> memref<1x168x256xf32, #tpu.memory_space<hbm>>
    %dma_wait3A_871 = tpu.memref_squeeze %dma_wait3A_870 : memref<1x168x256xf32, #tpu.memory_space<hbm>> -> memref<168x256xf32, #tpu.memory_space<hbm>>
    %dma_wait3A_872 = arith.constant 0 : i32
    %dma_wait3A_873 = tpu.memref_slice %arg6[%squeeze3A_152, %dma_wait3A_872] : memref<336x256xf32, #tpu.memory_space<vmem>> -> memref<168x256xf32, #tpu.memory_space<vmem>>
    tpu.wait_dma2 semaphore(%arg8 : memref<!tpu.dma_semaphore, #tpu.memory_space<semaphore_mem>>) src(%dma_wait3A_873 : memref<168x256xf32, #tpu.memory_space<vmem>>) dst(%dma_wait3A_871 : memref<168x256xf32, #tpu.memory_space<hbm>>)
    %dma_wait3A_874 = arith.constant 0 : i32
    %dma_wait3A_875 = arith.constant 0 : i32
    %dma_wait3A_876 = tpu.memref_slice %arg4[%add3A_184, %dma_wait3A_874, %dma_wait3A_875] : memref<1024x336x256xf32, #tpu.memory_space<hbm>> -> memref<1x336x256xf32, #tpu.memory_space<hbm>>
    %dma_wait3A_877 = tpu.memref_squeeze %dma_wait3A_876 : memref<1x336x256xf32, #tpu.memory_space<hbm>> -> memref<336x256xf32, #tpu.memory_space<hbm>>
    %dma_wait3A_878 = arith.constant 0 : i32
    %dma_wait3A_879 = tpu.memref_slice %arg7[%squeeze3A_182, %dma_wait3A_878] : memref<504x256xf32, #tpu.memory_space<vmem_shared>> -> memref<336x256xf32, #tpu.memory_space<vmem_shared>>
    tpu.wait_dma2 semaphore(%arg8 : memref<!tpu.dma_semaphore, #tpu.memory_space<semaphore_mem>>) src(%dma_wait3A_879 : memref<336x256xf32, #tpu.memory_space<vmem_shared>>) dst(%dma_wait3A_877 : memref<336x256xf32, #tpu.memory_space<hbm>>)
    %dma_wait3A_880 = arith.constant 0 : i32
    %dma_wait3A_881 = arith.constant 0 : i32
    %dma_wait3A_882 = tpu.memref_slice %arg4[%add3A_194, %dma_wait3A_880, %dma_wait3A_881] : memref<1024x336x256xf32, #tpu.memory_space<hbm>> -> memref<1x336x256xf32, #tpu.memory_space<hbm>>
    %dma_wait3A_883 = tpu.memref_squeeze %dma_wait3A_882 : memref<1x336x256xf32, #tpu.memory_space<hbm>> -> memref<336x256xf32, #tpu.memory_space<hbm>>
    %dma_wait3A_884 = arith.constant 0 : i32
    %dma_wait3A_885 = tpu.memref_slice %arg7[%squeeze3A_192, %dma_wait3A_884] : memref<504x256xf32, #tpu.memory_space<vmem_shared>> -> memref<336x256xf32, #tpu.memory_space<vmem_shared>>
    tpu.wait_dma2 semaphore(%arg8 : memref<!tpu.dma_semaphore, #tpu.memory_space<semaphore_mem>>) src(%dma_wait3A_885 : memref<336x256xf32, #tpu.memory_space<vmem_shared>>) dst(%dma_wait3A_883 : memref<336x256xf32, #tpu.memory_space<hbm>>)
    %dma_wait3A_886 = arith.constant 0 : i32
    %dma_wait3A_887 = arith.constant 0 : i32
    %dma_wait3A_888 = tpu.memref_slice %arg4[%add3A_204, %dma_wait3A_886, %dma_wait3A_887] : memref<1024x336x256xf32, #tpu.memory_space<hbm>> -> memref<1x336x256xf32, #tpu.memory_space<hbm>>
    %dma_wait3A_889 = tpu.memref_squeeze %dma_wait3A_888 : memref<1x336x256xf32, #tpu.memory_space<hbm>> -> memref<336x256xf32, #tpu.memory_space<hbm>>
    %dma_wait3A_890 = arith.constant 0 : i32
    %dma_wait3A_891 = tpu.memref_slice %arg7[%squeeze3A_202, %dma_wait3A_890] : memref<504x256xf32, #tpu.memory_space<vmem_shared>> -> memref<336x256xf32, #tpu.memory_space<vmem_shared>>
    tpu.wait_dma2 semaphore(%arg8 : memref<!tpu.dma_semaphore, #tpu.memory_space<semaphore_mem>>) src(%dma_wait3A_891 : memref<336x256xf32, #tpu.memory_space<vmem_shared>>) dst(%dma_wait3A_889 : memref<336x256xf32, #tpu.memory_space<hbm>>)
    %dma_wait3A_892 = arith.constant 0 : i32
    %dma_wait3A_893 = tpu.memref_slice %arg6[%squeeze3A_212, %dma_wait3A_892] : memref<336x256xf32, #tpu.memory_space<vmem>> -> memref<168x256xf32, #tpu.memory_space<vmem>>
    %dma_wait3A_894 = arith.constant 0 : i32
    %dma_wait3A_895 = arith.constant 0 : i32
    %dma_wait3A_896 = tpu.memref_slice %arg4[%add3A_214, %dma_wait3A_894, %dma_wait3A_895] : memref<1024x336x256xf32, #tpu.memory_space<hbm>> -> memref<1x168x256xf32, #tpu.memory_space<hbm>>
    %dma_wait3A_897 = tpu.memref_squeeze %dma_wait3A_896 : memref<1x168x256xf32, #tpu.memory_space<hbm>> -> memref<168x256xf32, #tpu.memory_space<hbm>>
    %dma_wait3A_898 = arith.constant 0 : i32
    %dma_wait3A_899 = arith.constant 0 : i32
    %dma_wait3A_900 = tpu.memref_slice %arg4[%add3A_214, %dma_wait3A_898, %dma_wait3A_899] : memref<1024x336x256xf32, #tpu.memory_space<hbm>> -> memref<1x168x256xf32, #tpu.memory_space<hbm>>
    %dma_wait3A_901 = tpu.memref_squeeze %dma_wait3A_900 : memref<1x168x256xf32, #tpu.memory_space<hbm>> -> memref<168x256xf32, #tpu.memory_space<hbm>>
    %dma_wait3A_902 = arith.constant 0 : i32
    %dma_wait3A_903 = tpu.memref_slice %arg6[%squeeze3A_212, %dma_wait3A_902] : memref<336x256xf32, #tpu.memory_space<vmem>> -> memref<168x256xf32, #tpu.memory_space<vmem>>
    tpu.wait_dma2 semaphore(%arg8 : memref<!tpu.dma_semaphore, #tpu.memory_space<semaphore_mem>>) src(%dma_wait3A_903 : memref<168x256xf32, #tpu.memory_space<vmem>>) dst(%dma_wait3A_901 : memref<168x256xf32, #tpu.memory_space<hbm>>)
    %dma_wait3A_904 = arith.constant 0 : i32
    %dma_wait3A_905 = tpu.memref_slice %arg6[%squeeze3A_212, %dma_wait3A_904] : memref<336x256xf32, #tpu.memory_space<vmem>> -> memref<168x256xf32, #tpu.memory_space<vmem>>
    %dma_wait3A_906 = arith.constant 168 : i32
    %dma_wait3A_907 = arith.constant 0 : i32
    %dma_wait3A_908 = tpu.memref_slice %arg4[%add3A_228, %dma_wait3A_906, %dma_wait3A_907] : memref<1024x336x256xf32, #tpu.memory_space<hbm>> -> memref<1x168x256xf32, #tpu.memory_space<hbm>>
    %dma_wait3A_909 = tpu.memref_squeeze %dma_wait3A_908 : memref<1x168x256xf32, #tpu.memory_space<hbm>> -> memref<168x256xf32, #tpu.memory_space<hbm>>
    %dma_wait3A_910 = arith.constant 168 : i32
    %dma_wait3A_911 = arith.constant 0 : i32
    %dma_wait3A_912 = tpu.memref_slice %arg4[%add3A_228, %dma_wait3A_910, %dma_wait3A_911] : memref<1024x336x256xf32, #tpu.memory_space<hbm>> -> memref<1x168x256xf32, #tpu.memory_space<hbm>>
    %dma_wait3A_913 = tpu.memref_squeeze %dma_wait3A_912 : memref<1x168x256xf32, #tpu.memory_space<hbm>> -> memref<168x256xf32, #tpu.memory_space<hbm>>
    %dma_wait3A_914 = arith.constant 0 : i32
    %dma_wait3A_915 = tpu.memref_slice %arg6[%squeeze3A_212, %dma_wait3A_914] : memref<336x256xf32, #tpu.memory_space<vmem>> -> memref<168x256xf32, #tpu.memory_space<vmem>>
    tpu.wait_dma2 semaphore(%arg8 : memref<!tpu.dma_semaphore, #tpu.memory_space<semaphore_mem>>) src(%dma_wait3A_915 : memref<168x256xf32, #tpu.memory_space<vmem>>) dst(%dma_wait3A_913 : memref<168x256xf32, #tpu.memory_space<hbm>>)
    %dma_wait3A_916 = arith.constant 0 : i32
    %dma_wait3A_917 = tpu.memref_slice %arg6[%squeeze3A_242, %dma_wait3A_916] : memref<336x256xf32, #tpu.memory_space<vmem>> -> memref<168x256xf32, #tpu.memory_space<vmem>>
    %dma_wait3A_918 = arith.constant 0 : i32
    %dma_wait3A_919 = arith.constant 0 : i32
    %dma_wait3A_920 = tpu.memref_slice %arg4[%add3A_244, %dma_wait3A_918, %dma_wait3A_919] : memref<1024x336x256xf32, #tpu.memory_space<hbm>> -> memref<1x168x256xf32, #tpu.memory_space<hbm>>
    %dma_wait3A_921 = tpu.memref_squeeze %dma_wait3A_920 : memref<1x168x256xf32, #tpu.memory_space<hbm>> -> memref<168x256xf32, #tpu.memory_space<hbm>>
    %dma_wait3A_922 = arith.constant 0 : i32
    %dma_wait3A_923 = arith.constant 0 : i32
    %dma_wait3A_924 = tpu.memref_slice %arg4[%add3A_244, %dma_wait3A_922, %dma_wait3A_923] : memref<1024x336x256xf32, #tpu.memory_space<hbm>> -> memref<1x168x256xf32, #tpu.memory_space<hbm>>
    %dma_wait3A_925 = tpu.memref_squeeze %dma_wait3A_924 : memref<1x168x256xf32, #tpu.memory_space<hbm>> -> memref<168x256xf32, #tpu.memory_space<hbm>>
    %dma_wait3A_926 = arith.constant 0 : i32
    %dma_wait3A_927 = tpu.memref_slice %arg6[%squeeze3A_242, %dma_wait3A_926] : memref<336x256xf32, #tpu.memory_space<vmem>> -> memref<168x256xf32, #tpu.memory_space<vmem>>
    tpu.wait_dma2 semaphore(%arg8 : memref<!tpu.dma_semaphore, #tpu.memory_space<semaphore_mem>>) src(%dma_wait3A_927 : memref<168x256xf32, #tpu.memory_space<vmem>>) dst(%dma_wait3A_925 : memref<168x256xf32, #tpu.memory_space<hbm>>)
    %dma_wait3A_928 = arith.constant 0 : i32
    %dma_wait3A_929 = tpu.memref_slice %arg6[%squeeze3A_242, %dma_wait3A_928] : memref<336x256xf32, #tpu.memory_space<vmem>> -> memref<168x256xf32, #tpu.memory_space<vmem>>
    %dma_wait3A_930 = arith.constant 168 : i32
    %dma_wait3A_931 = arith.constant 0 : i32
    %dma_wait3A_932 = tpu.memref_slice %arg4[%add3A_258, %dma_wait3A_930, %dma_wait3A_931] : memref<1024x336x256xf32, #tpu.memory_space<hbm>> -> memref<1x168x256xf32, #tpu.memory_space<hbm>>
    %dma_wait3A_933 = tpu.memref_squeeze %dma_wait3A_932 : memref<1x168x256xf32, #tpu.memory_space<hbm>> -> memref<168x256xf32, #tpu.memory_space<hbm>>
    %dma_wait3A_934 = arith.constant 168 : i32
    %dma_wait3A_935 = arith.constant 0 : i32
    %dma_wait3A_936 = tpu.memref_slice %arg4[%add3A_258, %dma_wait3A_934, %dma_wait3A_935] : memref<1024x336x256xf32, #tpu.memory_space<hbm>> -> memref<1x168x256xf32, #tpu.memory_space<hbm>>
    %dma_wait3A_937 = tpu.memref_squeeze %dma_wait3A_936 : memref<1x168x256xf32, #tpu.memory_space<hbm>> -> memref<168x256xf32, #tpu.memory_space<hbm>>
    %dma_wait3A_938 = arith.constant 0 : i32
    %dma_wait3A_939 = tpu.memref_slice %arg6[%squeeze3A_242, %dma_wait3A_938] : memref<336x256xf32, #tpu.memory_space<vmem>> -> memref<168x256xf32, #tpu.memory_space<vmem>>
    tpu.wait_dma2 semaphore(%arg8 : memref<!tpu.dma_semaphore, #tpu.memory_space<semaphore_mem>>) src(%dma_wait3A_939 : memref<168x256xf32, #tpu.memory_space<vmem>>) dst(%dma_wait3A_937 : memref<168x256xf32, #tpu.memory_space<hbm>>)
    %dma_wait3A_940 = arith.constant 0 : i32
    %dma_wait3A_941 = tpu.memref_slice %arg6[%squeeze3A_272, %dma_wait3A_940] : memref<336x256xf32, #tpu.memory_space<vmem>> -> memref<168x256xf32, #tpu.memory_space<vmem>>
    %dma_wait3A_942 = arith.constant 0 : i32
    %dma_wait3A_943 = arith.constant 0 : i32
    %dma_wait3A_944 = tpu.memref_slice %arg4[%add3A_274, %dma_wait3A_942, %dma_wait3A_943] : memref<1024x336x256xf32, #tpu.memory_space<hbm>> -> memref<1x168x256xf32, #tpu.memory_space<hbm>>
    %dma_wait3A_945 = tpu.memref_squeeze %dma_wait3A_944 : memref<1x168x256xf32, #tpu.memory_space<hbm>> -> memref<168x256xf32, #tpu.memory_space<hbm>>
    %dma_wait3A_946 = arith.constant 0 : i32
    %dma_wait3A_947 = arith.constant 0 : i32
    %dma_wait3A_948 = tpu.memref_slice %arg4[%add3A_274, %dma_wait3A_946, %dma_wait3A_947] : memref<1024x336x256xf32, #tpu.memory_space<hbm>> -> memref<1x168x256xf32, #tpu.memory_space<hbm>>
    %dma_wait3A_949 = tpu.memref_squeeze %dma_wait3A_948 : memref<1x168x256xf32, #tpu.memory_space<hbm>> -> memref<168x256xf32, #tpu.memory_space<hbm>>
    %dma_wait3A_950 = arith.constant 0 : i32
    %dma_wait3A_951 = tpu.memref_slice %arg6[%squeeze3A_272, %dma_wait3A_950] : memref<336x256xf32, #tpu.memory_space<vmem>> -> memref<168x256xf32, #tpu.memory_space<vmem>>
    tpu.wait_dma2 semaphore(%arg8 : memref<!tpu.dma_semaphore, #tpu.memory_space<semaphore_mem>>) src(%dma_wait3A_951 : memref<168x256xf32, #tpu.memory_space<vmem>>) dst(%dma_wait3A_949 : memref<168x256xf32, #tpu.memory_space<hbm>>)
    %dma_wait3A_952 = arith.constant 0 : i32
    %dma_wait3A_953 = tpu.memref_slice %arg6[%squeeze3A_272, %dma_wait3A_952] : memref<336x256xf32, #tpu.memory_space<vmem>> -> memref<168x256xf32, #tpu.memory_space<vmem>>
    %dma_wait3A_954 = arith.constant 168 : i32
    %dma_wait3A_955 = arith.constant 0 : i32
    %dma_wait3A_956 = tpu.memref_slice %arg4[%add3A_288, %dma_wait3A_954, %dma_wait3A_955] : memref<1024x336x256xf32, #tpu.memory_space<hbm>> -> memref<1x168x256xf32, #tpu.memory_space<hbm>>
    %dma_wait3A_957 = tpu.memref_squeeze %dma_wait3A_956 : memref<1x168x256xf32, #tpu.memory_space<hbm>> -> memref<168x256xf32, #tpu.memory_space<hbm>>
    %dma_wait3A_958 = arith.constant 168 : i32
    %dma_wait3A_959 = arith.constant 0 : i32
    %dma_wait3A_960 = tpu.memref_slice %arg4[%add3A_288, %dma_wait3A_958, %dma_wait3A_959] : memref<1024x336x256xf32, #tpu.memory_space<hbm>> -> memref<1x168x256xf32, #tpu.memory_space<hbm>>
    %dma_wait3A_961 = tpu.memref_squeeze %dma_wait3A_960 : memref<1x168x256xf32, #tpu.memory_space<hbm>> -> memref<168x256xf32, #tpu.memory_space<hbm>>
    %dma_wait3A_962 = arith.constant 0 : i32
    %dma_wait3A_963 = tpu.memref_slice %arg6[%squeeze3A_272, %dma_wait3A_962] : memref<336x256xf32, #tpu.memory_space<vmem>> -> memref<168x256xf32, #tpu.memory_space<vmem>>
    tpu.wait_dma2 semaphore(%arg8 : memref<!tpu.dma_semaphore, #tpu.memory_space<semaphore_mem>>) src(%dma_wait3A_963 : memref<168x256xf32, #tpu.memory_space<vmem>>) dst(%dma_wait3A_961 : memref<168x256xf32, #tpu.memory_space<hbm>>)
    %dma_wait3A_964 = arith.constant 0 : i32
    %dma_wait3A_965 = tpu.memref_slice %arg6[%squeeze3A_302, %dma_wait3A_964] : memref<336x256xf32, #tpu.memory_space<vmem>> -> memref<168x256xf32, #tpu.memory_space<vmem>>
    %dma_wait3A_966 = arith.constant 0 : i32
    %dma_wait3A_967 = arith.constant 0 : i32
    %dma_wait3A_968 = tpu.memref_slice %arg4[%add3A_304, %dma_wait3A_966, %dma_wait3A_967] : memref<1024x336x256xf32, #tpu.memory_space<hbm>> -> memref<1x168x256xf32, #tpu.memory_space<hbm>>
    %dma_wait3A_969 = tpu.memref_squeeze %dma_wait3A_968 : memref<1x168x256xf32, #tpu.memory_space<hbm>> -> memref<168x256xf32, #tpu.memory_space<hbm>>
    %dma_wait3A_970 = arith.constant 0 : i32
    %dma_wait3A_971 = arith.constant 0 : i32
    %dma_wait3A_972 = tpu.memref_slice %arg4[%add3A_304, %dma_wait3A_970, %dma_wait3A_971] : memref<1024x336x256xf32, #tpu.memory_space<hbm>> -> memref<1x168x256xf32, #tpu.memory_space<hbm>>
    %dma_wait3A_973 = tpu.memref_squeeze %dma_wait3A_972 : memref<1x168x256xf32, #tpu.memory_space<hbm>> -> memref<168x256xf32, #tpu.memory_space<hbm>>
    %dma_wait3A_974 = arith.constant 0 : i32
    %dma_wait3A_975 = tpu.memref_slice %arg6[%squeeze3A_302, %dma_wait3A_974] : memref<336x256xf32, #tpu.memory_space<vmem>> -> memref<168x256xf32, #tpu.memory_space<vmem>>
    tpu.wait_dma2 semaphore(%arg8 : memref<!tpu.dma_semaphore, #tpu.memory_space<semaphore_mem>>) src(%dma_wait3A_975 : memref<168x256xf32, #tpu.memory_space<vmem>>) dst(%dma_wait3A_973 : memref<168x256xf32, #tpu.memory_space<hbm>>)
    %dma_wait3A_976 = arith.constant 0 : i32
    %dma_wait3A_977 = tpu.memref_slice %arg6[%squeeze3A_302, %dma_wait3A_976] : memref<336x256xf32, #tpu.memory_space<vmem>> -> memref<168x256xf32, #tpu.memory_space<vmem>>
    %dma_wait3A_978 = arith.constant 168 : i32
    %dma_wait3A_979 = arith.constant 0 : i32
    %dma_wait3A_980 = tpu.memref_slice %arg4[%add3A_318, %dma_wait3A_978, %dma_wait3A_979] : memref<1024x336x256xf32, #tpu.memory_space<hbm>> -> memref<1x168x256xf32, #tpu.memory_space<hbm>>
    %dma_wait3A_981 = tpu.memref_squeeze %dma_wait3A_980 : memref<1x168x256xf32, #tpu.memory_space<hbm>> -> memref<168x256xf32, #tpu.memory_space<hbm>>
    %dma_wait3A_982 = arith.constant 168 : i32
    %dma_wait3A_983 = arith.constant 0 : i32
    %dma_wait3A_984 = tpu.memref_slice %arg4[%add3A_318, %dma_wait3A_982, %dma_wait3A_983] : memref<1024x336x256xf32, #tpu.memory_space<hbm>> -> memref<1x168x256xf32, #tpu.memory_space<hbm>>
    %dma_wait3A_985 = tpu.memref_squeeze %dma_wait3A_984 : memref<1x168x256xf32, #tpu.memory_space<hbm>> -> memref<168x256xf32, #tpu.memory_space<hbm>>
    %dma_wait3A_986 = arith.constant 0 : i32
    %dma_wait3A_987 = tpu.memref_slice %arg6[%squeeze3A_302, %dma_wait3A_986] : memref<336x256xf32, #tpu.memory_space<vmem>> -> memref<168x256xf32, #tpu.memory_space<vmem>>
    tpu.wait_dma2 semaphore(%arg8 : memref<!tpu.dma_semaphore, #tpu.memory_space<semaphore_mem>>) src(%dma_wait3A_987 : memref<168x256xf32, #tpu.memory_space<vmem>>) dst(%dma_wait3A_985 : memref<168x256xf32, #tpu.memory_space<hbm>>)
    %dma_wait3A_988 = arith.constant 0 : i32
    %dma_wait3A_989 = tpu.memref_slice %arg6[%squeeze3A_332, %dma_wait3A_988] : memref<336x256xf32, #tpu.memory_space<vmem>> -> memref<168x256xf32, #tpu.memory_space<vmem>>
    %dma_wait3A_990 = arith.constant 0 : i32
    %dma_wait3A_991 = arith.constant 0 : i32
    %dma_wait3A_992 = tpu.memref_slice %arg4[%add3A_334, %dma_wait3A_990, %dma_wait3A_991] : memref<1024x336x256xf32, #tpu.memory_space<hbm>> -> memref<1x168x256xf32, #tpu.memory_space<hbm>>
    %dma_wait3A_993 = tpu.memref_squeeze %dma_wait3A_992 : memref<1x168x256xf32, #tpu.memory_space<hbm>> -> memref<168x256xf32, #tpu.memory_space<hbm>>
    %dma_wait3A_994 = arith.constant 0 : i32
    %dma_wait3A_995 = arith.constant 0 : i32
    %dma_wait3A_996 = tpu.memref_slice %arg4[%add3A_334, %dma_wait3A_994, %dma_wait3A_995] : memref<1024x336x256xf32, #tpu.memory_space<hbm>> -> memref<1x168x256xf32, #tpu.memory_space<hbm>>
    %dma_wait3A_997 = tpu.memref_squeeze %dma_wait3A_996 : memref<1x168x256xf32, #tpu.memory_space<hbm>> -> memref<168x256xf32, #tpu.memory_space<hbm>>
    %dma_wait3A_998 = arith.constant 0 : i32
    %dma_wait3A_999 = tpu.memref_slice %arg6[%squeeze3A_332, %dma_wait3A_998] : memref<336x256xf32, #tpu.memory_space<vmem>> -> memref<168x256xf32, #tpu.memory_space<vmem>>
    tpu.wait_dma2 semaphore(%arg8 : memref<!tpu.dma_semaphore, #tpu.memory_space<semaphore_mem>>) src(%dma_wait3A_999 : memref<168x256xf32, #tpu.memory_space<vmem>>) dst(%dma_wait3A_997 : memref<168x256xf32, #tpu.memory_space<hbm>>)
    %dma_wait3A_1000 = arith.constant 0 : i32
    %dma_wait3A_1001 = tpu.memref_slice %arg6[%squeeze3A_332, %dma_wait3A_1000] : memref<336x256xf32, #tpu.memory_space<vmem>> -> memref<168x256xf32, #tpu.memory_space<vmem>>
    %dma_wait3A_1002 = arith.constant 168 : i32
    %dma_wait3A_1003 = arith.constant 0 : i32
    %dma_wait3A_1004 = tpu.memref_slice %arg4[%add3A_348, %dma_wait3A_1002, %dma_wait3A_1003] : memref<1024x336x256xf32, #tpu.memory_space<hbm>> -> memref<1x168x256xf32, #tpu.memory_space<hbm>>
    %dma_wait3A_1005 = tpu.memref_squeeze %dma_wait3A_1004 : memref<1x168x256xf32, #tpu.memory_space<hbm>> -> memref<168x256xf32, #tpu.memory_space<hbm>>
    %dma_wait3A_1006 = arith.constant 168 : i32
    %dma_wait3A_1007 = arith.constant 0 : i32
    %dma_wait3A_1008 = tpu.memref_slice %arg4[%add3A_348, %dma_wait3A_1006, %dma_wait3A_1007] : memref<1024x336x256xf32, #tpu.memory_space<hbm>> -> memref<1x168x256xf32, #tpu.memory_space<hbm>>
    %dma_wait3A_1009 = tpu.memref_squeeze %dma_wait3A_1008 : memref<1x168x256xf32, #tpu.memory_space<hbm>> -> memref<168x256xf32, #tpu.memory_space<hbm>>
    %dma_wait3A_1010 = arith.constant 0 : i32
    %dma_wait3A_1011 = tpu.memref_slice %arg6[%squeeze3A_332, %dma_wait3A_1010] : memref<336x256xf32, #tpu.memory_space<vmem>> -> memref<168x256xf32, #tpu.memory_space<vmem>>
    tpu.wait_dma2 semaphore(%arg8 : memref<!tpu.dma_semaphore, #tpu.memory_space<semaphore_mem>>) src(%dma_wait3A_1011 : memref<168x256xf32, #tpu.memory_space<vmem>>) dst(%dma_wait3A_1009 : memref<168x256xf32, #tpu.memory_space<hbm>>)
    %dma_wait3A_1012 = arith.constant 0 : i32
    %dma_wait3A_1013 = arith.constant 0 : i32
    %dma_wait3A_1014 = tpu.memref_slice %arg4[%add3A_364, %dma_wait3A_1012, %dma_wait3A_1013] : memref<1024x336x256xf32, #tpu.memory_space<hbm>> -> memref<1x336x256xf32, #tpu.memory_space<hbm>>
    %dma_wait3A_1015 = tpu.memref_squeeze %dma_wait3A_1014 : memref<1x336x256xf32, #tpu.memory_space<hbm>> -> memref<336x256xf32, #tpu.memory_space<hbm>>
    %dma_wait3A_1016 = arith.constant 0 : i32
    %dma_wait3A_1017 = tpu.memref_slice %arg7[%squeeze3A_362, %dma_wait3A_1016] : memref<504x256xf32, #tpu.memory_space<vmem_shared>> -> memref<336x256xf32, #tpu.memory_space<vmem_shared>>
    tpu.wait_dma2 semaphore(%arg8 : memref<!tpu.dma_semaphore, #tpu.memory_space<semaphore_mem>>) src(%dma_wait3A_1017 : memref<336x256xf32, #tpu.memory_space<vmem_shared>>) dst(%dma_wait3A_1015 : memref<336x256xf32, #tpu.memory_space<hbm>>)
    %dma_wait3A_1018 = arith.constant 0 : i32
    %dma_wait3A_1019 = arith.constant 0 : i32
    %dma_wait3A_1020 = tpu.memref_slice %arg4[%add3A_374, %dma_wait3A_1018, %dma_wait3A_1019] : memref<1024x336x256xf32, #tpu.memory_space<hbm>> -> memref<1x336x256xf32, #tpu.memory_space<hbm>>
    %dma_wait3A_1021 = tpu.memref_squeeze %dma_wait3A_1020 : memref<1x336x256xf32, #tpu.memory_space<hbm>> -> memref<336x256xf32, #tpu.memory_space<hbm>>
    %dma_wait3A_1022 = arith.constant 0 : i32
    %dma_wait3A_1023 = tpu.memref_slice %arg7[%squeeze3A_372, %dma_wait3A_1022] : memref<504x256xf32, #tpu.memory_space<vmem_shared>> -> memref<336x256xf32, #tpu.memory_space<vmem_shared>>
    tpu.wait_dma2 semaphore(%arg8 : memref<!tpu.dma_semaphore, #tpu.memory_space<semaphore_mem>>) src(%dma_wait3A_1023 : memref<336x256xf32, #tpu.memory_space<vmem_shared>>) dst(%dma_wait3A_1021 : memref<336x256xf32, #tpu.memory_space<hbm>>)
    %dma_wait3A_1024 = arith.constant 0 : i32
    %dma_wait3A_1025 = arith.constant 0 : i32
    %dma_wait3A_1026 = tpu.memref_slice %arg4[%add3A_384, %dma_wait3A_1024, %dma_wait3A_1025] : memref<1024x336x256xf32, #tpu.memory_space<hbm>> -> memref<1x336x256xf32, #tpu.memory_space<hbm>>
    %dma_wait3A_1027 = tpu.memref_squeeze %dma_wait3A_1026 : memref<1x336x256xf32, #tpu.memory_space<hbm>> -> memref<336x256xf32, #tpu.memory_space<hbm>>
    %dma_wait3A_1028 = arith.constant 0 : i32
    %dma_wait3A_1029 = tpu.memref_slice %arg7[%squeeze3A_382, %dma_wait3A_1028] : memref<504x256xf32, #tpu.memory_space<vmem_shared>> -> memref<336x256xf32, #tpu.memory_space<vmem_shared>>
    tpu.wait_dma2 semaphore(%arg8 : memref<!tpu.dma_semaphore, #tpu.memory_space<semaphore_mem>>) src(%dma_wait3A_1029 : memref<336x256xf32, #tpu.memory_space<vmem_shared>>) dst(%dma_wait3A_1027 : memref<336x256xf32, #tpu.memory_space<hbm>>)
    %dma_wait3A_1030 = arith.constant 0 : i32
    %dma_wait3A_1031 = tpu.memref_slice %arg6[%squeeze3A_395, %dma_wait3A_1030] : memref<336x256xf32, #tpu.memory_space<vmem>> -> memref<168x256xf32, #tpu.memory_space<vmem>>
    %dma_wait3A_1032 = arith.constant 0 : i32
    %dma_wait3A_1033 = arith.constant 0 : i32
    %dma_wait3A_1034 = tpu.memref_slice %arg4[%add3A_397, %dma_wait3A_1032, %dma_wait3A_1033] : memref<1024x336x256xf32, #tpu.memory_space<hbm>> -> memref<1x168x256xf32, #tpu.memory_space<hbm>>
    %dma_wait3A_1035 = tpu.memref_squeeze %dma_wait3A_1034 : memref<1x168x256xf32, #tpu.memory_space<hbm>> -> memref<168x256xf32, #tpu.memory_space<hbm>>
    %dma_wait3A_1036 = arith.constant 0 : i32
    %dma_wait3A_1037 = arith.constant 0 : i32
    %dma_wait3A_1038 = tpu.memref_slice %arg4[%add3A_397, %dma_wait3A_1036, %dma_wait3A_1037] : memref<1024x336x256xf32, #tpu.memory_space<hbm>> -> memref<1x168x256xf32, #tpu.memory_space<hbm>>
    %dma_wait3A_1039 = tpu.memref_squeeze %dma_wait3A_1038 : memref<1x168x256xf32, #tpu.memory_space<hbm>> -> memref<168x256xf32, #tpu.memory_space<hbm>>
    %dma_wait3A_1040 = arith.constant 0 : i32
    %dma_wait3A_1041 = tpu.memref_slice %arg6[%squeeze3A_395, %dma_wait3A_1040] : memref<336x256xf32, #tpu.memory_space<vmem>> -> memref<168x256xf32, #tpu.memory_space<vmem>>
    tpu.wait_dma2 semaphore(%arg8 : memref<!tpu.dma_semaphore, #tpu.memory_space<semaphore_mem>>) src(%dma_wait3A_1041 : memref<168x256xf32, #tpu.memory_space<vmem>>) dst(%dma_wait3A_1039 : memref<168x256xf32, #tpu.memory_space<hbm>>)
    %dma_wait3A_1042 = arith.constant 0 : i32
    %dma_wait3A_1043 = tpu.memref_slice %arg6[%squeeze3A_395, %dma_wait3A_1042] : memref<336x256xf32, #tpu.memory_space<vmem>> -> memref<168x256xf32, #tpu.memory_space<vmem>>
    %dma_wait3A_1044 = arith.constant 168 : i32
    %dma_wait3A_1045 = arith.constant 0 : i32
    %dma_wait3A_1046 = tpu.memref_slice %arg4[%add3A_411, %dma_wait3A_1044, %dma_wait3A_1045] : memref<1024x336x256xf32, #tpu.memory_space<hbm>> -> memref<1x168x256xf32, #tpu.memory_space<hbm>>
    %dma_wait3A_1047 = tpu.memref_squeeze %dma_wait3A_1046 : memref<1x168x256xf32, #tpu.memory_space<hbm>> -> memref<168x256xf32, #tpu.memory_space<hbm>>
    %dma_wait3A_1048 = arith.constant 168 : i32
    %dma_wait3A_1049 = arith.constant 0 : i32
    %dma_wait3A_1050 = tpu.memref_slice %arg4[%add3A_411, %dma_wait3A_1048, %dma_wait3A_1049] : memref<1024x336x256xf32, #tpu.memory_space<hbm>> -> memref<1x168x256xf32, #tpu.memory_space<hbm>>
    %dma_wait3A_1051 = tpu.memref_squeeze %dma_wait3A_1050 : memref<1x168x256xf32, #tpu.memory_space<hbm>> -> memref<168x256xf32, #tpu.memory_space<hbm>>
    %dma_wait3A_1052 = arith.constant 0 : i32
    %dma_wait3A_1053 = tpu.memref_slice %arg6[%squeeze3A_395, %dma_wait3A_1052] : memref<336x256xf32, #tpu.memory_space<vmem>> -> memref<168x256xf32, #tpu.memory_space<vmem>>
    tpu.wait_dma2 semaphore(%arg8 : memref<!tpu.dma_semaphore, #tpu.memory_space<semaphore_mem>>) src(%dma_wait3A_1053 : memref<168x256xf32, #tpu.memory_space<vmem>>) dst(%dma_wait3A_1051 : memref<168x256xf32, #tpu.memory_space<hbm>>)
    %dma_wait3A_1054 = arith.constant 0 : i32
    %dma_wait3A_1055 = tpu.memref_slice %arg6[%squeeze3A_425, %dma_wait3A_1054] : memref<336x256xf32, #tpu.memory_space<vmem>> -> memref<168x256xf32, #tpu.memory_space<vmem>>
    %dma_wait3A_1056 = arith.constant 0 : i32
    %dma_wait3A_1057 = arith.constant 0 : i32
    %dma_wait3A_1058 = tpu.memref_slice %arg4[%add3A_427, %dma_wait3A_1056, %dma_wait3A_1057] : memref<1024x336x256xf32, #tpu.memory_space<hbm>> -> memref<1x168x256xf32, #tpu.memory_space<hbm>>
    %dma_wait3A_1059 = tpu.memref_squeeze %dma_wait3A_1058 : memref<1x168x256xf32, #tpu.memory_space<hbm>> -> memref<168x256xf32, #tpu.memory_space<hbm>>
    %dma_wait3A_1060 = arith.constant 0 : i32
    %dma_wait3A_1061 = arith.constant 0 : i32
    %dma_wait3A_1062 = tpu.memref_slice %arg4[%add3A_427, %dma_wait3A_1060, %dma_wait3A_1061] : memref<1024x336x256xf32, #tpu.memory_space<hbm>> -> memref<1x168x256xf32, #tpu.memory_space<hbm>>
    %dma_wait3A_1063 = tpu.memref_squeeze %dma_wait3A_1062 : memref<1x168x256xf32, #tpu.memory_space<hbm>> -> memref<168x256xf32, #tpu.memory_space<hbm>>
    %dma_wait3A_1064 = arith.constant 0 : i32
    %dma_wait3A_1065 = tpu.memref_slice %arg6[%squeeze3A_425, %dma_wait3A_1064] : memref<336x256xf32, #tpu.memory_space<vmem>> -> memref<168x256xf32, #tpu.memory_space<vmem>>
    tpu.wait_dma2 semaphore(%arg8 : memref<!tpu.dma_semaphore, #tpu.memory_space<semaphore_mem>>) src(%dma_wait3A_1065 : memref<168x256xf32, #tpu.memory_space<vmem>>) dst(%dma_wait3A_1063 : memref<168x256xf32, #tpu.memory_space<hbm>>)
    %dma_wait3A_1066 = arith.constant 0 : i32
    %dma_wait3A_1067 = tpu.memref_slice %arg6[%squeeze3A_425, %dma_wait3A_1066] : memref<336x256xf32, #tpu.memory_space<vmem>> -> memref<168x256xf32, #tpu.memory_space<vmem>>
    %dma_wait3A_1068 = arith.constant 168 : i32
    %dma_wait3A_1069 = arith.constant 0 : i32
    %dma_wait3A_1070 = tpu.memref_slice %arg4[%add3A_441, %dma_wait3A_1068, %dma_wait3A_1069] : memref<1024x336x256xf32, #tpu.memory_space<hbm>> -> memref<1x168x256xf32, #tpu.memory_space<hbm>>
    %dma_wait3A_1071 = tpu.memref_squeeze %dma_wait3A_1070 : memref<1x168x256xf32, #tpu.memory_space<hbm>> -> memref<168x256xf32, #tpu.memory_space<hbm>>
    %dma_wait3A_1072 = arith.constant 168 : i32
    %dma_wait3A_1073 = arith.constant 0 : i32
    %dma_wait3A_1074 = tpu.memref_slice %arg4[%add3A_441, %dma_wait3A_1072, %dma_wait3A_1073] : memref<1024x336x256xf32, #tpu.memory_space<hbm>> -> memref<1x168x256xf32, #tpu.memory_space<hbm>>
    %dma_wait3A_1075 = tpu.memref_squeeze %dma_wait3A_1074 : memref<1x168x256xf32, #tpu.memory_space<hbm>> -> memref<168x256xf32, #tpu.memory_space<hbm>>
    %dma_wait3A_1076 = arith.constant 0 : i32
    %dma_wait3A_1077 = tpu.memref_slice %arg6[%squeeze3A_425, %dma_wait3A_1076] : memref<336x256xf32, #tpu.memory_space<vmem>> -> memref<168x256xf32, #tpu.memory_space<vmem>>
    tpu.wait_dma2 semaphore(%arg8 : memref<!tpu.dma_semaphore, #tpu.memory_space<semaphore_mem>>) src(%dma_wait3A_1077 : memref<168x256xf32, #tpu.memory_space<vmem>>) dst(%dma_wait3A_1075 : memref<168x256xf32, #tpu.memory_space<hbm>>)
    %dma_wait3A_1078 = arith.constant 0 : i32
    %dma_wait3A_1079 = tpu.memref_slice %arg6[%squeeze3A_455, %dma_wait3A_1078] : memref<336x256xf32, #tpu.memory_space<vmem>> -> memref<168x256xf32, #tpu.memory_space<vmem>>
    %dma_wait3A_1080 = arith.constant 0 : i32
    %dma_wait3A_1081 = arith.constant 0 : i32
    %dma_wait3A_1082 = tpu.memref_slice %arg4[%add3A_457, %dma_wait3A_1080, %dma_wait3A_1081] : memref<1024x336x256xf32, #tpu.memory_space<hbm>> -> memref<1x168x256xf32, #tpu.memory_space<hbm>>
    %dma_wait3A_1083 = tpu.memref_squeeze %dma_wait3A_1082 : memref<1x168x256xf32, #tpu.memory_space<hbm>> -> memref<168x256xf32, #tpu.memory_space<hbm>>
    %dma_wait3A_1084 = arith.constant 0 : i32
    %dma_wait3A_1085 = arith.constant 0 : i32
    %dma_wait3A_1086 = tpu.memref_slice %arg4[%add3A_457, %dma_wait3A_1084, %dma_wait3A_1085] : memref<1024x336x256xf32, #tpu.memory_space<hbm>> -> memref<1x168x256xf32, #tpu.memory_space<hbm>>
    %dma_wait3A_1087 = tpu.memref_squeeze %dma_wait3A_1086 : memref<1x168x256xf32, #tpu.memory_space<hbm>> -> memref<168x256xf32, #tpu.memory_space<hbm>>
    %dma_wait3A_1088 = arith.constant 0 : i32
    %dma_wait3A_1089 = tpu.memref_slice %arg6[%squeeze3A_455, %dma_wait3A_1088] : memref<336x256xf32, #tpu.memory_space<vmem>> -> memref<168x256xf32, #tpu.memory_space<vmem>>
    tpu.wait_dma2 semaphore(%arg8 : memref<!tpu.dma_semaphore, #tpu.memory_space<semaphore_mem>>) src(%dma_wait3A_1089 : memref<168x256xf32, #tpu.memory_space<vmem>>) dst(%dma_wait3A_1087 : memref<168x256xf32, #tpu.memory_space<hbm>>)
    %dma_wait3A_1090 = arith.constant 0 : i32
    %dma_wait3A_1091 = tpu.memref_slice %arg6[%squeeze3A_455, %dma_wait3A_1090] : memref<336x256xf32, #tpu.memory_space<vmem>> -> memref<168x256xf32, #tpu.memory_space<vmem>>
    %dma_wait3A_1092 = arith.constant 168 : i32
    %dma_wait3A_1093 = arith.constant 0 : i32
    %dma_wait3A_1094 = tpu.memref_slice %arg4[%add3A_471, %dma_wait3A_1092, %dma_wait3A_1093] : memref<1024x336x256xf32, #tpu.memory_space<hbm>> -> memref<1x168x256xf32, #tpu.memory_space<hbm>>
    %dma_wait3A_1095 = tpu.memref_squeeze %dma_wait3A_1094 : memref<1x168x256xf32, #tpu.memory_space<hbm>> -> memref<168x256xf32, #tpu.memory_space<hbm>>
    %dma_wait3A_1096 = arith.constant 168 : i32
    %dma_wait3A_1097 = arith.constant 0 : i32
    %dma_wait3A_1098 = tpu.memref_slice %arg4[%add3A_471, %dma_wait3A_1096, %dma_wait3A_1097] : memref<1024x336x256xf32, #tpu.memory_space<hbm>> -> memref<1x168x256xf32, #tpu.memory_space<hbm>>
    %dma_wait3A_1099 = tpu.memref_squeeze %dma_wait3A_1098 : memref<1x168x256xf32, #tpu.memory_space<hbm>> -> memref<168x256xf32, #tpu.memory_space<hbm>>
    %dma_wait3A_1100 = arith.constant 0 : i32
    %dma_wait3A_1101 = tpu.memref_slice %arg6[%squeeze3A_455, %dma_wait3A_1100] : memref<336x256xf32, #tpu.memory_space<vmem>> -> memref<168x256xf32, #tpu.memory_space<vmem>>
    tpu.wait_dma2 semaphore(%arg8 : memref<!tpu.dma_semaphore, #tpu.memory_space<semaphore_mem>>) src(%dma_wait3A_1101 : memref<168x256xf32, #tpu.memory_space<vmem>>) dst(%dma_wait3A_1099 : memref<168x256xf32, #tpu.memory_space<hbm>>)
    %dma_wait3A_1102 = arith.constant 0 : i32
    %dma_wait3A_1103 = tpu.memref_slice %arg6[%squeeze3A_485, %dma_wait3A_1102] : memref<336x256xf32, #tpu.memory_space<vmem>> -> memref<168x256xf32, #tpu.memory_space<vmem>>
    %dma_wait3A_1104 = arith.constant 0 : i32
    %dma_wait3A_1105 = arith.constant 0 : i32
    %dma_wait3A_1106 = tpu.memref_slice %arg4[%add3A_487, %dma_wait3A_1104, %dma_wait3A_1105] : memref<1024x336x256xf32, #tpu.memory_space<hbm>> -> memref<1x168x256xf32, #tpu.memory_space<hbm>>
    %dma_wait3A_1107 = tpu.memref_squeeze %dma_wait3A_1106 : memref<1x168x256xf32, #tpu.memory_space<hbm>> -> memref<168x256xf32, #tpu.memory_space<hbm>>
    %dma_wait3A_1108 = arith.constant 0 : i32
    %dma_wait3A_1109 = arith.constant 0 : i32
    %dma_wait3A_1110 = tpu.memref_slice %arg4[%add3A_487, %dma_wait3A_1108, %dma_wait3A_1109] : memref<1024x336x256xf32, #tpu.memory_space<hbm>> -> memref<1x168x256xf32, #tpu.memory_space<hbm>>
    %dma_wait3A_1111 = tpu.memref_squeeze %dma_wait3A_1110 : memref<1x168x256xf32, #tpu.memory_space<hbm>> -> memref<168x256xf32, #tpu.memory_space<hbm>>
    %dma_wait3A_1112 = arith.constant 0 : i32
    %dma_wait3A_1113 = tpu.memref_slice %arg6[%squeeze3A_485, %dma_wait3A_1112] : memref<336x256xf32, #tpu.memory_space<vmem>> -> memref<168x256xf32, #tpu.memory_space<vmem>>
    tpu.wait_dma2 semaphore(%arg8 : memref<!tpu.dma_semaphore, #tpu.memory_space<semaphore_mem>>) src(%dma_wait3A_1113 : memref<168x256xf32, #tpu.memory_space<vmem>>) dst(%dma_wait3A_1111 : memref<168x256xf32, #tpu.memory_space<hbm>>)
    %dma_wait3A_1114 = arith.constant 0 : i32
    %dma_wait3A_1115 = tpu.memref_slice %arg6[%squeeze3A_485, %dma_wait3A_1114] : memref<336x256xf32, #tpu.memory_space<vmem>> -> memref<168x256xf32, #tpu.memory_space<vmem>>
    %dma_wait3A_1116 = arith.constant 168 : i32
    %dma_wait3A_1117 = arith.constant 0 : i32
    %dma_wait3A_1118 = tpu.memref_slice %arg4[%add3A_501, %dma_wait3A_1116, %dma_wait3A_1117] : memref<1024x336x256xf32, #tpu.memory_space<hbm>> -> memref<1x168x256xf32, #tpu.memory_space<hbm>>
    %dma_wait3A_1119 = tpu.memref_squeeze %dma_wait3A_1118 : memref<1x168x256xf32, #tpu.memory_space<hbm>> -> memref<168x256xf32, #tpu.memory_space<hbm>>
    %dma_wait3A_1120 = arith.constant 168 : i32
    %dma_wait3A_1121 = arith.constant 0 : i32
    %dma_wait3A_1122 = tpu.memref_slice %arg4[%add3A_501, %dma_wait3A_1120, %dma_wait3A_1121] : memref<1024x336x256xf32, #tpu.memory_space<hbm>> -> memref<1x168x256xf32, #tpu.memory_space<hbm>>
    %dma_wait3A_1123 = tpu.memref_squeeze %dma_wait3A_1122 : memref<1x168x256xf32, #tpu.memory_space<hbm>> -> memref<168x256xf32, #tpu.memory_space<hbm>>
    %dma_wait3A_1124 = arith.constant 0 : i32
    %dma_wait3A_1125 = tpu.memref_slice %arg6[%squeeze3A_485, %dma_wait3A_1124] : memref<336x256xf32, #tpu.memory_space<vmem>> -> memref<168x256xf32, #tpu.memory_space<vmem>>
    tpu.wait_dma2 semaphore(%arg8 : memref<!tpu.dma_semaphore, #tpu.memory_space<semaphore_mem>>) src(%dma_wait3A_1125 : memref<168x256xf32, #tpu.memory_space<vmem>>) dst(%dma_wait3A_1123 : memref<168x256xf32, #tpu.memory_space<hbm>>)
    %dma_wait3A_1126 = arith.constant 0 : i32
    %dma_wait3A_1127 = tpu.memref_slice %arg6[%squeeze3A_515, %dma_wait3A_1126] : memref<336x256xf32, #tpu.memory_space<vmem>> -> memref<168x256xf32, #tpu.memory_space<vmem>>
    %dma_wait3A_1128 = arith.constant 0 : i32
    %dma_wait3A_1129 = arith.constant 0 : i32
    %dma_wait3A_1130 = tpu.memref_slice %arg4[%add3A_517, %dma_wait3A_1128, %dma_wait3A_1129] : memref<1024x336x256xf32, #tpu.memory_space<hbm>> -> memref<1x168x256xf32, #tpu.memory_space<hbm>>
    %dma_wait3A_1131 = tpu.memref_squeeze %dma_wait3A_1130 : memref<1x168x256xf32, #tpu.memory_space<hbm>> -> memref<168x256xf32, #tpu.memory_space<hbm>>
    %dma_wait3A_1132 = arith.constant 0 : i32
    %dma_wait3A_1133 = arith.constant 0 : i32
    %dma_wait3A_1134 = tpu.memref_slice %arg4[%add3A_517, %dma_wait3A_1132, %dma_wait3A_1133] : memref<1024x336x256xf32, #tpu.memory_space<hbm>> -> memref<1x168x256xf32, #tpu.memory_space<hbm>>
    %dma_wait3A_1135 = tpu.memref_squeeze %dma_wait3A_1134 : memref<1x168x256xf32, #tpu.memory_space<hbm>> -> memref<168x256xf32, #tpu.memory_space<hbm>>
    %dma_wait3A_1136 = arith.constant 0 : i32
    %dma_wait3A_1137 = tpu.memref_slice %arg6[%squeeze3A_515, %dma_wait3A_1136] : memref<336x256xf32, #tpu.memory_space<vmem>> -> memref<168x256xf32, #tpu.memory_space<vmem>>
    tpu.wait_dma2 semaphore(%arg8 : memref<!tpu.dma_semaphore, #tpu.memory_space<semaphore_mem>>) src(%dma_wait3A_1137 : memref<168x256xf32, #tpu.memory_space<vmem>>) dst(%dma_wait3A_1135 : memref<168x256xf32, #tpu.memory_space<hbm>>)
    %dma_wait3A_1138 = arith.constant 0 : i32
    %dma_wait3A_1139 = tpu.memref_slice %arg6[%squeeze3A_515, %dma_wait3A_1138] : memref<336x256xf32, #tpu.memory_space<vmem>> -> memref<168x256xf32, #tpu.memory_space<vmem>>
    %dma_wait3A_1140 = arith.constant 168 : i32
    %dma_wait3A_1141 = arith.constant 0 : i32
    %dma_wait3A_1142 = tpu.memref_slice %arg4[%add3A_531, %dma_wait3A_1140, %dma_wait3A_1141] : memref<1024x336x256xf32, #tpu.memory_space<hbm>> -> memref<1x168x256xf32, #tpu.memory_space<hbm>>
    %dma_wait3A_1143 = tpu.memref_squeeze %dma_wait3A_1142 : memref<1x168x256xf32, #tpu.memory_space<hbm>> -> memref<168x256xf32, #tpu.memory_space<hbm>>
    %dma_wait3A_1144 = arith.constant 168 : i32
    %dma_wait3A_1145 = arith.constant 0 : i32
    %dma_wait3A_1146 = tpu.memref_slice %arg4[%add3A_531, %dma_wait3A_1144, %dma_wait3A_1145] : memref<1024x336x256xf32, #tpu.memory_space<hbm>> -> memref<1x168x256xf32, #tpu.memory_space<hbm>>
    %dma_wait3A_1147 = tpu.memref_squeeze %dma_wait3A_1146 : memref<1x168x256xf32, #tpu.memory_space<hbm>> -> memref<168x256xf32, #tpu.memory_space<hbm>>
    %dma_wait3A_1148 = arith.constant 0 : i32
    %dma_wait3A_1149 = tpu.memref_slice %arg6[%squeeze3A_515, %dma_wait3A_1148] : memref<336x256xf32, #tpu.memory_space<vmem>> -> memref<168x256xf32, #tpu.memory_space<vmem>>
    tpu.wait_dma2 semaphore(%arg8 : memref<!tpu.dma_semaphore, #tpu.memory_space<semaphore_mem>>) src(%dma_wait3A_1149 : memref<168x256xf32, #tpu.memory_space<vmem>>) dst(%dma_wait3A_1147 : memref<168x256xf32, #tpu.memory_space<hbm>>)
    %dma_wait3A_1150 = arith.constant 0 : i32
    %dma_wait3A_1151 = arith.constant 0 : i32
    %dma_wait3A_1152 = tpu.memref_slice %arg4[%add3A_547, %dma_wait3A_1150, %dma_wait3A_1151] : memref<1024x336x256xf32, #tpu.memory_space<hbm>> -> memref<1x336x256xf32, #tpu.memory_space<hbm>>
    %dma_wait3A_1153 = tpu.memref_squeeze %dma_wait3A_1152 : memref<1x336x256xf32, #tpu.memory_space<hbm>> -> memref<336x256xf32, #tpu.memory_space<hbm>>
    %dma_wait3A_1154 = arith.constant 0 : i32
    %dma_wait3A_1155 = tpu.memref_slice %arg7[%squeeze3A_545, %dma_wait3A_1154] : memref<504x256xf32, #tpu.memory_space<vmem_shared>> -> memref<336x256xf32, #tpu.memory_space<vmem_shared>>
    tpu.wait_dma2 semaphore(%arg8 : memref<!tpu.dma_semaphore, #tpu.memory_space<semaphore_mem>>) src(%dma_wait3A_1155 : memref<336x256xf32, #tpu.memory_space<vmem_shared>>) dst(%dma_wait3A_1153 : memref<336x256xf32, #tpu.memory_space<hbm>>)
    %dma_wait3A_1156 = arith.constant 0 : i32
    %dma_wait3A_1157 = arith.constant 0 : i32
    %dma_wait3A_1158 = tpu.memref_slice %arg4[%add3A_557, %dma_wait3A_1156, %dma_wait3A_1157] : memref<1024x336x256xf32, #tpu.memory_space<hbm>> -> memref<1x336x256xf32, #tpu.memory_space<hbm>>
    %dma_wait3A_1159 = tpu.memref_squeeze %dma_wait3A_1158 : memref<1x336x256xf32, #tpu.memory_space<hbm>> -> memref<336x256xf32, #tpu.memory_space<hbm>>
    %dma_wait3A_1160 = arith.constant 0 : i32
    %dma_wait3A_1161 = tpu.memref_slice %arg7[%squeeze3A_555, %dma_wait3A_1160] : memref<504x256xf32, #tpu.memory_space<vmem_shared>> -> memref<336x256xf32, #tpu.memory_space<vmem_shared>>
    tpu.wait_dma2 semaphore(%arg8 : memref<!tpu.dma_semaphore, #tpu.memory_space<semaphore_mem>>) src(%dma_wait3A_1161 : memref<336x256xf32, #tpu.memory_space<vmem_shared>>) dst(%dma_wait3A_1159 : memref<336x256xf32, #tpu.memory_space<hbm>>)
    %dma_wait3A_1162 = arith.constant 0 : i32
    %dma_wait3A_1163 = arith.constant 0 : i32
    %dma_wait3A_1164 = tpu.memref_slice %arg4[%add3A_567, %dma_wait3A_1162, %dma_wait3A_1163] : memref<1024x336x256xf32, #tpu.memory_space<hbm>> -> memref<1x336x256xf32, #tpu.memory_space<hbm>>
    %dma_wait3A_1165 = tpu.memref_squeeze %dma_wait3A_1164 : memref<1x336x256xf32, #tpu.memory_space<hbm>> -> memref<336x256xf32, #tpu.memory_space<hbm>>
    %dma_wait3A_1166 = arith.constant 0 : i32
    %dma_wait3A_1167 = tpu.memref_slice %arg7[%squeeze3A_565, %dma_wait3A_1166] : memref<504x256xf32, #tpu.memory_space<vmem_shared>> -> memref<336x256xf32, #tpu.memory_space<vmem_shared>>
    tpu.wait_dma2 semaphore(%arg8 : memref<!tpu.dma_semaphore, #tpu.memory_space<semaphore_mem>>) src(%dma_wait3A_1167 : memref<336x256xf32, #tpu.memory_space<vmem_shared>>) dst(%dma_wait3A_1165 : memref<336x256xf32, #tpu.memory_space<hbm>>)
    %dma_wait3A_1168 = arith.constant 0 : i32
    %dma_wait3A_1169 = tpu.memref_slice %arg6[%squeeze3A_575, %dma_wait3A_1168] : memref<336x256xf32, #tpu.memory_space<vmem>> -> memref<168x256xf32, #tpu.memory_space<vmem>>
    %dma_wait3A_1170 = arith.constant 0 : i32
    %dma_wait3A_1171 = arith.constant 0 : i32
    %dma_wait3A_1172 = tpu.memref_slice %arg4[%add3A_577, %dma_wait3A_1170, %dma_wait3A_1171] : memref<1024x336x256xf32, #tpu.memory_space<hbm>> -> memref<1x168x256xf32, #tpu.memory_space<hbm>>
    %dma_wait3A_1173 = tpu.memref_squeeze %dma_wait3A_1172 : memref<1x168x256xf32, #tpu.memory_space<hbm>> -> memref<168x256xf32, #tpu.memory_space<hbm>>
    %dma_wait3A_1174 = arith.constant 0 : i32
    %dma_wait3A_1175 = arith.constant 0 : i32
    %dma_wait3A_1176 = tpu.memref_slice %arg4[%add3A_577, %dma_wait3A_1174, %dma_wait3A_1175] : memref<1024x336x256xf32, #tpu.memory_space<hbm>> -> memref<1x168x256xf32, #tpu.memory_space<hbm>>
    %dma_wait3A_1177 = tpu.memref_squeeze %dma_wait3A_1176 : memref<1x168x256xf32, #tpu.memory_space<hbm>> -> memref<168x256xf32, #tpu.memory_space<hbm>>
    %dma_wait3A_1178 = arith.constant 0 : i32
    %dma_wait3A_1179 = tpu.memref_slice %arg6[%squeeze3A_575, %dma_wait3A_1178] : memref<336x256xf32, #tpu.memory_space<vmem>> -> memref<168x256xf32, #tpu.memory_space<vmem>>
    tpu.wait_dma2 semaphore(%arg8 : memref<!tpu.dma_semaphore, #tpu.memory_space<semaphore_mem>>) src(%dma_wait3A_1179 : memref<168x256xf32, #tpu.memory_space<vmem>>) dst(%dma_wait3A_1177 : memref<168x256xf32, #tpu.memory_space<hbm>>)
    %dma_wait3A_1180 = arith.constant 0 : i32
    %dma_wait3A_1181 = tpu.memref_slice %arg6[%squeeze3A_575, %dma_wait3A_1180] : memref<336x256xf32, #tpu.memory_space<vmem>> -> memref<168x256xf32, #tpu.memory_space<vmem>>
    %dma_wait3A_1182 = arith.constant 168 : i32
    %dma_wait3A_1183 = arith.constant 0 : i32
    %dma_wait3A_1184 = tpu.memref_slice %arg4[%add3A_591, %dma_wait3A_1182, %dma_wait3A_1183] : memref<1024x336x256xf32, #tpu.memory_space<hbm>> -> memref<1x168x256xf32, #tpu.memory_space<hbm>>
    %dma_wait3A_1185 = tpu.memref_squeeze %dma_wait3A_1184 : memref<1x168x256xf32, #tpu.memory_space<hbm>> -> memref<168x256xf32, #tpu.memory_space<hbm>>
    %dma_wait3A_1186 = arith.constant 168 : i32
    %dma_wait3A_1187 = arith.constant 0 : i32
    %dma_wait3A_1188 = tpu.memref_slice %arg4[%add3A_591, %dma_wait3A_1186, %dma_wait3A_1187] : memref<1024x336x256xf32, #tpu.memory_space<hbm>> -> memref<1x168x256xf32, #tpu.memory_space<hbm>>
    %dma_wait3A_1189 = tpu.memref_squeeze %dma_wait3A_1188 : memref<1x168x256xf32, #tpu.memory_space<hbm>> -> memref<168x256xf32, #tpu.memory_space<hbm>>
    %dma_wait3A_1190 = arith.constant 0 : i32
    %dma_wait3A_1191 = tpu.memref_slice %arg6[%squeeze3A_575, %dma_wait3A_1190] : memref<336x256xf32, #tpu.memory_space<vmem>> -> memref<168x256xf32, #tpu.memory_space<vmem>>
    tpu.wait_dma2 semaphore(%arg8 : memref<!tpu.dma_semaphore, #tpu.memory_space<semaphore_mem>>) src(%dma_wait3A_1191 : memref<168x256xf32, #tpu.memory_space<vmem>>) dst(%dma_wait3A_1189 : memref<168x256xf32, #tpu.memory_space<hbm>>)
    %dma_wait3A_1192 = arith.constant 0 : i32
    %dma_wait3A_1193 = tpu.memref_slice %arg6[%squeeze3A_605, %dma_wait3A_1192] : memref<336x256xf32, #tpu.memory_space<vmem>> -> memref<168x256xf32, #tpu.memory_space<vmem>>
    %dma_wait3A_1194 = arith.constant 0 : i32
    %dma_wait3A_1195 = arith.constant 0 : i32
    %dma_wait3A_1196 = tpu.memref_slice %arg4[%add3A_607, %dma_wait3A_1194, %dma_wait3A_1195] : memref<1024x336x256xf32, #tpu.memory_space<hbm>> -> memref<1x168x256xf32, #tpu.memory_space<hbm>>
    %dma_wait3A_1197 = tpu.memref_squeeze %dma_wait3A_1196 : memref<1x168x256xf32, #tpu.memory_space<hbm>> -> memref<168x256xf32, #tpu.memory_space<hbm>>
    %dma_wait3A_1198 = arith.constant 0 : i32
    %dma_wait3A_1199 = arith.constant 0 : i32
    %dma_wait3A_1200 = tpu.memref_slice %arg4[%add3A_607, %dma_wait3A_1198, %dma_wait3A_1199] : memref<1024x336x256xf32, #tpu.memory_space<hbm>> -> memref<1x168x256xf32, #tpu.memory_space<hbm>>
    %dma_wait3A_1201 = tpu.memref_squeeze %dma_wait3A_1200 : memref<1x168x256xf32, #tpu.memory_space<hbm>> -> memref<168x256xf32, #tpu.memory_space<hbm>>
    %dma_wait3A_1202 = arith.constant 0 : i32
    %dma_wait3A_1203 = tpu.memref_slice %arg6[%squeeze3A_605, %dma_wait3A_1202] : memref<336x256xf32, #tpu.memory_space<vmem>> -> memref<168x256xf32, #tpu.memory_space<vmem>>
    tpu.wait_dma2 semaphore(%arg8 : memref<!tpu.dma_semaphore, #tpu.memory_space<semaphore_mem>>) src(%dma_wait3A_1203 : memref<168x256xf32, #tpu.memory_space<vmem>>) dst(%dma_wait3A_1201 : memref<168x256xf32, #tpu.memory_space<hbm>>)
    %dma_wait3A_1204 = arith.constant 0 : i32
    %dma_wait3A_1205 = tpu.memref_slice %arg6[%squeeze3A_605, %dma_wait3A_1204] : memref<336x256xf32, #tpu.memory_space<vmem>> -> memref<168x256xf32, #tpu.memory_space<vmem>>
    %dma_wait3A_1206 = arith.constant 168 : i32
    %dma_wait3A_1207 = arith.constant 0 : i32
    %dma_wait3A_1208 = tpu.memref_slice %arg4[%add3A_621, %dma_wait3A_1206, %dma_wait3A_1207] : memref<1024x336x256xf32, #tpu.memory_space<hbm>> -> memref<1x168x256xf32, #tpu.memory_space<hbm>>
    %dma_wait3A_1209 = tpu.memref_squeeze %dma_wait3A_1208 : memref<1x168x256xf32, #tpu.memory_space<hbm>> -> memref<168x256xf32, #tpu.memory_space<hbm>>
    %dma_wait3A_1210 = arith.constant 168 : i32
    %dma_wait3A_1211 = arith.constant 0 : i32
    %dma_wait3A_1212 = tpu.memref_slice %arg4[%add3A_621, %dma_wait3A_1210, %dma_wait3A_1211] : memref<1024x336x256xf32, #tpu.memory_space<hbm>> -> memref<1x168x256xf32, #tpu.memory_space<hbm>>
    %dma_wait3A_1213 = tpu.memref_squeeze %dma_wait3A_1212 : memref<1x168x256xf32, #tpu.memory_space<hbm>> -> memref<168x256xf32, #tpu.memory_space<hbm>>
    %dma_wait3A_1214 = arith.constant 0 : i32
    %dma_wait3A_1215 = tpu.memref_slice %arg6[%squeeze3A_605, %dma_wait3A_1214] : memref<336x256xf32, #tpu.memory_space<vmem>> -> memref<168x256xf32, #tpu.memory_space<vmem>>
    tpu.wait_dma2 semaphore(%arg8 : memref<!tpu.dma_semaphore, #tpu.memory_space<semaphore_mem>>) src(%dma_wait3A_1215 : memref<168x256xf32, #tpu.memory_space<vmem>>) dst(%dma_wait3A_1213 : memref<168x256xf32, #tpu.memory_space<hbm>>)
    %dma_wait3A_1216 = arith.constant 0 : i32
    %dma_wait3A_1217 = tpu.memref_slice %arg6[%squeeze3A_635, %dma_wait3A_1216] : memref<336x256xf32, #tpu.memory_space<vmem>> -> memref<168x256xf32, #tpu.memory_space<vmem>>
    %dma_wait3A_1218 = arith.constant 0 : i32
    %dma_wait3A_1219 = arith.constant 0 : i32
    %dma_wait3A_1220 = tpu.memref_slice %arg4[%add3A_637, %dma_wait3A_1218, %dma_wait3A_1219] : memref<1024x336x256xf32, #tpu.memory_space<hbm>> -> memref<1x168x256xf32, #tpu.memory_space<hbm>>
    %dma_wait3A_1221 = tpu.memref_squeeze %dma_wait3A_1220 : memref<1x168x256xf32, #tpu.memory_space<hbm>> -> memref<168x256xf32, #tpu.memory_space<hbm>>
    %dma_wait3A_1222 = arith.constant 0 : i32
    %dma_wait3A_1223 = arith.constant 0 : i32
    %dma_wait3A_1224 = tpu.memref_slice %arg4[%add3A_637, %dma_wait3A_1222, %dma_wait3A_1223] : memref<1024x336x256xf32, #tpu.memory_space<hbm>> -> memref<1x168x256xf32, #tpu.memory_space<hbm>>
    %dma_wait3A_1225 = tpu.memref_squeeze %dma_wait3A_1224 : memref<1x168x256xf32, #tpu.memory_space<hbm>> -> memref<168x256xf32, #tpu.memory_space<hbm>>
    %dma_wait3A_1226 = arith.constant 0 : i32
    %dma_wait3A_1227 = tpu.memref_slice %arg6[%squeeze3A_635, %dma_wait3A_1226] : memref<336x256xf32, #tpu.memory_space<vmem>> -> memref<168x256xf32, #tpu.memory_space<vmem>>
    tpu.wait_dma2 semaphore(%arg8 : memref<!tpu.dma_semaphore, #tpu.memory_space<semaphore_mem>>) src(%dma_wait3A_1227 : memref<168x256xf32, #tpu.memory_space<vmem>>) dst(%dma_wait3A_1225 : memref<168x256xf32, #tpu.memory_space<hbm>>)
    %dma_wait3A_1228 = arith.constant 0 : i32
    %dma_wait3A_1229 = tpu.memref_slice %arg6[%squeeze3A_635, %dma_wait3A_1228] : memref<336x256xf32, #tpu.memory_space<vmem>> -> memref<168x256xf32, #tpu.memory_space<vmem>>
    %dma_wait3A_1230 = arith.constant 168 : i32
    %dma_wait3A_1231 = arith.constant 0 : i32
    %dma_wait3A_1232 = tpu.memref_slice %arg4[%add3A_651, %dma_wait3A_1230, %dma_wait3A_1231] : memref<1024x336x256xf32, #tpu.memory_space<hbm>> -> memref<1x168x256xf32, #tpu.memory_space<hbm>>
    %dma_wait3A_1233 = tpu.memref_squeeze %dma_wait3A_1232 : memref<1x168x256xf32, #tpu.memory_space<hbm>> -> memref<168x256xf32, #tpu.memory_space<hbm>>
    %dma_wait3A_1234 = arith.constant 168 : i32
    %dma_wait3A_1235 = arith.constant 0 : i32
    %dma_wait3A_1236 = tpu.memref_slice %arg4[%add3A_651, %dma_wait3A_1234, %dma_wait3A_1235] : memref<1024x336x256xf32, #tpu.memory_space<hbm>> -> memref<1x168x256xf32, #tpu.memory_space<hbm>>
    %dma_wait3A_1237 = tpu.memref_squeeze %dma_wait3A_1236 : memref<1x168x256xf32, #tpu.memory_space<hbm>> -> memref<168x256xf32, #tpu.memory_space<hbm>>
    %dma_wait3A_1238 = arith.constant 0 : i32
    %dma_wait3A_1239 = tpu.memref_slice %arg6[%squeeze3A_635, %dma_wait3A_1238] : memref<336x256xf32, #tpu.memory_space<vmem>> -> memref<168x256xf32, #tpu.memory_space<vmem>>
    tpu.wait_dma2 semaphore(%arg8 : memref<!tpu.dma_semaphore, #tpu.memory_space<semaphore_mem>>) src(%dma_wait3A_1239 : memref<168x256xf32, #tpu.memory_space<vmem>>) dst(%dma_wait3A_1237 : memref<168x256xf32, #tpu.memory_space<hbm>>)
    %dma_wait3A_1240 = arith.constant 0 : i32
    %dma_wait3A_1241 = tpu.memref_slice %arg6[%squeeze3A_665, %dma_wait3A_1240] : memref<336x256xf32, #tpu.memory_space<vmem>> -> memref<168x256xf32, #tpu.memory_space<vmem>>
    %dma_wait3A_1242 = arith.constant 0 : i32
    %dma_wait3A_1243 = arith.constant 0 : i32
    %dma_wait3A_1244 = tpu.memref_slice %arg4[%add3A_667, %dma_wait3A_1242, %dma_wait3A_1243] : memref<1024x336x256xf32, #tpu.memory_space<hbm>> -> memref<1x168x256xf32, #tpu.memory_space<hbm>>
    %dma_wait3A_1245 = tpu.memref_squeeze %dma_wait3A_1244 : memref<1x168x256xf32, #tpu.memory_space<hbm>> -> memref<168x256xf32, #tpu.memory_space<hbm>>
    %dma_wait3A_1246 = arith.constant 0 : i32
    %dma_wait3A_1247 = arith.constant 0 : i32
    %dma_wait3A_1248 = tpu.memref_slice %arg4[%add3A_667, %dma_wait3A_1246, %dma_wait3A_1247] : memref<1024x336x256xf32, #tpu.memory_space<hbm>> -> memref<1x168x256xf32, #tpu.memory_space<hbm>>
    %dma_wait3A_1249 = tpu.memref_squeeze %dma_wait3A_1248 : memref<1x168x256xf32, #tpu.memory_space<hbm>> -> memref<168x256xf32, #tpu.memory_space<hbm>>
    %dma_wait3A_1250 = arith.constant 0 : i32
    %dma_wait3A_1251 = tpu.memref_slice %arg6[%squeeze3A_665, %dma_wait3A_1250] : memref<336x256xf32, #tpu.memory_space<vmem>> -> memref<168x256xf32, #tpu.memory_space<vmem>>
    tpu.wait_dma2 semaphore(%arg8 : memref<!tpu.dma_semaphore, #tpu.memory_space<semaphore_mem>>) src(%dma_wait3A_1251 : memref<168x256xf32, #tpu.memory_space<vmem>>) dst(%dma_wait3A_1249 : memref<168x256xf32, #tpu.memory_space<hbm>>)
    %dma_wait3A_1252 = arith.constant 0 : i32
    %dma_wait3A_1253 = tpu.memref_slice %arg6[%squeeze3A_665, %dma_wait3A_1252] : memref<336x256xf32, #tpu.memory_space<vmem>> -> memref<168x256xf32, #tpu.memory_space<vmem>>
    %dma_wait3A_1254 = arith.constant 168 : i32
    %dma_wait3A_1255 = arith.constant 0 : i32
    %dma_wait3A_1256 = tpu.memref_slice %arg4[%add3A_681, %dma_wait3A_1254, %dma_wait3A_1255] : memref<1024x336x256xf32, #tpu.memory_space<hbm>> -> memref<1x168x256xf32, #tpu.memory_space<hbm>>
    %dma_wait3A_1257 = tpu.memref_squeeze %dma_wait3A_1256 : memref<1x168x256xf32, #tpu.memory_space<hbm>> -> memref<168x256xf32, #tpu.memory_space<hbm>>
    %dma_wait3A_1258 = arith.constant 168 : i32
    %dma_wait3A_1259 = arith.constant 0 : i32
    %dma_wait3A_1260 = tpu.memref_slice %arg4[%add3A_681, %dma_wait3A_1258, %dma_wait3A_1259] : memref<1024x336x256xf32, #tpu.memory_space<hbm>> -> memref<1x168x256xf32, #tpu.memory_space<hbm>>
    %dma_wait3A_1261 = tpu.memref_squeeze %dma_wait3A_1260 : memref<1x168x256xf32, #tpu.memory_space<hbm>> -> memref<168x256xf32, #tpu.memory_space<hbm>>
    %dma_wait3A_1262 = arith.constant 0 : i32
    %dma_wait3A_1263 = tpu.memref_slice %arg6[%squeeze3A_665, %dma_wait3A_1262] : memref<336x256xf32, #tpu.memory_space<vmem>> -> memref<168x256xf32, #tpu.memory_space<vmem>>
    tpu.wait_dma2 semaphore(%arg8 : memref<!tpu.dma_semaphore, #tpu.memory_space<semaphore_mem>>) src(%dma_wait3A_1263 : memref<168x256xf32, #tpu.memory_space<vmem>>) dst(%dma_wait3A_1261 : memref<168x256xf32, #tpu.memory_space<hbm>>)
    %dma_wait3A_1264 = arith.constant 0 : i32
    %dma_wait3A_1265 = tpu.memref_slice %arg6[%squeeze3A_695, %dma_wait3A_1264] : memref<336x256xf32, #tpu.memory_space<vmem>> -> memref<168x256xf32, #tpu.memory_space<vmem>>
    %dma_wait3A_1266 = arith.constant 0 : i32
    %dma_wait3A_1267 = arith.constant 0 : i32
    %dma_wait3A_1268 = tpu.memref_slice %arg4[%add3A_697, %dma_wait3A_1266, %dma_wait3A_1267] : memref<1024x336x256xf32, #tpu.memory_space<hbm>> -> memref<1x168x256xf32, #tpu.memory_space<hbm>>
    %dma_wait3A_1269 = tpu.memref_squeeze %dma_wait3A_1268 : memref<1x168x256xf32, #tpu.memory_space<hbm>> -> memref<168x256xf32, #tpu.memory_space<hbm>>
    %dma_wait3A_1270 = arith.constant 0 : i32
    %dma_wait3A_1271 = arith.constant 0 : i32
    %dma_wait3A_1272 = tpu.memref_slice %arg4[%add3A_697, %dma_wait3A_1270, %dma_wait3A_1271] : memref<1024x336x256xf32, #tpu.memory_space<hbm>> -> memref<1x168x256xf32, #tpu.memory_space<hbm>>
    %dma_wait3A_1273 = tpu.memref_squeeze %dma_wait3A_1272 : memref<1x168x256xf32, #tpu.memory_space<hbm>> -> memref<168x256xf32, #tpu.memory_space<hbm>>
    %dma_wait3A_1274 = arith.constant 0 : i32
    %dma_wait3A_1275 = tpu.memref_slice %arg6[%squeeze3A_695, %dma_wait3A_1274] : memref<336x256xf32, #tpu.memory_space<vmem>> -> memref<168x256xf32, #tpu.memory_space<vmem>>
    tpu.wait_dma2 semaphore(%arg8 : memref<!tpu.dma_semaphore, #tpu.memory_space<semaphore_mem>>) src(%dma_wait3A_1275 : memref<168x256xf32, #tpu.memory_space<vmem>>) dst(%dma_wait3A_1273 : memref<168x256xf32, #tpu.memory_space<hbm>>)
    %dma_wait3A_1276 = arith.constant 0 : i32
    %dma_wait3A_1277 = tpu.memref_slice %arg6[%squeeze3A_695, %dma_wait3A_1276] : memref<336x256xf32, #tpu.memory_space<vmem>> -> memref<168x256xf32, #tpu.memory_space<vmem>>
    %dma_wait3A_1278 = arith.constant 168 : i32
    %dma_wait3A_1279 = arith.constant 0 : i32
    %dma_wait3A_1280 = tpu.memref_slice %arg4[%add3A_711, %dma_wait3A_1278, %dma_wait3A_1279] : memref<1024x336x256xf32, #tpu.memory_space<hbm>> -> memref<1x168x256xf32, #tpu.memory_space<hbm>>
    %dma_wait3A_1281 = tpu.memref_squeeze %dma_wait3A_1280 : memref<1x168x256xf32, #tpu.memory_space<hbm>> -> memref<168x256xf32, #tpu.memory_space<hbm>>
    %dma_wait3A_1282 = arith.constant 168 : i32
    %dma_wait3A_1283 = arith.constant 0 : i32
    %dma_wait3A_1284 = tpu.memref_slice %arg4[%add3A_711, %dma_wait3A_1282, %dma_wait3A_1283] : memref<1024x336x256xf32, #tpu.memory_space<hbm>> -> memref<1x168x256xf32, #tpu.memory_space<hbm>>
    %dma_wait3A_1285 = tpu.memref_squeeze %dma_wait3A_1284 : memref<1x168x256xf32, #tpu.memory_space<hbm>> -> memref<168x256xf32, #tpu.memory_space<hbm>>
    %dma_wait3A_1286 = arith.constant 0 : i32
    %dma_wait3A_1287 = tpu.memref_slice %arg6[%squeeze3A_695, %dma_wait3A_1286] : memref<336x256xf32, #tpu.memory_space<vmem>> -> memref<168x256xf32, #tpu.memory_space<vmem>>
    tpu.wait_dma2 semaphore(%arg8 : memref<!tpu.dma_semaphore, #tpu.memory_space<semaphore_mem>>) src(%dma_wait3A_1287 : memref<168x256xf32, #tpu.memory_space<vmem>>) dst(%dma_wait3A_1285 : memref<168x256xf32, #tpu.memory_space<hbm>>)
    %dma_wait3A_1288 = arith.constant 0 : i32
    %dma_wait3A_1289 = arith.constant 0 : i32
    %dma_wait3A_1290 = tpu.memref_slice %arg4[%add3A_727, %dma_wait3A_1288, %dma_wait3A_1289] : memref<1024x336x256xf32, #tpu.memory_space<hbm>> -> memref<1x336x256xf32, #tpu.memory_space<hbm>>
    %dma_wait3A_1291 = tpu.memref_squeeze %dma_wait3A_1290 : memref<1x336x256xf32, #tpu.memory_space<hbm>> -> memref<336x256xf32, #tpu.memory_space<hbm>>
    %dma_wait3A_1292 = arith.constant 0 : i32
    %dma_wait3A_1293 = tpu.memref_slice %arg7[%squeeze3A_725, %dma_wait3A_1292] : memref<504x256xf32, #tpu.memory_space<vmem_shared>> -> memref<336x256xf32, #tpu.memory_space<vmem_shared>>
    tpu.wait_dma2 semaphore(%arg8 : memref<!tpu.dma_semaphore, #tpu.memory_space<semaphore_mem>>) src(%dma_wait3A_1293 : memref<336x256xf32, #tpu.memory_space<vmem_shared>>) dst(%dma_wait3A_1291 : memref<336x256xf32, #tpu.memory_space<hbm>>)
    %dma_wait3A_1294 = arith.constant 0 : i32
    %dma_wait3A_1295 = arith.constant 0 : i32
    %dma_wait3A_1296 = tpu.memref_slice %arg4[%add3A_737, %dma_wait3A_1294, %dma_wait3A_1295] : memref<1024x336x256xf32, #tpu.memory_space<hbm>> -> memref<1x336x256xf32, #tpu.memory_space<hbm>>
    %dma_wait3A_1297 = tpu.memref_squeeze %dma_wait3A_1296 : memref<1x336x256xf32, #tpu.memory_space<hbm>> -> memref<336x256xf32, #tpu.memory_space<hbm>>
    %dma_wait3A_1298 = arith.constant 0 : i32
    %dma_wait3A_1299 = tpu.memref_slice %arg7[%squeeze3A_735, %dma_wait3A_1298] : memref<504x256xf32, #tpu.memory_space<vmem_shared>> -> memref<336x256xf32, #tpu.memory_space<vmem_shared>>
    tpu.wait_dma2 semaphore(%arg8 : memref<!tpu.dma_semaphore, #tpu.memory_space<semaphore_mem>>) src(%dma_wait3A_1299 : memref<336x256xf32, #tpu.memory_space<vmem_shared>>) dst(%dma_wait3A_1297 : memref<336x256xf32, #tpu.memory_space<hbm>>)
    %dma_wait3A_1300 = arith.constant 0 : i32
    %dma_wait3A_1301 = arith.constant 0 : i32
    %dma_wait3A_1302 = tpu.memref_slice %arg4[%add3A_747, %dma_wait3A_1300, %dma_wait3A_1301] : memref<1024x336x256xf32, #tpu.memory_space<hbm>> -> memref<1x336x256xf32, #tpu.memory_space<hbm>>
    %dma_wait3A_1303 = tpu.memref_squeeze %dma_wait3A_1302 : memref<1x336x256xf32, #tpu.memory_space<hbm>> -> memref<336x256xf32, #tpu.memory_space<hbm>>
    %dma_wait3A_1304 = arith.constant 0 : i32
    %dma_wait3A_1305 = tpu.memref_slice %arg7[%squeeze3A_745, %dma_wait3A_1304] : memref<504x256xf32, #tpu.memory_space<vmem_shared>> -> memref<336x256xf32, #tpu.memory_space<vmem_shared>>
    tpu.wait_dma2 semaphore(%arg8 : memref<!tpu.dma_semaphore, #tpu.memory_space<semaphore_mem>>) src(%dma_wait3A_1305 : memref<336x256xf32, #tpu.memory_space<vmem_shared>>) dst(%dma_wait3A_1303 : memref<336x256xf32, #tpu.memory_space<hbm>>)
    return
  }
}

</mosaic_0001>

<sc_bundles>
// kernel: kernel.3.cloned.1.call-start
scs
__scs_entry_jumppad:
0x0: {  	(pc) =	sbr.rel $0x88, $3  }
0x1: {  	(tag) =	ssettag $0x0;
	lr =	simm.s32 $0x1  }
0x2: {  	[smem:$0x3F9E] =	sst lr;
	_ =	strace $0xD0000000  }
0x3: {  	_ = 	snop  }
0x4: {  	_ = 	snop  }
0x5: {  	_ = 	snop  }
0x6: {  	_ = 	snop  }
0x7: {  	_ = 	snop  }
__scs_overlays_trampoline_lowered:
0x8: {  	[smem:$0x3FAD] =	sst s0  }
0x9: {  	[smem:$0x3FAE] =	sst s1  }
0xa: {  	[smem:$0x3FAF] =	sst s2  }
0xb: {  	[smem:$0x3FB0] =	sst s3  }
0xc: {  	[smem:$0x3FB1] =	sst s4  }
0xd: {  	[smem:$0x3FB2] =	sst s5  }
0xe: {  	[smem:$0x3FB3] =	sst s6  }
0xf: {  	[smem:$0x3FB4] =	sst s7  }
0x10: {  	[smem:$0x3FB5] =	sst s8  }
0x11: {  	[smem:$0x3FB6] =	sst s9;
	s0 =	simm.s32 @!p0 $0x0  }
0x12: {  	s1 =	sld [smem:$0x3F9C];
	s0 =	simm.s32 @p0 $0x1  }
0x13: {  	[smem:$0x3FB7] =	sst s0;
	s0 =	simm.s32 @!p1 $0x0  }
0x14: {  	s2 =	sld [smem:$0x3F9B];
	s0 =	simm.s32 @p1 $0x1  }
0x15: {  	[smem:$0x3FB8] =	sst s0;
	s0 =	simm.s32 @!p2 $0x0  }
0x16: {  	s3 =	sld [smem:$0x3FDB];
	s0 =	simm.s32 @p2 $0x1  }
0x17: {  	s4 =	simm.s32 $0x1BF5;
	[smem:$0x3FBA] =	sst s0  }
0x18: {  	s0 =	sld [smem:$0x3F9D];
	_ =	swait.ge [sflag:s4], $0x0  }
0x19: {  	s7 =	sld [smem:$0x3F9E]  }
0x1a: {  	s8 =	sadd.s32 $0xFFFFE003, lr  }
0x1b: {  	s9 =	sadd.s32 $0xFFFFFEF7, lr;
	s5 =	simm.s32 $0xFFFFFFFF;
	p2 =	slt.u32 s8, $0xFFFFF086  }
0x1c: {  	p1 =	slt.u32 s9, $0xF7A;
	s5 =	simm.s32 @!p2 $0x0  }
0x1d: {  	s5 =	simm.s32 @p1 $0x1;
	p0 =	seq.s32 s7, s2  }
0x1e: {  	s7 =	smul.u32 @!p0 $0xF7A, s2;
	p2 =	seq.s32 @!p0 s5, $0x0  }
0x1f: {  	s9 =	smul.u32 $0xF7A, s1;
	s8 =	simm.s32 @!p0 $0x1BF5;
	p2 =	por !p2, p0  }
0x20: {  	[sflag:s8] =	ssyncset.s32 @!p0 $0xFFFFF086;
	s6 =	sadd.s32 @!p0 s3, s7;
	s7 =	simm.s32 @!p0 $0x108  }
0x21: {  	s3 =	sadd.s32 s3, s9;
	s6 =	sadd.s32 @!p0 $0x88, s6;
	s7 =	simm.s32 @p2 $0x1082  }
0x22: {  	[simem:s7], [sflag:s8] =	dma.local @!p0 [hbm:s6], $0xF7A  }
0x23: {  	s9 =	sor.u32 $0xD0000000, s2;
	s6 =	simm.s32 $0x108;
	_ =	swait.ge @!p0 [sflag:s8], $0x0  }
0x24: {  	s3 =	sadd.s32 $0x88, s3;
	s6 =	simm.s32 @!p1 $0x1082;
	[sflag:s4] =	ssyncset.s32 $0xFFFFF086  }
0x25: {  	[simem:s6], [sflag:s4] =	dma.local [hbm:s3], $0xF7A  }
0x26: {  	[smem:$0x3F9E] =	sst s1;
	(tag) =	ssettag s2;
	_ =	strace s9  }
0x27: {  	s1 =	sld [smem:$0x3FAE]  }
0x28: {  	s2 =	sld [smem:$0x3FAF]  }
0x29: {  	s4 =	sld [smem:$0x3FB1]  }
0x2a: {  	p0 =	seq.s32 s5, $0x0;
	s5 =	sld [smem:$0x3FB2]  }
0x2b: {  	s6 =	sld [smem:$0x3FB3]  }
0x2c: {  	s7 =	sld [smem:$0x3FB4]  }
0x2d: {  	s3 =	simm.s32 $0x108;
	s8 =	sld [smem:$0x3FB5]  }
0x2e: {  	s3 =	simm.s32 @!p0 $0x1082;
	s9 =	sld [smem:$0x3FB6]  }
0x2f: {  	lr =	sadd.s32 s0, s3;
	s0 =	sld [smem:$0x3FAD]  }
0x30: {  	s3 =	sld [smem:$0x3FB0]  }
0x31: {  	[smem:$0x3FB9] =	sst s10  }
0x32: {  	s10 =	sld [smem:$0x3FB7];
	_ =	sdelay $0x3  }
0x33: {  	p0 =	seq.s32 s10, $0x1;
	s10 =	sld [smem:$0x3FB9];
	_ =	sdelay $0x3  }
0x34: {  	[smem:$0x3FB9] =	sst s10  }
0x35: {  	s10 =	sld [smem:$0x3FB8];
	_ =	sdelay $0x3  }
0x36: {  	p1 =	seq.s32 s10, $0x1;
	s10 =	sld [smem:$0x3FB9];
	_ =	sdelay $0x3  }
0x37: {  	[smem:$0x3FB9] =	sst s10  }
0x38: {  	s10 =	sld [smem:$0x3FBA]  }
0x39: {  	_ = 	snop;
	(pc) =	sbr.ind lr, $3  }
0x3a: {  	_ = 	snop  }
0x3b: {  	_ = 	snop  }
0x3c: {  	p2 =	seq.s32 s10, $0x1;
	s10 =	sld [smem:$0x3FB9]  }
0x3d: {  	_ =	shalt  }
0x3e: {  	_ =	shalt  }
0x3f: {  	_ =	shalt  }
0x40: {  	_ =	shalt  }
0x41: {  	_ =	shalt  }
0x42: {  	_ =	shalt  }
0x43: {  	_ =	shalt  }
0x44: {  	_ =	shalt  }
0x45: {  	_ =	shalt  }
0x46: {  	_ =	shalt  }
0x47: {  	_ =	shalt  }
0x48: {  	_ =	shalt  }
0x49: {  	_ =	shalt  }
0x4a: {  	_ =	shalt  }
0x4b: {  	_ =	shalt  }
0x4c: {  	_ =	shalt  }
0x4d: {  	_ =	shalt  }
0x4e: {  	_ =	shalt  }
0x4f: {  	_ =	shalt  }
0x50: {  	_ =	shalt  }
0x51: {  	_ =	shalt  }
0x52: {  	_ =	shalt  }
0x53: {  	_ =	shalt  }
0x54: {  	_ =	shalt  }
0x55: {  	_ =	shalt  }
0x56: {  	_ =	shalt  }
0x57: {  	_ =	shalt  }
0x58: {  	_ =	shalt  }
0x59: {  	_ =	shalt  }
0x5a: {  	_ =	shalt  }
0x5b: {  	_ =	shalt  }
0x5c: {  	_ =	shalt  }
0x5d: {  	_ =	shalt  }
0x5e: {  	_ =	shalt  }
0x5f: {  	_ =	shalt  }
0x60: {  	_ =	shalt  }
0x61: {  	_ =	shalt  }
0x62: {  	_ =	shalt  }
0x63: {  	_ =	shalt  }
0x64: {  	_ =	shalt  }
0x65: {  	_ =	shalt  }
0x66: {  	_ =	shalt  }
0x67: {  	_ =	shalt  }
0x68: {  	_ =	shalt  }
0x69: {  	_ =	shalt  }
0x6a: {  	_ =	shalt  }
0x6b: {  	_ =	shalt  }
0x6c: {  	_ =	shalt  }
0x6d: {  	_ =	shalt  }
0x6e: {  	_ =	shalt  }
0x6f: {  	_ =	shalt  }
0x70: {  	_ =	shalt  }
0x71: {  	_ =	shalt  }
0x72: {  	_ =	shalt  }
0x73: {  	_ =	shalt  }
0x74: {  	_ =	shalt  }
0x75: {  	_ =	shalt  }
0x76: {  	_ =	shalt  }
0x77: {  	_ =	shalt  }
0x78: {  	_ =	shalt  }
0x79: {  	_ =	shalt  }
0x7a: {  	_ =	shalt  }
0x7b: {  	_ =	shalt  }
0x7c: {  	_ =	shalt  }
0x7d: {  	_ =	shalt  }
0x7e: {  	_ =	shalt  }
0x7f: {  	_ =	shalt  }
0x80: {  	_ =	shalt  }
0x81: {  	_ =	shalt  }
0x82: {  	_ =	shalt  }
0x83: {  	_ =	shalt  }
0x84: {  	_ =	shalt  }
0x85: {  	_ =	shalt  }
0x86: {  	_ =	shalt  }
0x87: {  	_ =	shalt  }
.Lfunc_end0:
.L_simem_size_0:
called_computation_lowered:
.L_overlay_start_0:
0x88: {  	s2 =	sld [smem:$0x3FD9]  }
0x89: {  	s3 =	sld [smem:$0x3FFE];
	_ =	sdelay $0x1  }
0x8a: {  	s1 =	srdreg.scid  }
0x8b: {  	s0 =	sand.u32 $0x1, s1  }
0x8c: {  	s17 =	sshll.u32 s0, $0xA;
	s2 =	sadd.s32 s3, s2  }
0x8d: {  	s2 =	sadd.s32 s2, s17  }
0x8e: {  	[smem:$0x3FC5] =	sst s2  }
0x8f: {  	_ = 	snop  }
0x90: {  	s2 =	sld [smem:$0x3FD0];
	(tm) =	ssettm $0x1  }
0x91: {  	s18 =	sld [smem:$0x3FFB];
	_ =	sdelay $0x3  }
0x92: {  	_ =	strace s18  }
0x93: {  	s3 =	sld [smem:$0x3FFC];
	_ =	sdelay $0x3  }
0x94: {  	_ =	strace s3  }
0x95: {  	s3 =	sld [smem:$0x3FFD];
	_ =	sdelay $0x3  }
0x96: {  	_ =	strace s3  }
0x97: {  	_ =	strace $0x8FFFFFFF  }
0x98: {  	s19 =	sld [smem:$0x3FDB];
	_ =	sdelay $0x1  }
0x99: {  	s4 =	simm.s32 $_scs_section_size  }
0x9a: {  	s5 =	simm.s32 $_size__tile_overlayer_lowered;
	s6 =	simm.s32 $_tile_overlayer_lowered  }
0x9b: {  	s22 =	simm.s32 $0x1BFF;
	s21 =	sshll.u32 s6, $0x1;
	s3 =	sadd.s32 s4, s19  }
0x9c: {  	s7 =	simm.s32 $0x0;
	s20 =	sshll.u32 s5, $0x1;
	s5 =	sadd.s32 s21, s3  }
0x9d: {  	[timem:s7], [sflag:s22] =	dma.local [hbm:s5], s20  }
0x9e: {  	_ =	swait.ge [sflag:s22], s20  }
0x9f: {  	s4 =	ssub.s32 $0x0, s20;
	[sflag:s22] =	ssyncset.done $0x0  }
0xa0: {  	[sflag:s22] =	ssyncadd.s32 s4;
	_ =	sdelay $0x1  }
0xa1: {  	s23 =	simm.s32 $0x1B8B  }
0xa2: {  	_ =	swait.ge [sflag:s23], $0x1  }
0xa3: {  	[sflag:s23] =	ssyncset.done $0x0  }
0xa4: {  	s25 =	simm.s32 $0x1B8E;
	s24 =	sld [smem:$0x3FFE];
	[sflag:s23] =	ssyncadd.s32 $0xFFFFFFFF  }
0xa5: {  	s26 =	simm.s32 $execute0_lowered;
	[smem:$0x3FD2] =	sst s25  }
0xa6: {  	s5 =	sshll.u32 s26, $0x1;
	_ =	strace $0x80000046;
	[dreg:$0x1] =	wrdreg $0xFFFFFFFF  }
0xa7: {  	s28 =	simm.s32 $_size_execute0_lowered;
	s3 =	sadd.s32 s3, s5;
	[dreg:$0x0] =	wrdreg $0x0  }
0xa8: {  	s5 =	sshll.u32 s28, $0x1;
	[dreg:$0x2] =	wrdreg s3  }
0xa9: {  	[dreg:$0x3] =	wrdreg s5  }
0xaa: {  	[dreg:$0x4] =	wrdreg $0xC0  }
0xab: {  	_ =	task [dreg:s7], $0x5FFFF  }
0xac: {  	[dreg:$0x1] =	wrdreg $0xFFFFFFFF  }
0xad: {  	[dreg:$0x0] =	wrdreg $0x60  }
0xae: {  	[dreg:$0x2] =	wrdreg s24  }
0xaf: {  	[dreg:$0x3] =	wrdreg s2  }
0xb0: {  	[dreg:$0x4] =	wrdreg $0x150200  }
0xb1: {  	[dreg:$0x5] =	wrdreg $0x9  }
0xb2: {  	_ =	task.clear_ibuf [dreg:s7], $0x6FFFF;
	_ =	strace $0x90000046  }
0xb3: {  	s29 =	simm.s32 $0x9;
	_ =	strace $0x80000048  }
0xb4: {  	_ =	swait.ge [sflag:s29], $0x1  }
0xb5: {  	[sflag:s29] =	ssyncadd.s32 $0xFFFFFFFF  }
0xb6: {  	_ =	strace $0x90000048  }
0xb7: {  	_ =	sfence  }
0xb8: {  	s30 =	sld [smem:$0x0];
	_ =	sdelay $0x2  }
0xb9: {  	s31 =	sshll.u32 s1, $0xD;
	s1 =	sshrl.u32 s1, $0x2  }
0xba: {  	s3 =	sand.u32 $0x4000, s31;
	s1 =	sadd.s32 s1, s30  }
0xbb: {  	s0 =	sor.u32 s3, s0;
	s1 =	sshll.u32 s1, $0x11  }
0xbc: {  	s0 =	sor.u32 s1, s0  }
0xbd: {  	s0 =	sadd.s32 $0x8F2B, s0  }
0xbe: {  	[sflag:s0] =	ssyncadd.remote.s32 $0x1  }
0xbf: {  	_ =	sfence.sel $0xFFFF  }
0xc0: {  	[dreg:$0x0] =	wrdreg $0xFFFFFFFF;
	(pc) =	sbr.abs _section_cstart, $3  }
0xc1: {  	[dreg:$0x1] =	wrdreg $0xFFFFFFFF  }
0xc2: {  	_ =	task.clear_ibuf [dreg:s7], $0x2FFFF;
	_ =	strace $0x9FFFFFFF  }
0xc3: {  	(tm) =	ssettm $0x7FFFFFFF  }
tec
execute0_lowered:
.L_overlay_start_1:
0x0: {  	(tag) =	ssettag $0x1  }
0x1: {  	s0 =	srdreg.scid  }
0x2: {  	s1 =	stileid.u32;
	s6 =	sand.u32 $0x1, s0  }
0x3: {  	s4 =	sshll.u32 s1, $0x6;
	s0 =	sshll.u32 s6, $0x5  }
0x4: {  	s7 =	rddreg [dreg:$0x0];
	s8 =	sor.u32 s0, s4  }
0x5: {  	s5 =	rddreg [dreg:$0x1];
	s9 =	smul.u32 $0x15000, s8  }
0x6: {  	s3 =	rddreg [dreg:$0x2];
	s2 =	simm.s32 $0x0;
	s8 =	sshrl.u32 s8, $0x3  }
0x7: {  	[smem:$0x7FF] =	sst s2;
	s8 =	sadd.s32 s8, s7;
	s9 =	sshrl.u32 s9, $0x3  }
0x8: {  	s0 =	rddreg [dreg:$0x3];
	s8 =	sadd.s32 $0x400, s8;
	s7 =	sadd.s32 s9, s7  }
0x9: {  	_ =	strace $0x80000047;
	[dreg:$0x4] =	wrdreg s8;
	s20 =	sadd.s32 $0x600, s7  }
0xa: {  	s21 =	sadd.s32 $0x1B00, s7;
	[dreg:$0x5] =	wrdreg s20  }
0xb: {  	s22 =	sadd.s32 $0x3000, s7;
	[dreg:$0x6] =	wrdreg s21  }
0xc: {  	s23 =	sadd.s32 $0x4500, s7;
	[dreg:$0x7] =	wrdreg s22  }
0xd: {  	s24 =	sadd.s32 $0x5A00, s7;
	[dreg:$0x8] =	wrdreg s23  }
0xe: {  	s25 =	sadd.s32 $0x6F00, s7;
	[dreg:$0x9] =	wrdreg s24  }
0xf: {  	s26 =	sadd.s32 $0x8400, s7;
	[dreg:$0xa] =	wrdreg s25  }
0x10: {  	s28 =	sadd.s32 $0x9900, s7;
	[dreg:$0xb] =	wrdreg s26  }
0x11: {  	s29 =	sadd.s32 $0xAE00, s7;
	[dreg:$0xc] =	wrdreg s28  }
0x12: {  	s30 =	sadd.s32 $0xC300, s7;
	[dreg:$0xd] =	wrdreg s29  }
0x13: {  	s31 =	sadd.s32 $0xD800, s7;
	[dreg:$0xe] =	wrdreg s30  }
0x14: {  	s9 =	sadd.s32 $0x10200, s7;
	[dreg:$0xf] =	wrdreg s31  }
0x15: {  	s10 =	sadd.s32 $0x12C00, s7;
	[dreg:$0x10] =	wrdreg s9  }
0x16: {  	s11 =	sadd.s32 $0x15600, s7;
	[dreg:$0x11] =	wrdreg s10  }
0x17: {  	s12 =	sadd.s32 $0x16B00, s7;
	[dreg:$0x12] =	wrdreg s11  }
0x18: {  	s13 =	sadd.s32 $0x18000, s7;
	[dreg:$0x13] =	wrdreg s12  }
0x19: {  	s14 =	sadd.s32 $0x19500, s7;
	[dreg:$0x14] =	wrdreg s13  }
0x1a: {  	s15 =	sadd.s32 $0x1AA00, s7;
	[dreg:$0x15] =	wrdreg s14  }
0x1b: {  	s16 =	sadd.s32 $0x1BF00, s7;
	[dreg:$0x16] =	wrdreg s15  }
0x1c: {  	s17 =	sadd.s32 $0x1D400, s7;
	[dreg:$0x17] =	wrdreg s16  }
0x1d: {  	s18 =	sadd.s32 $0x1E900, s7;
	[dreg:$0x18] =	wrdreg s17  }
0x1e: {  	s19 =	sadd.s32 $0x1FE00, s7;
	[dreg:$0x19] =	wrdreg s18  }
0x1f: {  	[dreg:$0x1a] =	wrdreg s19;
	s20 =	sadd.s32 $0x21300, s7  }
0x20: {  	s21 =	sadd.s32 $0x22800, s7;
	[dreg:$0x1b] =	wrdreg s20  }
0x21: {  	s22 =	sadd.s32 $0x25200, s7;
	[dreg:$0x1c] =	wrdreg s21  }
0x22: {  	s23 =	sadd.s32 $0x27C00, s7;
	[dreg:$0x1d] =	wrdreg s22  }
0x23: {  	s24 =	sadd.s32 $0x2A600, s7;
	[dreg:$0x1e] =	wrdreg s23  }
0x24: {  	s25 =	sadd.s32 $0x2BB00, s7;
	[dreg:$0x1f] =	wrdreg s24  }
0x25: {  	s26 =	sadd.s32 $0x2D000, s7;
	[smem:$0x7E1] =	sst s25  }
0x26: {  	s28 =	sadd.s32 $0x2E500, s7;
	[smem:$0x7E2] =	sst s26  }
0x27: {  	s29 =	sadd.s32 $0x2FA00, s7;
	[smem:$0x7E3] =	sst s28  }
0x28: {  	s30 =	sadd.s32 $0x30F00, s7;
	[smem:$0x7E4] =	sst s29  }
0x29: {  	s31 =	sadd.s32 $0x32400, s7;
	[smem:$0x7E5] =	sst s30  }
0x2a: {  	s9 =	sadd.s32 $0x33900, s7;
	[smem:$0x7E6] =	sst s31  }
0x2b: {  	s10 =	sadd.s32 $0x34E00, s7;
	[smem:$0x7E7] =	sst s9  }
0x2c: {  	s11 =	sadd.s32 $0x36300, s7;
	[smem:$0x7E8] =	sst s10  }
0x2d: {  	s12 =	sadd.s32 $0x37800, s7;
	[smem:$0x7E9] =	sst s11  }
0x2e: {  	s13 =	sadd.s32 $0x3A200, s7;
	[smem:$0x7EA] =	sst s12  }
0x2f: {  	s14 =	sadd.s32 $0x3CC00, s7;
	[smem:$0x7EB] =	sst s13  }
0x30: {  	s15 =	sadd.s32 $0x3F600, s7;
	[smem:$0x7EC] =	sst s14  }
0x31: {  	s16 =	sadd.s32 $0x40B00, s7;
	[smem:$0x7ED] =	sst s15  }
0x32: {  	s17 =	sadd.s32 $0x42000, s7;
	[smem:$0x7EE] =	sst s16  }
0x33: {  	s18 =	sadd.s32 $0x43500, s7;
	[smem:$0x7EF] =	sst s17  }
0x34: {  	s19 =	sadd.s32 $0x44A00, s7;
	[smem:$0x7F0] =	sst s18  }
0x35: {  	[smem:$0x7F1] =	sst s19  }
0x36: {  	p1 =	por $0x0, $0x0;
	s20 =	sadd.s32 $0x45F00, s7;
	s12 =	rddreg [dreg:$0x4]  }
0x37: {  	p0 =	sne.s32 s1, $0x0;
	s21 =	sadd.s32 $0x47400, s7;
	[smem:$0x7F2] =	sst s20  }
0x38: {  	s6 =	ssub.s32 $0x2, s6;
	s22 =	sadd.s32 $0x48900, s7;
	[smem:$0x7F3] =	sst s21  }
0x39: {  	s23 =	sadd.s32 $0x49E00, s7;
	s24 =	sshrl.u32 s6, $0x1;
	[smem:$0x7F4] =	sst s22  }
0x3a: {  	s25 =	sadd.s32 $0x4B300, s7;
	[smem:$0x7F5] =	sst s23;
	s6 =	ssub.s32 s6, s24  }
0x3b: {  	s26 =	sadd.s32 $0x4C800, s7;
	[smem:$0x7F6] =	sst s25;
	s29 =	smax.u32 s6, $0x1  }
0x3c: {  	s28 =	sadd.s32 $0x4F200, s7;
	[smem:$0x7F7] =	sst s26;
	s11 =	sadd.s32 $0xFFFFFFFF, s29  }
0x3d: {  	s7 =	sadd.s32 $0x51C00, s7;
	[smem:$0x7F8] =	sst s28;
	p2 =	sne.s32 s11, $0x0  }
.Ltmp0:
0x3e: {  	s30 =	simm.s32 $0x20;
	[smem:$0x7F9] =	sst s7;
	(pc) =	sbr.rel @!p2 .LBB2_3-.Ltmp0, $4  }
0x3f: {  	s9 =	sadd.s32 $0xA800, s3;
	s31 =	simm.s32 $0xA820;
	[smem:$0x7FA] =	sst s30  }
0x40: {  	s10 =	sadd.s32 $0x15000, s3;
	[smem:$0x7FB] =	sst s31;
	s1 =	sshrl.u32 @!p0 s9, $0x3  }
0x41: {  	s7 =	sshrl.u32 @!p0 s3, $0x3;
	[smem:$0x7FC] =	sst s1;
	s1 =	sshrl.u32 @!p0 s10, $0x3  }
0x42: {  	s6 =	simm.s32 $0x2;
	[smem:$0x7FD] =	sst s1;
	s1 =	simm.s32 $0x1  }
0x43: {  	s8 =	sld [smem:$0x7FA]  }
0x44: {  	[tilespmem:s2], [sflag:$0x2] =	stream.linear.gather [hbm4b:s12+s2], $0x20, $0x38;
	[tilespmem:$0x16FA0] =	vst v63  }
0x45: {  	s9 =	sld [smem:$0x7FB]  }
0x46: {  	[tilespmem:s8], [sflag:$0x2] =	stream.linear.gather [hbm4b:s5+s2], $0xA800, $0x38;
	[tilespmem:$0x16FA0] =	vst v63  }
0x47: {  	_ = 	snop  }
0x48: {  	[tilespmem:s9], [sflag:$0x2] =	stream.linear.gather [hbm4b:s5+s2], $0xA800, $0x38;
	[tilespmem:$0x16FA0] =	vst v63  }
0x49: {  	_ =	swait.ge [sflag:s6], $0x20  }
0x4a: {  	[sflag:s6] =	ssyncset.done $0x0  }
0x4b: {  	[sflag:s6] =	ssyncadd.s32 $0xFFFFFFE0  }
0x4c: {  	_ =	swait.ge [sflag:s6], $0xA800  }
0x4d: {  	[sflag:s6] =	ssyncset.done $0x0  }
0x4e: {  	[sflag:s6] =	ssyncadd.s32 $0xFFFF5800  }
0x4f: {  	_ =	swait.ge [sflag:s6], $0xA800  }
0x50: {  	[sflag:s6] =	ssyncset.done $0x0  }
0x51: {  	s8 =	simm.s32 @!p0 $0x1C02;
	[sflag:s6] =	ssyncadd.s32 $0xFFFF5800  }
0x52: {  	[spmem:s7], [sflag:s8] =	dma.local @!p0 [hbm:s5], $0x1500  }
0x53: {  	s9 =	sld [smem:$0x7FC];
	_ =	sdelay $0x2  }
0x54: {  	[spmem:s9], [sflag:s8] =	dma.local @!p0 [hbm:s5], $0x1500  }
0x55: {  	s10 =	sld [smem:$0x7FD];
	_ =	sdelay $0x1  }
0x56: {  	s9 =	simm.s32 @!p0 $0x2  }
0x57: {  	[spmem:s10], [sflag:s8] =	dma.local @!p0 [hbm:s5], $0x1500  }
0x58: {  	_ =	swait.ge @!p0 [sflag:s9], $0x1500  }
0x59: {  	[sflag:s9] =	ssyncset.done @!p0 $0x0  }
0x5a: {  	[sflag:s9] =	ssyncadd.s32 @!p0 $0xFFFFEB00  }
0x5b: {  	_ =	swait.ge @!p0 [sflag:s9], $0x1500  }
0x5c: {  	[sflag:s9] =	ssyncset.done @!p0 $0x0  }
0x5d: {  	[sflag:s9] =	ssyncadd.s32 @!p0 $0xFFFFEB00  }
0x5e: {  	_ =	swait.ge @!p0 [sflag:s9], $0x1500  }
0x5f: {  	[sflag:s9] =	ssyncset.done @!p0 $0x0  }
0x60: {  	[sflag:s9] =	ssyncadd.s32 @!p0 $0xFFFFEB00  }
0x61: {  	[bflag:$0x0] =	sbarrier.arrive $0xFFFF  }
0x62: {  	v0 =	vld [tilespmem:$0x0];
	_ =	sdelay $0x4  }
0x63: {  	v0 =	vshll.u32 v0, $0xA  }
0x64: {  	v0 =	vshra.s32 v0, $0x2  }
0x65: {  	(v2sf) =	vpush v0, $0x0  }
0x66: {  	(v2sf) =	vpush v0, $0x1;
	_ =	sdelay $0x1  }
0x67: {  	(v2sf) =	vpush v0, $0x2  }
0x68: {  	(v2sf) =	vpush v0, $0x3;
	_ =	sdelay $0x1  }
0x69: {  	(v2sf) =	vpush v0, $0x4;
	_ =	sdelay $0x1  }
0x6a: {  	(v2sf) =	vpush v0, $0x8;
	_ =	sdelay $0x1  }
0x6b: {  	(v2sf) =	vpush v0, $0x9;
	_ =	sdelay $0x3  }
0x6c: {  	(v2sf) =	vpush v0, $0xA  }
0x6d: {  	s13 =	spop (v2sf)  }
0x6e: {  	s30 =	rddreg [dreg:$0x5];
	(v2sf) =	vpush v0, $0xB;
	s13 =	sor.u32 $0x20, s13;
	s15 =	spop (v2sf)  }
0x6f: {  	[hbm4b:s30+s2] =	stream.linear.scatter [tilespmem:s13], [sflag:$0x1], $0xA800, $0x38;
	[tilespmem:$0x16FA0] =	vst v63  }
0x70: {  	s12 =	rddreg [dreg:$0xf];
	v1 =	vadd.s32 s3, v0;
	(v2sf) =	vpush v0, $0xC;
	s16 =	spop (v2sf)  }
0x71: {  	s14 =	rddreg [dreg:$0x6];
	v60 =	vshrl.u32 v1, $0x3;
	s19 =	spop (v2sf)  }
0x72: {  	(v2sf) =	vpush v60, $0x5;
	[hbm4b:s14+s2] =	stream.linear.scatter [tilespmem:s13], [sflag:$0x1], $0xA800, $0x38;
	[tilespmem:$0x16FA0] =	vst v63  }
0x73: {  	s31 =	rddreg [dreg:$0x7];
	s15 =	sor.u32 $0x20, s15;
	s17 =	spop (v2sf)  }
0x74: {  	[hbm4b:s31+s2] =	stream.linear.scatter [tilespmem:s15], [sflag:$0x1], $0xA800, $0x38;
	[tilespmem:$0x16FA0] =	vst v63  }
0x75: {  	s18 =	rddreg [dreg:$0x8];
	(v2sf) =	vpush v60, $0x6;
	s23 =	spop (v2sf)  }
0x76: {  	[hbm4b:s18+s2] =	stream.linear.scatter [tilespmem:s15], [sflag:$0x1], $0xA800, $0x38;
	[tilespmem:$0x16FA0] =	vst v63  }
0x77: {  	s20 =	rddreg [dreg:$0x9];
	s21 =	sor.u32 $0x20, s16;
	s18 =	spop (v2sf);
	(v2sf) =	vpush v60, $0x7  }
0x78: {  	[hbm4b:s20+s2] =	stream.linear.scatter [tilespmem:s21], [sflag:$0x1], $0xA800, $0x38;
	[tilespmem:$0x16FA0] =	vst v63  }
0x79: {  	s22 =	rddreg [dreg:$0xa]  }
0x7a: {  	[hbm4b:s22+s2] =	stream.linear.scatter [tilespmem:s21], [sflag:$0x1], $0xA800, $0x38;
	[tilespmem:$0x16FA0] =	vst v63  }
0x7b: {  	s24 =	rddreg [dreg:$0xb];
	s25 =	sor.u32 $0x20, s19;
	s28 =	spop (v2sf)  }
0x7c: {  	[hbm4b:s24+s2] =	stream.linear.scatter [tilespmem:s25], [sflag:$0x1], $0xA800, $0x38;
	[tilespmem:$0x16FA0] =	vst v63  }
0x7d: {  	s26 =	rddreg [dreg:$0xc];
	s19 =	spop (v2sf)  }
0x7e: {  	[hbm4b:s26+s2] =	stream.linear.scatter [tilespmem:s25], [sflag:$0x1], $0xA800, $0x38;
	[tilespmem:$0x16FA0] =	vst v63  }
0x7f: {  	s29 =	rddreg [dreg:$0xd];
	s30 =	sor.u32 $0x20, s17;
	s17 =	spop (v2sf)  }
0x80: {  	[hbm4b:s29+s2] =	stream.linear.scatter [tilespmem:s30], [sflag:$0x1], $0xA800, $0x38;
	[tilespmem:$0x16FA0] =	vst v63  }
0x81: {  	s10 =	sor.u32 $0x1C01, s4;
	s31 =	rddreg [dreg:$0xe];
	s20 =	spop (v2sf)  }
0x82: {  	[hbm4b:s31+s2] =	stream.linear.scatter [tilespmem:s30], [sflag:$0x1], $0xA800, $0x38;
	[tilespmem:$0x16FA0] =	vst v63  }
0x83: {  	[hbm:s12], [sflag:s10] =	dma.local [spmem:s20], $0x2A00  }
0x84: {  	s12 =	rddreg [dreg:$0x10];
	s14 =	spop (v2sf)  }
0x85: {  	[hbm:s12], [sflag:s10] =	dma.local [spmem:s14], $0x2A00  }
0x86: {  	s12 =	rddreg [dreg:$0x11];
	s13 =	spop (v2sf)  }
0x87: {  	[hbm:s12], [sflag:s10] =	dma.local [spmem:s13], $0x2A00  }
0x88: {  	s12 =	rddreg [dreg:$0x12]  }
0x89: {  	s16 =	sor.u32 $0x20, s23;
	s13 =	rddreg [dreg:$0x1c]  }
0x8a: {  	[hbm4b:s12+s2] =	stream.linear.scatter [tilespmem:s16], [sflag:$0x1], $0xA800, $0x38;
	[tilespmem:$0x16FA0] =	vst v63  }
0x8b: {  	s20 =	rddreg [dreg:$0x13]  }
0x8c: {  	(v2sf) =	vpush v60, $0xD;
	[hbm4b:s20+s2] =	stream.linear.scatter [tilespmem:s16], [sflag:$0x1], $0xA800, $0x38;
	[tilespmem:$0x16FA0] =	vst v63  }
0x8d: {  	s22 =	sor.u32 $0x20, s18;
	s21 =	rddreg [dreg:$0x14]  }
0x8e: {  	[hbm4b:s21+s2] =	stream.linear.scatter [tilespmem:s22], [sflag:$0x1], $0xA800, $0x38;
	[tilespmem:$0x16FA0] =	vst v63  }
0x8f: {  	s23 =	rddreg [dreg:$0x15];
	(v2sf) =	vpush v60, $0xE  }
0x90: {  	[hbm4b:s23+s2] =	stream.linear.scatter [tilespmem:s22], [sflag:$0x1], $0xA800, $0x38;
	[tilespmem:$0x16FA0] =	vst v63  }
0x91: {  	s25 =	sor.u32 $0x20, s28;
	s24 =	rddreg [dreg:$0x16];
	(v2sf) =	vpush v60, $0xF  }
0x92: {  	[hbm4b:s24+s2] =	stream.linear.scatter [tilespmem:s25], [sflag:$0x1], $0xA800, $0x38;
	[tilespmem:$0x16FA0] =	vst v63  }
0x93: {  	s26 =	rddreg [dreg:$0x17]  }
0x94: {  	[hbm4b:s26+s2] =	stream.linear.scatter [tilespmem:s25], [sflag:$0x1], $0xA800, $0x38;
	[tilespmem:$0x16FA0] =	vst v63  }
0x95: {  	s29 =	sor.u32 $0x20, s19;
	s28 =	rddreg [dreg:$0x18]  }
0x96: {  	[hbm4b:s28+s2] =	stream.linear.scatter [tilespmem:s29], [sflag:$0x1], $0xA800, $0x38;
	[tilespmem:$0x16FA0] =	vst v63  }
0x97: {  	s30 =	rddreg [dreg:$0x19]  }
0x98: {  	[hbm4b:s30+s2] =	stream.linear.scatter [tilespmem:s29], [sflag:$0x1], $0xA800, $0x38;
	[tilespmem:$0x16FA0] =	vst v63  }
0x99: {  	s15 =	sor.u32 $0x20, s17;
	s31 =	rddreg [dreg:$0x1a]  }
0x9a: {  	[hbm4b:s31+s2] =	stream.linear.scatter [tilespmem:s15], [sflag:$0x1], $0xA800, $0x38;
	[tilespmem:$0x16FA0] =	vst v63  }
0x9b: {  	s16 =	rddreg [dreg:$0x1b];
	s17 =	spop (v2sf)  }
0x9c: {  	[hbm4b:s16+s2] =	stream.linear.scatter [tilespmem:s15], [sflag:$0x1], $0xA800, $0x38;
	[tilespmem:$0x16FA0] =	vst v63  }
0x9d: {  	[hbm:s13], [sflag:s10] =	dma.local [spmem:s17], $0x2A00  }
0x9e: {  	s12 =	rddreg [dreg:$0x1d];
	s13 =	spop (v2sf)  }
0x9f: {  	[hbm:s12], [sflag:s10] =	dma.local [spmem:s13], $0x2A00  }
0xa0: {  	s12 =	rddreg [dreg:$0x1e];
	s13 =	spop (v2sf)  }
0xa1: {  	[hbm:s12], [sflag:s10] =	dma.local [spmem:s13], $0x2A00  }
0xa2: {  	v61 =	vld [tilespmem:$0x10];
	_ =	sdelay $0x4  }
0xa3: {  	v0 =	vshll.u32 v61, $0xA  }
0xa4: {  	v0 =	vshra.s32 v0, $0x2  }
0xa5: {  	(v2sf) =	vpush v0, $0x0  }
0xa6: {  	(v2sf) =	vpush v0, $0x1;
	_ =	sdelay $0x1  }
0xa7: {  	(v2sf) =	vpush v0, $0x2;
	_ =	sdelay $0x1  }
0xa8: {  	(v2sf) =	vpush v0, $0x3;
	_ =	sdelay $0x1  }
0xa9: {  	(v2sf) =	vpush v0, $0x4;
	_ =	sdelay $0x1  }
0xaa: {  	(v2sf) =	vpush v0, $0x8;
	_ =	sdelay $0x1  }
0xab: {  	(v2sf) =	vpush v0, $0x9;
	_ =	sdelay $0x1  }
0xac: {  	(v2sf) =	vpush v0, $0xA  }
0xad: {  	s12 =	rddreg [dreg:$0x1f]  }
0xae: {  	s13 =	sld [smem:$0x7EA];
	s18 =	spop (v2sf);
	(v2sf) =	vpush v0, $0xB  }
0xaf: {  	s19 =	sld [smem:$0x7E1];
	s14 =	sor.u32 $0x20, s18;
	s20 =	spop (v2sf)  }
0xb0: {  	v62 =	vadd.s32 s3, v0;
	(v2sf) =	vpush v0, $0xC;
	[hbm4b:s12+s2] =	stream.linear.scatter [tilespmem:s14], [sflag:$0x1], $0xA800, $0x38;
	[tilespmem:$0x16FA0] =	vst v63  }
0xb1: {  	s21 =	sld [smem:$0x7E2];
	v63 =	vshrl.u32 v62, $0x3;
	s22 =	spop (v2sf)  }
0xb2: {  	(v2sf) =	vpush v63, $0x5;
	[hbm4b:s19+s2] =	stream.linear.scatter [tilespmem:s14], [sflag:$0x1], $0xA800, $0x38;
	[tilespmem:$0x16FA0] =	vst v63  }
0xb3: {  	s24 =	sld [smem:$0x7E3];
	s23 =	sor.u32 $0x20, s20;
	s25 =	spop (v2sf)  }
0xb4: {  	[hbm4b:s21+s2] =	stream.linear.scatter [tilespmem:s23], [sflag:$0x1], $0xA800, $0x38;
	[tilespmem:$0x16FA0] =	vst v63  }
0xb5: {  	s26 =	sld [smem:$0x7E4];
	s28 =	spop (v2sf)  }
0xb6: {  	[hbm4b:s24+s2] =	stream.linear.scatter [tilespmem:s23], [sflag:$0x1], $0xA800, $0x38;
	[tilespmem:$0x16FA0] =	vst v63  }
0xb7: {  	s30 =	sld [smem:$0x7E5];
	s29 =	sor.u32 $0x20, s22;
	(v2sf) =	vpush v63, $0x6;
	s31 =	spop (v2sf)  }
0xb8: {  	[hbm4b:s26+s2] =	stream.linear.scatter [tilespmem:s29], [sflag:$0x1], $0xA800, $0x38;
	[tilespmem:$0x16FA0] =	vst v63  }
0xb9: {  	s20 =	sld [smem:$0x7E6];
	s19 =	spop (v2sf)  }
0xba: {  	[hbm4b:s30+s2] =	stream.linear.scatter [tilespmem:s29], [sflag:$0x1], $0xA800, $0x38;
	[tilespmem:$0x16FA0] =	vst v63  }
0xbb: {  	s22 =	sld [smem:$0x7E7];
	(v2sf) =	vpush v63, $0x7;
	s21 =	sor.u32 $0x20, s25;
	s23 =	spop (v2sf)  }
0xbc: {  	[hbm4b:s20+s2] =	stream.linear.scatter [tilespmem:s21], [sflag:$0x1], $0xA800, $0x38;
	[tilespmem:$0x16FA0] =	vst v63  }
0xbd: {  	s24 =	sld [smem:$0x7E8];
	s20 =	spop (v2sf)  }
0xbe: {  	[hbm4b:s22+s2] =	stream.linear.scatter [tilespmem:s21], [sflag:$0x1], $0xA800, $0x38;
	[tilespmem:$0x16FA0] =	vst v63  }
0xbf: {  	s25 =	sor.u32 $0x20, s28;
	s26 =	sld [smem:$0x7E9];
	s18 =	spop (v2sf)  }
0xc0: {  	[hbm4b:s24+s2] =	stream.linear.scatter [tilespmem:s25], [sflag:$0x1], $0xA800, $0x38;
	[tilespmem:$0x16FA0] =	vst v63  }
0xc1: {  	s28 =	spop (v2sf)  }
0xc2: {  	[hbm4b:s26+s2] =	stream.linear.scatter [tilespmem:s25], [sflag:$0x1], $0xA800, $0x38;
	[tilespmem:$0x16FA0] =	vst v63  }
0xc3: {  	[hbm:s13], [sflag:s10] =	dma.local [spmem:s28], $0x2A00  }
0xc4: {  	s12 =	sld [smem:$0x7EB];
	_ =	sdelay $0x1  }
0xc5: {  	s13 =	spop (v2sf)  }
0xc6: {  	[hbm:s12], [sflag:s10] =	dma.local [spmem:s13], $0x2A00  }
0xc7: {  	s12 =	sld [smem:$0x7EC];
	_ =	sdelay $0x1  }
0xc8: {  	s13 =	spop (v2sf)  }
0xc9: {  	[hbm:s12], [sflag:s10] =	dma.local [spmem:s13], $0x2A00  }
0xca: {  	s12 =	sld [smem:$0x7ED]  }
0xcb: {  	s13 =	sld [smem:$0x7F7]  }
0xcc: {  	s29 =	sor.u32 $0x20, s31;
	s30 =	sld [smem:$0x7EE]  }
0xcd: {  	[hbm4b:s12+s2] =	stream.linear.scatter [tilespmem:s29], [sflag:$0x1], $0xA800, $0x38;
	[tilespmem:$0x16FA0] =	vst v63  }
0xce: {  	s31 =	sld [smem:$0x7EF]  }
0xcf: {  	(v2sf) =	vpush v63, $0xD;
	[hbm4b:s30+s2] =	stream.linear.scatter [tilespmem:s29], [sflag:$0x1], $0xA800, $0x38;
	[tilespmem:$0x16FA0] =	vst v63  }
0xd0: {  	s17 =	sor.u32 $0x20, s19;
	s19 =	sld [smem:$0x7F0]  }
0xd1: {  	[hbm4b:s31+s2] =	stream.linear.scatter [tilespmem:s17], [sflag:$0x1], $0xA800, $0x38;
	[tilespmem:$0x16FA0] =	vst v63  }
0xd2: {  	s21 =	sld [smem:$0x7F1]  }
0xd3: {  	[hbm4b:s19+s2] =	stream.linear.scatter [tilespmem:s17], [sflag:$0x1], $0xA800, $0x38;
	[tilespmem:$0x16FA0] =	vst v63  }
0xd4: {  	s22 =	sor.u32 $0x20, s23;
	s23 =	sld [smem:$0x7F2];
	(v2sf) =	vpush v63, $0xE  }
0xd5: {  	[hbm4b:s21+s2] =	stream.linear.scatter [tilespmem:s22], [sflag:$0x1], $0xA800, $0x38;
	[tilespmem:$0x16FA0] =	vst v63  }
0xd6: {  	s24 =	sld [smem:$0x7F3]  }
0xd7: {  	[hbm4b:s23+s2] =	stream.linear.scatter [tilespmem:s22], [sflag:$0x1], $0xA800, $0x38;
	[tilespmem:$0x16FA0] =	vst v63  }
0xd8: {  	s25 =	sor.u32 $0x20, s20;
	s26 =	sld [smem:$0x7F4];
	(v2sf) =	vpush v63, $0xF  }
0xd9: {  	[hbm4b:s24+s2] =	stream.linear.scatter [tilespmem:s25], [sflag:$0x1], $0xA800, $0x38;
	[tilespmem:$0x16FA0] =	vst v63  }
0xda: {  	s28 =	sld [smem:$0x7F5]  }
0xdb: {  	[hbm4b:s26+s2] =	stream.linear.scatter [tilespmem:s25], [sflag:$0x1], $0xA800, $0x38;
	[tilespmem:$0x16FA0] =	vst v63  }
0xdc: {  	s29 =	sor.u32 $0x20, s18;
	s30 =	sld [smem:$0x7F6]  }
0xdd: {  	[hbm4b:s28+s2] =	stream.linear.scatter [tilespmem:s29], [sflag:$0x1], $0xA800, $0x38;
	[tilespmem:$0x16FA0] =	vst v63  }
0xde: {  	s31 =	spop (v2sf)  }
0xdf: {  	[hbm4b:s30+s2] =	stream.linear.scatter [tilespmem:s29], [sflag:$0x1], $0xA800, $0x38;
	[tilespmem:$0x16FA0] =	vst v63  }
0xe0: {  	[hbm:s13], [sflag:s10] =	dma.local [spmem:s31], $0x2A00  }
0xe1: {  	s12 =	sld [smem:$0x7F8];
	_ =	sdelay $0x1  }
0xe2: {  	s13 =	spop (v2sf)  }
0xe3: {  	[hbm:s12], [sflag:s10] =	dma.local [spmem:s13], $0x2A00  }
0xe4: {  	s12 =	sld [smem:$0x7F9];
	_ =	sdelay $0x1  }
0xe5: {  	s13 =	spop (v2sf)  }
0xe6: {  	[hbm:s12], [sflag:s10] =	dma.local [spmem:s13], $0x2A00  }
0xe7: {  	_ =	swait.ge [sflag:s1], $0xA800  }
0xe8: {  	[sflag:s1] =	ssyncset.done $0x0  }
0xe9: {  	[sflag:s1] =	ssyncadd.s32 $0xFFFF5800  }
0xea: {  	_ =	swait.ge [sflag:s1], $0xA800  }
0xeb: {  	[sflag:s1] =	ssyncset.done $0x0  }
0xec: {  	[sflag:s1] =	ssyncadd.s32 $0xFFFF5800  }
0xed: {  	_ =	swait.ge [sflag:s1], $0xA800  }
0xee: {  	[sflag:s1] =	ssyncset.done $0x0  }
0xef: {  	[sflag:s1] =	ssyncadd.s32 $0xFFFF5800  }
0xf0: {  	_ =	swait.ge [sflag:s1], $0xA800  }
0xf1: {  	[sflag:s1] =	ssyncset.done $0x0  }
0xf2: {  	[sflag:s1] =	ssyncadd.s32 $0xFFFF5800  }
0xf3: {  	_ =	swait.ge [sflag:s1], $0xA800  }
0xf4: {  	[sflag:s1] =	ssyncset.done $0x0  }
0xf5: {  	[sflag:s1] =	ssyncadd.s32 $0xFFFF5800  }
0xf6: {  	_ =	swait.ge [sflag:s1], $0xA800  }
0xf7: {  	[sflag:s1] =	ssyncset.done $0x0  }
0xf8: {  	[sflag:s1] =	ssyncadd.s32 $0xFFFF5800  }
0xf9: {  	_ =	swait.ge [sflag:s1], $0xA800  }
0xfa: {  	[sflag:s1] =	ssyncset.done $0x0  }
0xfb: {  	[sflag:s1] =	ssyncadd.s32 $0xFFFF5800  }
0xfc: {  	_ =	swait.ge [sflag:s1], $0xA800  }
0xfd: {  	[sflag:s1] =	ssyncset.done $0x0  }
0xfe: {  	[sflag:s1] =	ssyncadd.s32 $0xFFFF5800  }
0xff: {  	_ =	swait.ge [sflag:s1], $0xA800  }
0x100: {  	[sflag:s1] =	ssyncset.done $0x0  }
0x101: {  	[sflag:s1] =	ssyncadd.s32 $0xFFFF5800  }
0x102: {  	_ =	swait.ge [sflag:s1], $0xA800  }
0x103: {  	[sflag:s1] =	ssyncset.done $0x0  }
0x104: {  	[sflag:s1] =	ssyncadd.s32 $0xFFFF5800  }
0x105: {  	_ =	swait.ge [sflag:s1], $0x2A00  }
0x106: {  	[sflag:s1] =	ssyncset.done $0x0  }
0x107: {  	[sflag:s1] =	ssyncadd.s32 $0xFFFFD600  }
0x108: {  	_ =	swait.ge [sflag:s1], $0x2A00  }
0x109: {  	[sflag:s1] =	ssyncset.done $0x0  }
0x10a: {  	[sflag:s1] =	ssyncadd.s32 $0xFFFFD600  }
0x10b: {  	_ =	swait.ge [sflag:s1], $0x2A00  }
0x10c: {  	[sflag:s1] =	ssyncset.done $0x0  }
0x10d: {  	[sflag:s1] =	ssyncadd.s32 $0xFFFFD600  }
0x10e: {  	_ =	swait.ge [sflag:s1], $0xA800  }
0x10f: {  	[sflag:s1] =	ssyncset.done $0x0  }
0x110: {  	[sflag:s1] =	ssyncadd.s32 $0xFFFF5800  }
0x111: {  	_ =	swait.ge [sflag:s1], $0xA800  }
0x112: {  	[sflag:s1] =	ssyncset.done $0x0  }
0x113: {  	[sflag:s1] =	ssyncadd.s32 $0xFFFF5800  }
0x114: {  	_ =	swait.ge [sflag:s1], $0xA800  }
0x115: {  	[sflag:s1] =	ssyncset.done $0x0  }
0x116: {  	[sflag:s1] =	ssyncadd.s32 $0xFFFF5800  }
0x117: {  	_ =	swait.ge [sflag:s1], $0xA800  }
0x118: {  	[sflag:s1] =	ssyncset.done $0x0  }
0x119: {  	[sflag:s1] =	ssyncadd.s32 $0xFFFF5800  }
0x11a: {  	_ =	swait.ge [sflag:s1], $0xA800  }
0x11b: {  	[sflag:s1] =	ssyncset.done $0x0  }
0x11c: {  	[sflag:s1] =	ssyncadd.s32 $0xFFFF5800  }
0x11d: {  	_ =	swait.ge [sflag:s1], $0xA800  }
0x11e: {  	[sflag:s1] =	ssyncset.done $0x0  }
0x11f: {  	[sflag:s1] =	ssyncadd.s32 $0xFFFF5800  }
0x120: {  	_ =	swait.ge [sflag:s1], $0xA800  }
0x121: {  	[sflag:s1] =	ssyncset.done $0x0  }
0x122: {  	[sflag:s1] =	ssyncadd.s32 $0xFFFF5800  }
0x123: {  	_ =	swait.ge [sflag:s1], $0xA800  }
0x124: {  	[sflag:s1] =	ssyncset.done $0x0  }
0x125: {  	[sflag:s1] =	ssyncadd.s32 $0xFFFF5800  }
0x126: {  	_ =	swait.ge [sflag:s1], $0xA800  }
0x127: {  	[sflag:s1] =	ssyncset.done $0x0  }
0x128: {  	[sflag:s1] =	ssyncadd.s32 $0xFFFF5800  }
0x129: {  	_ =	swait.ge [sflag:s1], $0xA800  }
0x12a: {  	[sflag:s1] =	ssyncset.done $0x0  }
0x12b: {  	[sflag:s1] =	ssyncadd.s32 $0xFFFF5800  }
0x12c: {  	_ =	swait.ge [sflag:s1], $0x2A00  }
0x12d: {  	[sflag:s1] =	ssyncset.done $0x0  }
0x12e: {  	[sflag:s1] =	ssyncadd.s32 $0xFFFFD600  }
0x12f: {  	_ =	swait.ge [sflag:s1], $0x2A00  }
0x130: {  	[sflag:s1] =	ssyncset.done $0x0  }
0x131: {  	[sflag:s1] =	ssyncadd.s32 $0xFFFFD600  }
0x132: {  	_ =	swait.ge [sflag:s1], $0x2A00  }
0x133: {  	[sflag:s1] =	ssyncset.done $0x0  }
0x134: {  	[sflag:s1] =	ssyncadd.s32 $0xFFFFD600  }
0x135: {  	_ =	swait.ge [sflag:s1], $0xA800  }
0x136: {  	[sflag:s1] =	ssyncset.done $0x0  }
0x137: {  	[sflag:s1] =	ssyncadd.s32 $0xFFFF5800  }
0x138: {  	_ =	swait.ge [sflag:s1], $0xA800  }
0x139: {  	[sflag:s1] =	ssyncset.done $0x0  }
0x13a: {  	[sflag:s1] =	ssyncadd.s32 $0xFFFF5800  }
0x13b: {  	_ =	swait.ge [sflag:s1], $0xA800  }
0x13c: {  	[sflag:s1] =	ssyncset.done $0x0  }
0x13d: {  	[sflag:s1] =	ssyncadd.s32 $0xFFFF5800  }
0x13e: {  	_ =	swait.ge [sflag:s1], $0xA800  }
0x13f: {  	[sflag:s1] =	ssyncset.done $0x0  }
0x140: {  	[sflag:s1] =	ssyncadd.s32 $0xFFFF5800  }
0x141: {  	_ =	swait.ge [sflag:s1], $0xA800  }
0x142: {  	[sflag:s1] =	ssyncset.done $0x0  }
0x143: {  	[sflag:s1] =	ssyncadd.s32 $0xFFFF5800  }
0x144: {  	_ =	swait.ge [sflag:s1], $0xA800  }
0x145: {  	[sflag:s1] =	ssyncset.done $0x0  }
0x146: {  	[sflag:s1] =	ssyncadd.s32 $0xFFFF5800  }
0x147: {  	_ =	swait.ge [sflag:s1], $0xA800  }
0x148: {  	[sflag:s1] =	ssyncset.done $0x0  }
0x149: {  	[sflag:s1] =	ssyncadd.s32 $0xFFFF5800  }
0x14a: {  	_ =	swait.ge [sflag:s1], $0xA800  }
0x14b: {  	[sflag:s1] =	ssyncset.done $0x0  }
0x14c: {  	[sflag:s1] =	ssyncadd.s32 $0xFFFF5800  }
0x14d: {  	_ =	swait.ge [sflag:s1], $0xA800  }
0x14e: {  	[sflag:s1] =	ssyncset.done $0x0  }
0x14f: {  	[sflag:s1] =	ssyncadd.s32 $0xFFFF5800  }
0x150: {  	_ =	swait.ge [sflag:s1], $0xA800  }
0x151: {  	[sflag:s1] =	ssyncset.done $0x0  }
0x152: {  	[sflag:s1] =	ssyncadd.s32 $0xFFFF5800  }
0x153: {  	_ =	swait.ge [sflag:s1], $0x2A00  }
0x154: {  	[sflag:s1] =	ssyncset.done $0x0  }
0x155: {  	[sflag:s1] =	ssyncadd.s32 $0xFFFFD600  }
0x156: {  	_ =	swait.ge [sflag:s1], $0x2A00  }
0x157: {  	[sflag:s1] =	ssyncset.done $0x0  }
0x158: {  	[sflag:s1] =	ssyncadd.s32 $0xFFFFD600  }
0x159: {  	_ =	swait.ge [sflag:s1], $0x2A00  }
0x15a: {  	[sflag:s1] =	ssyncset.done $0x0  }
0x15b: {  	[sflag:s1] =	ssyncadd.s32 $0xFFFFD600  }
0x15c: {  	_ =	swait.ge [sflag:s1], $0xA800  }
0x15d: {  	[sflag:s1] =	ssyncset.done $0x0  }
0x15e: {  	[sflag:s1] =	ssyncadd.s32 $0xFFFF5800  }
0x15f: {  	_ =	swait.ge [sflag:s1], $0xA800  }
0x160: {  	[sflag:s1] =	ssyncset.done $0x0  }
0x161: {  	[sflag:s1] =	ssyncadd.s32 $0xFFFF5800  }
0x162: {  	_ =	swait.ge [sflag:s1], $0xA800  }
0x163: {  	[sflag:s1] =	ssyncset.done $0x0  }
0x164: {  	[sflag:s1] =	ssyncadd.s32 $0xFFFF5800  }
0x165: {  	_ =	swait.ge [sflag:s1], $0xA800  }
0x166: {  	[sflag:s1] =	ssyncset.done $0x0  }
0x167: {  	[sflag:s1] =	ssyncadd.s32 $0xFFFF5800  }
0x168: {  	_ =	swait.ge [sflag:s1], $0xA800  }
0x169: {  	[sflag:s1] =	ssyncset.done $0x0  }
0x16a: {  	[sflag:s1] =	ssyncadd.s32 $0xFFFF5800  }
0x16b: {  	_ =	swait.ge [sflag:s1], $0xA800  }
0x16c: {  	[sflag:s1] =	ssyncset.done $0x0  }
0x16d: {  	[sflag:s1] =	ssyncadd.s32 $0xFFFF5800  }
0x16e: {  	_ =	swait.ge [sflag:s1], $0xA800  }
0x16f: {  	[sflag:s1] =	ssyncset.done $0x0  }
0x170: {  	[sflag:s1] =	ssyncadd.s32 $0xFFFF5800  }
0x171: {  	_ =	swait.ge [sflag:s1], $0xA800  }
0x172: {  	[sflag:s1] =	ssyncset.done $0x0  }
0x173: {  	[sflag:s1] =	ssyncadd.s32 $0xFFFF5800  }
0x174: {  	_ =	swait.ge [sflag:s1], $0xA800  }
0x175: {  	[sflag:s1] =	ssyncset.done $0x0  }
0x176: {  	[sflag:s1] =	ssyncadd.s32 $0xFFFF5800  }
0x177: {  	_ =	swait.ge [sflag:s1], $0xA800  }
0x178: {  	[sflag:s1] =	ssyncset.done $0x0  }
0x179: {  	[sflag:s1] =	ssyncadd.s32 $0xFFFF5800  }
0x17a: {  	_ =	swait.ge [sflag:s1], $0x2A00  }
0x17b: {  	s11 =	sadd.s32 $0xFFFFFFFF, s11;
	[sflag:s1] =	ssyncset.done $0x0  }
0x17c: {  	p2 =	sne.s32 s11, $0x0;
	[sflag:s1] =	ssyncadd.s32 $0xFFFFD600  }
.Ltmp1:
0x17d: {  	_ =	swait.ge [sflag:s1], $0x2A00;
	(pc) =	sbr.rel @!p2 .LBB2_3-.Ltmp1, $4  }
0x17e: {  	[sflag:s1] =	ssyncset.done $0x0  }
0x17f: {  	[sflag:s1] =	ssyncadd.s32 $0xFFFFD600  }
0x180: {  	_ =	swait.ge [sflag:s1], $0x2A00  }
0x181: {  	p1 =	por $0x1, $0x1;
	s12 =	rddreg [dreg:$0x4];
	[sflag:s1] =	ssyncset.done $0x0  }
.LBB2_2:
0x182: {  	[sflag:s1] =	ssyncadd.s32 $0xFFFFD600;
	s13 =	sld [smem:$0x7FA]  }
0x183: {  	[tilespmem:s2], [sflag:$0x2] =	stream.linear.gather [hbm4b:s12+s2], $0x20, $0x38;
	[tilespmem:$0x16FA0] =	vst v63  }
0x184: {  	s20 =	sld [smem:$0x7FB]  }
0x185: {  	[tilespmem:s13], [sflag:$0x2] =	stream.linear.gather [hbm4b:s5+s2], $0xA800, $0x38;
	[tilespmem:$0x16FA0] =	vst v63  }
0x186: {  	_ = 	snop  }
0x187: {  	[tilespmem:s20], [sflag:$0x2] =	stream.linear.gather [hbm4b:s5+s2], $0xA800, $0x38;
	[tilespmem:$0x16FA0] =	vst v63  }
0x188: {  	_ =	swait.ge [sflag:s6], $0x20  }
0x189: {  	[sflag:s6] =	ssyncset.done $0x0  }
0x18a: {  	[sflag:s6] =	ssyncadd.s32 $0xFFFFFFE0  }
0x18b: {  	_ =	swait.ge [sflag:s6], $0xA800  }
0x18c: {  	[sflag:s6] =	ssyncset.done $0x0  }
0x18d: {  	[sflag:s6] =	ssyncadd.s32 $0xFFFF5800  }
0x18e: {  	_ =	swait.ge [sflag:s6], $0xA800  }
0x18f: {  	[sflag:s6] =	ssyncset.done $0x0  }
0x190: {  	[sflag:s6] =	ssyncadd.s32 $0xFFFF5800  }
0x191: {  	[spmem:s7], [sflag:s8] =	dma.local @!p0 [hbm:s5], $0x1500  }
0x192: {  	s12 =	sld [smem:$0x7FC];
	_ =	sdelay $0x2  }
0x193: {  	[spmem:s12], [sflag:s8] =	dma.local @!p0 [hbm:s5], $0x1500  }
0x194: {  	s12 =	sld [smem:$0x7FD];
	_ =	sdelay $0x2  }
0x195: {  	[spmem:s12], [sflag:s8] =	dma.local @!p0 [hbm:s5], $0x1500  }
0x196: {  	_ =	swait.ge @!p0 [sflag:s9], $0x1500  }
0x197: {  	[sflag:s9] =	ssyncset.done @!p0 $0x0  }
0x198: {  	[sflag:s9] =	ssyncadd.s32 @!p0 $0xFFFFEB00  }
0x199: {  	_ =	swait.ge @!p0 [sflag:s9], $0x1500  }
0x19a: {  	[sflag:s9] =	ssyncset.done @!p0 $0x0  }
0x19b: {  	[sflag:s9] =	ssyncadd.s32 @!p0 $0xFFFFEB00  }
0x19c: {  	_ =	swait.ge @!p0 [sflag:s9], $0x1500  }
0x19d: {  	[sflag:s9] =	ssyncset.done @!p0 $0x0  }
0x19e: {  	[sflag:s9] =	ssyncadd.s32 @!p0 $0xFFFFEB00  }
0x19f: {  	[bflag:$0x0] =	sbarrier.arrive $0xFFFF  }
0x1a0: {  	v0 =	vld [tilespmem:$0x0];
	_ =	sdelay $0x4  }
0x1a1: {  	v0 =	vshll.u32 v0, $0xA  }
0x1a2: {  	v1 =	vshra.s32 v0, $0x2  }
0x1a3: {  	(v2sf) =	vpush v1, $0x0  }
0x1a4: {  	(v2sf) =	vpush v1, $0x1;
	_ =	sdelay $0x1  }
0x1a5: {  	(v2sf) =	vpush v1, $0x2  }
0x1a6: {  	(v2sf) =	vpush v1, $0x3;
	_ =	sdelay $0x1  }
0x1a7: {  	(v2sf) =	vpush v1, $0x4;
	_ =	sdelay $0x1  }
0x1a8: {  	(v2sf) =	vpush v1, $0x8;
	_ =	sdelay $0x1  }
0x1a9: {  	(v2sf) =	vpush v1, $0x9;
	_ =	sdelay $0x3  }
0x1aa: {  	(v2sf) =	vpush v1, $0xA  }
0x1ab: {  	s22 =	spop (v2sf)  }
0x1ac: {  	s21 =	rddreg [dreg:$0x5];
	(v2sf) =	vpush v1, $0xB;
	s13 =	sor.u32 $0x20, s22;
	s16 =	spop (v2sf)  }
0x1ad: {  	[hbm4b:s21+s2] =	stream.linear.scatter [tilespmem:s13], [sflag:$0x1], $0xA800, $0x38;
	[tilespmem:$0x16FA0] =	vst v63  }
0x1ae: {  	s14 =	rddreg [dreg:$0xf];
	v0 =	vadd.s32 s3, v1;
	(v2sf) =	vpush v1, $0xC;
	s17 =	spop (v2sf)  }
0x1af: {  	s15 =	rddreg [dreg:$0x6];
	v0 =	vshrl.u32 v0, $0x3;
	s26 =	spop (v2sf)  }
0x1b0: {  	(v2sf) =	vpush v0, $0x5;
	[hbm4b:s15+s2] =	stream.linear.scatter [tilespmem:s13], [sflag:$0x1], $0xA800, $0x38;
	[tilespmem:$0x16FA0] =	vst v63  }
0x1b1: {  	s23 =	rddreg [dreg:$0x7];
	s24 =	sor.u32 $0x20, s16;
	s18 =	spop (v2sf)  }
0x1b2: {  	[hbm4b:s23+s2] =	stream.linear.scatter [tilespmem:s24], [sflag:$0x1], $0xA800, $0x38;
	[tilespmem:$0x16FA0] =	vst v63  }
0x1b3: {  	s25 =	rddreg [dreg:$0x8];
	(v2sf) =	vpush v0, $0x6;
	s31 =	spop (v2sf)  }
0x1b4: {  	[hbm4b:s25+s2] =	stream.linear.scatter [tilespmem:s24], [sflag:$0x1], $0xA800, $0x38;
	[tilespmem:$0x16FA0] =	vst v63  }
0x1b5: {  	s28 =	rddreg [dreg:$0x9];
	s29 =	sor.u32 $0x20, s17;
	s19 =	spop (v2sf);
	(v2sf) =	vpush v0, $0x7  }
0x1b6: {  	[hbm4b:s28+s2] =	stream.linear.scatter [tilespmem:s29], [sflag:$0x1], $0xA800, $0x38;
	[tilespmem:$0x16FA0] =	vst v63  }
0x1b7: {  	s30 =	rddreg [dreg:$0xa]  }
0x1b8: {  	[hbm4b:s30+s2] =	stream.linear.scatter [tilespmem:s29], [sflag:$0x1], $0xA800, $0x38;
	[tilespmem:$0x16FA0] =	vst v63  }
0x1b9: {  	s22 =	rddreg [dreg:$0xb];
	s23 =	sor.u32 $0x20, s26;
	s20 =	spop (v2sf)  }
0x1ba: {  	[hbm4b:s22+s2] =	stream.linear.scatter [tilespmem:s23], [sflag:$0x1], $0xA800, $0x38;
	[tilespmem:$0x16FA0] =	vst v63  }
0x1bb: {  	s24 =	rddreg [dreg:$0xc];
	s13 =	spop (v2sf)  }
0x1bc: {  	[hbm4b:s24+s2] =	stream.linear.scatter [tilespmem:s23], [sflag:$0x1], $0xA800, $0x38;
	[tilespmem:$0x16FA0] =	vst v63  }
0x1bd: {  	s21 =	rddreg [dreg:$0xd];
	s25 =	sor.u32 $0x20, s18;
	s12 =	spop (v2sf)  }
0x1be: {  	[hbm4b:s21+s2] =	stream.linear.scatter [tilespmem:s25], [sflag:$0x1], $0xA800, $0x38;
	[tilespmem:$0x16FA0] =	vst v63  }
0x1bf: {  	s26 =	rddreg [dreg:$0xe];
	s28 =	spop (v2sf)  }
0x1c0: {  	[hbm4b:s26+s2] =	stream.linear.scatter [tilespmem:s25], [sflag:$0x1], $0xA800, $0x38;
	[tilespmem:$0x16FA0] =	vst v63  }
0x1c1: {  	[hbm:s14], [sflag:s10] =	dma.local [spmem:s28], $0x2A00  }
0x1c2: {  	s14 =	rddreg [dreg:$0x10];
	s29 =	spop (v2sf)  }
0x1c3: {  	[hbm:s14], [sflag:s10] =	dma.local [spmem:s29], $0x2A00  }
0x1c4: {  	s14 =	rddreg [dreg:$0x11];
	s15 =	spop (v2sf)  }
0x1c5: {  	[hbm:s14], [sflag:s10] =	dma.local [spmem:s15], $0x2A00  }
0x1c6: {  	s14 =	rddreg [dreg:$0x12]  }
0x1c7: {  	s30 =	sor.u32 $0x20, s31;
	s15 =	rddreg [dreg:$0x1c]  }
0x1c8: {  	[hbm4b:s14+s2] =	stream.linear.scatter [tilespmem:s30], [sflag:$0x1], $0xA800, $0x38;
	[tilespmem:$0x16FA0] =	vst v63  }
0x1c9: {  	s31 =	rddreg [dreg:$0x13]  }
0x1ca: {  	(v2sf) =	vpush v0, $0xD;
	[hbm4b:s31+s2] =	stream.linear.scatter [tilespmem:s30], [sflag:$0x1], $0xA800, $0x38;
	[tilespmem:$0x16FA0] =	vst v63  }
0x1cb: {  	s21 =	sor.u32 $0x20, s19;
	s18 =	rddreg [dreg:$0x14]  }
0x1cc: {  	[hbm4b:s18+s2] =	stream.linear.scatter [tilespmem:s21], [sflag:$0x1], $0xA800, $0x38;
	[tilespmem:$0x16FA0] =	vst v63  }
0x1cd: {  	s22 =	rddreg [dreg:$0x15];
	(v2sf) =	vpush v0, $0xE  }
0x1ce: {  	[hbm4b:s22+s2] =	stream.linear.scatter [tilespmem:s21], [sflag:$0x1], $0xA800, $0x38;
	[tilespmem:$0x16FA0] =	vst v63  }
0x1cf: {  	s24 =	sor.u32 $0x20, s20;
	s23 =	rddreg [dreg:$0x16];
	(v2sf) =	vpush v0, $0xF  }
0x1d0: {  	[hbm4b:s23+s2] =	stream.linear.scatter [tilespmem:s24], [sflag:$0x1], $0xA800, $0x38;
	[tilespmem:$0x16FA0] =	vst v63  }
0x1d1: {  	s25 =	rddreg [dreg:$0x17]  }
0x1d2: {  	[hbm4b:s25+s2] =	stream.linear.scatter [tilespmem:s24], [sflag:$0x1], $0xA800, $0x38;
	[tilespmem:$0x16FA0] =	vst v63  }
0x1d3: {  	s13 =	sor.u32 $0x20, s13;
	s26 =	rddreg [dreg:$0x18]  }
0x1d4: {  	[hbm4b:s26+s2] =	stream.linear.scatter [tilespmem:s13], [sflag:$0x1], $0xA800, $0x38;
	[tilespmem:$0x16FA0] =	vst v63  }
0x1d5: {  	s28 =	rddreg [dreg:$0x19]  }
0x1d6: {  	[hbm4b:s28+s2] =	stream.linear.scatter [tilespmem:s13], [sflag:$0x1], $0xA800, $0x38;
	[tilespmem:$0x16FA0] =	vst v63  }
0x1d7: {  	s12 =	sor.u32 $0x20, s12;
	s29 =	rddreg [dreg:$0x1a]  }
0x1d8: {  	[hbm4b:s29+s2] =	stream.linear.scatter [tilespmem:s12], [sflag:$0x1], $0xA800, $0x38;
	[tilespmem:$0x16FA0] =	vst v63  }
0x1d9: {  	s30 =	rddreg [dreg:$0x1b];
	s31 =	spop (v2sf)  }
0x1da: {  	[hbm4b:s30+s2] =	stream.linear.scatter [tilespmem:s12], [sflag:$0x1], $0xA800, $0x38;
	[tilespmem:$0x16FA0] =	vst v63  }
0x1db: {  	[hbm:s15], [sflag:s10] =	dma.local [spmem:s31], $0x2A00  }
0x1dc: {  	s16 =	rddreg [dreg:$0x1d];
	s17 =	spop (v2sf)  }
0x1dd: {  	[hbm:s16], [sflag:s10] =	dma.local [spmem:s17], $0x2A00  }
0x1de: {  	s12 =	rddreg [dreg:$0x1e];
	s13 =	spop (v2sf)  }
0x1df: {  	[hbm:s12], [sflag:s10] =	dma.local [spmem:s13], $0x2A00  }
0x1e0: {  	v62 =	vld [tilespmem:$0x10];
	_ =	sdelay $0x4  }
0x1e1: {  	v0 =	vshll.u32 v62, $0xA  }
0x1e2: {  	v63 =	vshra.s32 v0, $0x2  }
0x1e3: {  	(v2sf) =	vpush v63, $0x0  }
0x1e4: {  	(v2sf) =	vpush v63, $0x1;
	_ =	sdelay $0x1  }
0x1e5: {  	(v2sf) =	vpush v63, $0x2;
	_ =	sdelay $0x1  }
0x1e6: {  	(v2sf) =	vpush v63, $0x3;
	_ =	sdelay $0x1  }
0x1e7: {  	(v2sf) =	vpush v63, $0x4;
	_ =	sdelay $0x1  }
0x1e8: {  	(v2sf) =	vpush v63, $0x8;
	_ =	sdelay $0x1  }
0x1e9: {  	(v2sf) =	vpush v63, $0x9;
	_ =	sdelay $0x1  }
0x1ea: {  	(v2sf) =	vpush v63, $0xA  }
0x1eb: {  	s12 =	rddreg [dreg:$0x1f]  }
0x1ec: {  	s14 =	sld [smem:$0x7EA];
	s13 =	spop (v2sf);
	(v2sf) =	vpush v63, $0xB  }
0x1ed: {  	s18 =	sld [smem:$0x7E1];
	s13 =	sor.u32 $0x20, s13;
	s19 =	spop (v2sf)  }
0x1ee: {  	v0 =	vadd.s32 s3, v63;
	(v2sf) =	vpush v63, $0xC;
	[hbm4b:s12+s2] =	stream.linear.scatter [tilespmem:s13], [sflag:$0x1], $0xA800, $0x38;
	[tilespmem:$0x16FA0] =	vst v63  }
0x1ef: {  	s20 =	sld [smem:$0x7E2];
	v0 =	vshrl.u32 v0, $0x3;
	s21 =	spop (v2sf)  }
0x1f0: {  	(v2sf) =	vpush v0, $0x5;
	[hbm4b:s18+s2] =	stream.linear.scatter [tilespmem:s13], [sflag:$0x1], $0xA800, $0x38;
	[tilespmem:$0x16FA0] =	vst v63  }
0x1f1: {  	s23 =	sld [smem:$0x7E3];
	s22 =	sor.u32 $0x20, s19;
	s24 =	spop (v2sf)  }
0x1f2: {  	[hbm4b:s20+s2] =	stream.linear.scatter [tilespmem:s22], [sflag:$0x1], $0xA800, $0x38;
	[tilespmem:$0x16FA0] =	vst v63  }
0x1f3: {  	s25 =	sld [smem:$0x7E4];
	s26 =	spop (v2sf)  }
0x1f4: {  	[hbm4b:s23+s2] =	stream.linear.scatter [tilespmem:s22], [sflag:$0x1], $0xA800, $0x38;
	[tilespmem:$0x16FA0] =	vst v63  }
0x1f5: {  	s29 =	sld [smem:$0x7E5];
	s28 =	sor.u32 $0x20, s21;
	(v2sf) =	vpush v0, $0x6;
	s30 =	spop (v2sf)  }
0x1f6: {  	[hbm4b:s25+s2] =	stream.linear.scatter [tilespmem:s28], [sflag:$0x1], $0xA800, $0x38;
	[tilespmem:$0x16FA0] =	vst v63  }
0x1f7: {  	s31 =	sld [smem:$0x7E6];
	s19 =	spop (v2sf)  }
0x1f8: {  	[hbm4b:s29+s2] =	stream.linear.scatter [tilespmem:s28], [sflag:$0x1], $0xA800, $0x38;
	[tilespmem:$0x16FA0] =	vst v63  }
0x1f9: {  	s21 =	sld [smem:$0x7E7];
	s20 =	sor.u32 $0x20, s24;
	(v2sf) =	vpush v0, $0x7;
	s22 =	spop (v2sf)  }
0x1fa: {  	[hbm4b:s31+s2] =	stream.linear.scatter [tilespmem:s20], [sflag:$0x1], $0xA800, $0x38;
	[tilespmem:$0x16FA0] =	vst v63  }
0x1fb: {  	s23 =	sld [smem:$0x7E8];
	s13 =	spop (v2sf)  }
0x1fc: {  	[hbm4b:s21+s2] =	stream.linear.scatter [tilespmem:s20], [sflag:$0x1], $0xA800, $0x38;
	[tilespmem:$0x16FA0] =	vst v63  }
0x1fd: {  	s24 =	sor.u32 $0x20, s26;
	s25 =	sld [smem:$0x7E9];
	s12 =	spop (v2sf)  }
0x1fe: {  	[hbm4b:s23+s2] =	stream.linear.scatter [tilespmem:s24], [sflag:$0x1], $0xA800, $0x38;
	[tilespmem:$0x16FA0] =	vst v63  }
0x1ff: {  	s26 =	spop (v2sf)  }
0x200: {  	[hbm4b:s25+s2] =	stream.linear.scatter [tilespmem:s24], [sflag:$0x1], $0xA800, $0x38;
	[tilespmem:$0x16FA0] =	vst v63  }
0x201: {  	[hbm:s14], [sflag:s10] =	dma.local [spmem:s26], $0x2A00  }
0x202: {  	s14 =	sld [smem:$0x7EB];
	_ =	sdelay $0x1  }
0x203: {  	s28 =	spop (v2sf)  }
0x204: {  	[hbm:s14], [sflag:s10] =	dma.local [spmem:s28], $0x2A00  }
0x205: {  	s14 =	sld [smem:$0x7EC];
	_ =	sdelay $0x1  }
0x206: {  	s15 =	spop (v2sf)  }
0x207: {  	[hbm:s14], [sflag:s10] =	dma.local [spmem:s15], $0x2A00  }
0x208: {  	s14 =	sld [smem:$0x7ED]  }
0x209: {  	s15 =	sld [smem:$0x7F7]  }
0x20a: {  	s29 =	sor.u32 $0x20, s30;
	s30 =	sld [smem:$0x7EE]  }
0x20b: {  	[hbm4b:s14+s2] =	stream.linear.scatter [tilespmem:s29], [sflag:$0x1], $0xA800, $0x38;
	[tilespmem:$0x16FA0] =	vst v63  }
0x20c: {  	s31 =	sld [smem:$0x7EF]  }
0x20d: {  	(v2sf) =	vpush v0, $0xD;
	[hbm4b:s30+s2] =	stream.linear.scatter [tilespmem:s29], [sflag:$0x1], $0xA800, $0x38;
	[tilespmem:$0x16FA0] =	vst v63  }
0x20e: {  	s18 =	sor.u32 $0x20, s19;
	s19 =	sld [smem:$0x7F0]  }
0x20f: {  	[hbm4b:s31+s2] =	stream.linear.scatter [tilespmem:s18], [sflag:$0x1], $0xA800, $0x38;
	[tilespmem:$0x16FA0] =	vst v63  }
0x210: {  	s21 =	sld [smem:$0x7F1]  }
0x211: {  	[hbm4b:s19+s2] =	stream.linear.scatter [tilespmem:s18], [sflag:$0x1], $0xA800, $0x38;
	[tilespmem:$0x16FA0] =	vst v63  }
0x212: {  	s22 =	sor.u32 $0x20, s22;
	s23 =	sld [smem:$0x7F2];
	(v2sf) =	vpush v0, $0xE  }
0x213: {  	[hbm4b:s21+s2] =	stream.linear.scatter [tilespmem:s22], [sflag:$0x1], $0xA800, $0x38;
	[tilespmem:$0x16FA0] =	vst v63  }
0x214: {  	s24 =	sld [smem:$0x7F3]  }
0x215: {  	[hbm4b:s23+s2] =	stream.linear.scatter [tilespmem:s22], [sflag:$0x1], $0xA800, $0x38;
	[tilespmem:$0x16FA0] =	vst v63  }
0x216: {  	s13 =	sor.u32 $0x20, s13;
	s25 =	sld [smem:$0x7F4];
	(v2sf) =	vpush v0, $0xF  }
0x217: {  	[hbm4b:s24+s2] =	stream.linear.scatter [tilespmem:s13], [sflag:$0x1], $0xA800, $0x38;
	[tilespmem:$0x16FA0] =	vst v63  }
0x218: {  	s26 =	sld [smem:$0x7F5]  }
0x219: {  	[hbm4b:s25+s2] =	stream.linear.scatter [tilespmem:s13], [sflag:$0x1], $0xA800, $0x38;
	[tilespmem:$0x16FA0] =	vst v63  }
0x21a: {  	s12 =	sor.u32 $0x20, s12;
	s28 =	sld [smem:$0x7F6]  }
0x21b: {  	[hbm4b:s26+s2] =	stream.linear.scatter [tilespmem:s12], [sflag:$0x1], $0xA800, $0x38;
	[tilespmem:$0x16FA0] =	vst v63  }
0x21c: {  	s29 =	spop (v2sf)  }
0x21d: {  	[hbm4b:s28+s2] =	stream.linear.scatter [tilespmem:s12], [sflag:$0x1], $0xA800, $0x38;
	[tilespmem:$0x16FA0] =	vst v63  }
0x21e: {  	[hbm:s15], [sflag:s10] =	dma.local [spmem:s29], $0x2A00  }
0x21f: {  	s30 =	sld [smem:$0x7F8];
	_ =	sdelay $0x1  }
0x220: {  	s31 =	spop (v2sf)  }
0x221: {  	[hbm:s30], [sflag:s10] =	dma.local [spmem:s31], $0x2A00  }
0x222: {  	s12 =	sld [smem:$0x7F9];
	_ =	sdelay $0x1  }
0x223: {  	s13 =	spop (v2sf)  }
0x224: {  	[hbm:s12], [sflag:s10] =	dma.local [spmem:s13], $0x2A00  }
0x225: {  	_ =	swait.ge [sflag:s1], $0xA800  }
0x226: {  	[sflag:s1] =	ssyncset.done $0x0  }
0x227: {  	[sflag:s1] =	ssyncadd.s32 $0xFFFF5800  }
0x228: {  	_ =	swait.ge [sflag:s1], $0xA800  }
0x229: {  	[sflag:s1] =	ssyncset.done $0x0  }
0x22a: {  	[sflag:s1] =	ssyncadd.s32 $0xFFFF5800  }
0x22b: {  	_ =	swait.ge [sflag:s1], $0xA800  }
0x22c: {  	[sflag:s1] =	ssyncset.done $0x0  }
0x22d: {  	[sflag:s1] =	ssyncadd.s32 $0xFFFF5800  }
0x22e: {  	_ =	swait.ge [sflag:s1], $0xA800  }
0x22f: {  	[sflag:s1] =	ssyncset.done $0x0  }
0x230: {  	[sflag:s1] =	ssyncadd.s32 $0xFFFF5800  }
0x231: {  	_ =	swait.ge [sflag:s1], $0xA800  }
0x232: {  	[sflag:s1] =	ssyncset.done $0x0  }
0x233: {  	[sflag:s1] =	ssyncadd.s32 $0xFFFF5800  }
0x234: {  	_ =	swait.ge [sflag:s1], $0xA800  }
0x235: {  	[sflag:s1] =	ssyncset.done $0x0  }
0x236: {  	[sflag:s1] =	ssyncadd.s32 $0xFFFF5800  }
0x237: {  	_ =	swait.ge [sflag:s1], $0xA800  }
0x238: {  	[sflag:s1] =	ssyncset.done $0x0  }
0x239: {  	[sflag:s1] =	ssyncadd.s32 $0xFFFF5800  }
0x23a: {  	_ =	swait.ge [sflag:s1], $0xA800  }
0x23b: {  	[sflag:s1] =	ssyncset.done $0x0  }
0x23c: {  	[sflag:s1] =	ssyncadd.s32 $0xFFFF5800  }
0x23d: {  	_ =	swait.ge [sflag:s1], $0xA800  }
0x23e: {  	[sflag:s1] =	ssyncset.done $0x0  }
0x23f: {  	[sflag:s1] =	ssyncadd.s32 $0xFFFF5800  }
0x240: {  	_ =	swait.ge [sflag:s1], $0xA800  }
0x241: {  	[sflag:s1] =	ssyncset.done $0x0  }
0x242: {  	[sflag:s1] =	ssyncadd.s32 $0xFFFF5800  }
0x243: {  	_ =	swait.ge [sflag:s1], $0x2A00  }
0x244: {  	[sflag:s1] =	ssyncset.done $0x0  }
0x245: {  	[sflag:s1] =	ssyncadd.s32 $0xFFFFD600  }
0x246: {  	_ =	swait.ge [sflag:s1], $0x2A00  }
0x247: {  	[sflag:s1] =	ssyncset.done $0x0  }
0x248: {  	[sflag:s1] =	ssyncadd.s32 $0xFFFFD600  }
0x249: {  	_ =	swait.ge [sflag:s1], $0x2A00  }
0x24a: {  	[sflag:s1] =	ssyncset.done $0x0  }
0x24b: {  	[sflag:s1] =	ssyncadd.s32 $0xFFFFD600  }
0x24c: {  	_ =	swait.ge [sflag:s1], $0xA800  }
0x24d: {  	[sflag:s1] =	ssyncset.done $0x0  }
0x24e: {  	[sflag:s1] =	ssyncadd.s32 $0xFFFF5800  }
0x24f: {  	_ =	swait.ge [sflag:s1], $0xA800  }
0x250: {  	[sflag:s1] =	ssyncset.done $0x0  }
0x251: {  	[sflag:s1] =	ssyncadd.s32 $0xFFFF5800  }
0x252: {  	_ =	swait.ge [sflag:s1], $0xA800  }
0x253: {  	[sflag:s1] =	ssyncset.done $0x0  }
0x254: {  	[sflag:s1] =	ssyncadd.s32 $0xFFFF5800  }
0x255: {  	_ =	swait.ge [sflag:s1], $0xA800  }
0x256: {  	[sflag:s1] =	ssyncset.done $0x0  }
0x257: {  	[sflag:s1] =	ssyncadd.s32 $0xFFFF5800  }
0x258: {  	_ =	swait.ge [sflag:s1], $0xA800  }
0x259: {  	[sflag:s1] =	ssyncset.done $0x0  }
0x25a: {  	[sflag:s1] =	ssyncadd.s32 $0xFFFF5800  }
0x25b: {  	_ =	swait.ge [sflag:s1], $0xA800  }
0x25c: {  	[sflag:s1] =	ssyncset.done $0x0  }
0x25d: {  	[sflag:s1] =	ssyncadd.s32 $0xFFFF5800  }
0x25e: {  	_ =	swait.ge [sflag:s1], $0xA800  }
0x25f: {  	[sflag:s1] =	ssyncset.done $0x0  }
0x260: {  	[sflag:s1] =	ssyncadd.s32 $0xFFFF5800  }
0x261: {  	_ =	swait.ge [sflag:s1], $0xA800  }
0x262: {  	[sflag:s1] =	ssyncset.done $0x0  }
0x263: {  	[sflag:s1] =	ssyncadd.s32 $0xFFFF5800  }
0x264: {  	_ =	swait.ge [sflag:s1], $0xA800  }
0x265: {  	[sflag:s1] =	ssyncset.done $0x0  }
0x266: {  	[sflag:s1] =	ssyncadd.s32 $0xFFFF5800  }
0x267: {  	_ =	swait.ge [sflag:s1], $0xA800  }
0x268: {  	[sflag:s1] =	ssyncset.done $0x0  }
0x269: {  	[sflag:s1] =	ssyncadd.s32 $0xFFFF5800  }
0x26a: {  	_ =	swait.ge [sflag:s1], $0x2A00  }
0x26b: {  	[sflag:s1] =	ssyncset.done $0x0  }
0x26c: {  	[sflag:s1] =	ssyncadd.s32 $0xFFFFD600  }
0x26d: {  	_ =	swait.ge [sflag:s1], $0x2A00  }
0x26e: {  	[sflag:s1] =	ssyncset.done $0x0  }
0x26f: {  	[sflag:s1] =	ssyncadd.s32 $0xFFFFD600  }
0x270: {  	_ =	swait.ge [sflag:s1], $0x2A00  }
0x271: {  	[sflag:s1] =	ssyncset.done $0x0  }
0x272: {  	[sflag:s1] =	ssyncadd.s32 $0xFFFFD600  }
0x273: {  	_ =	swait.ge [sflag:s1], $0xA800  }
0x274: {  	[sflag:s1] =	ssyncset.done $0x0  }
0x275: {  	[sflag:s1] =	ssyncadd.s32 $0xFFFF5800  }
0x276: {  	_ =	swait.ge [sflag:s1], $0xA800  }
0x277: {  	[sflag:s1] =	ssyncset.done $0x0  }
0x278: {  	[sflag:s1] =	ssyncadd.s32 $0xFFFF5800  }
0x279: {  	_ =	swait.ge [sflag:s1], $0xA800  }
0x27a: {  	[sflag:s1] =	ssyncset.done $0x0  }
0x27b: {  	[sflag:s1] =	ssyncadd.s32 $0xFFFF5800  }
0x27c: {  	_ =	swait.ge [sflag:s1], $0xA800  }
0x27d: {  	[sflag:s1] =	ssyncset.done $0x0  }
0x27e: {  	[sflag:s1] =	ssyncadd.s32 $0xFFFF5800  }
0x27f: {  	_ =	swait.ge [sflag:s1], $0xA800  }
0x280: {  	[sflag:s1] =	ssyncset.done $0x0  }
0x281: {  	[sflag:s1] =	ssyncadd.s32 $0xFFFF5800  }
0x282: {  	_ =	swait.ge [sflag:s1], $0xA800  }
0x283: {  	[sflag:s1] =	ssyncset.done $0x0  }
0x284: {  	[sflag:s1] =	ssyncadd.s32 $0xFFFF5800  }
0x285: {  	_ =	swait.ge [sflag:s1], $0xA800  }
0x286: {  	[sflag:s1] =	ssyncset.done $0x0  }
0x287: {  	[sflag:s1] =	ssyncadd.s32 $0xFFFF5800  }
0x288: {  	_ =	swait.ge [sflag:s1], $0xA800  }
0x289: {  	[sflag:s1] =	ssyncset.done $0x0  }
0x28a: {  	[sflag:s1] =	ssyncadd.s32 $0xFFFF5800  }
0x28b: {  	_ =	swait.ge [sflag:s1], $0xA800  }
0x28c: {  	[sflag:s1] =	ssyncset.done $0x0  }
0x28d: {  	[sflag:s1] =	ssyncadd.s32 $0xFFFF5800  }
0x28e: {  	_ =	swait.ge [sflag:s1], $0xA800  }
0x28f: {  	[sflag:s1] =	ssyncset.done $0x0  }
0x290: {  	[sflag:s1] =	ssyncadd.s32 $0xFFFF5800  }
0x291: {  	_ =	swait.ge [sflag:s1], $0x2A00  }
0x292: {  	[sflag:s1] =	ssyncset.done $0x0  }
0x293: {  	[sflag:s1] =	ssyncadd.s32 $0xFFFFD600  }
0x294: {  	_ =	swait.ge [sflag:s1], $0x2A00  }
0x295: {  	[sflag:s1] =	ssyncset.done $0x0  }
0x296: {  	[sflag:s1] =	ssyncadd.s32 $0xFFFFD600  }
0x297: {  	_ =	swait.ge [sflag:s1], $0x2A00  }
0x298: {  	[sflag:s1] =	ssyncset.done $0x0  }
0x299: {  	[sflag:s1] =	ssyncadd.s32 $0xFFFFD600  }
0x29a: {  	_ =	swait.ge [sflag:s1], $0xA800  }
0x29b: {  	[sflag:s1] =	ssyncset.done $0x0  }
0x29c: {  	[sflag:s1] =	ssyncadd.s32 $0xFFFF5800  }
0x29d: {  	_ =	swait.ge [sflag:s1], $0xA800  }
0x29e: {  	[sflag:s1] =	ssyncset.done $0x0  }
0x29f: {  	[sflag:s1] =	ssyncadd.s32 $0xFFFF5800  }
0x2a0: {  	_ =	swait.ge [sflag:s1], $0xA800  }
0x2a1: {  	[sflag:s1] =	ssyncset.done $0x0  }
0x2a2: {  	[sflag:s1] =	ssyncadd.s32 $0xFFFF5800  }
0x2a3: {  	_ =	swait.ge [sflag:s1], $0xA800  }
0x2a4: {  	[sflag:s1] =	ssyncset.done $0x0  }
0x2a5: {  	[sflag:s1] =	ssyncadd.s32 $0xFFFF5800  }
0x2a6: {  	_ =	swait.ge [sflag:s1], $0xA800  }
0x2a7: {  	[sflag:s1] =	ssyncset.done $0x0  }
0x2a8: {  	[sflag:s1] =	ssyncadd.s32 $0xFFFF5800  }
0x2a9: {  	_ =	swait.ge [sflag:s1], $0xA800  }
0x2aa: {  	[sflag:s1] =	ssyncset.done $0x0  }
0x2ab: {  	[sflag:s1] =	ssyncadd.s32 $0xFFFF5800  }
0x2ac: {  	_ =	swait.ge [sflag:s1], $0xA800  }
0x2ad: {  	[sflag:s1] =	ssyncset.done $0x0  }
0x2ae: {  	[sflag:s1] =	ssyncadd.s32 $0xFFFF5800  }
0x2af: {  	_ =	swait.ge [sflag:s1], $0xA800  }
0x2b0: {  	[sflag:s1] =	ssyncset.done $0x0  }
0x2b1: {  	[sflag:s1] =	ssyncadd.s32 $0xFFFF5800  }
0x2b2: {  	_ =	swait.ge [sflag:s1], $0xA800  }
0x2b3: {  	[sflag:s1] =	ssyncset.done $0x0  }
0x2b4: {  	[sflag:s1] =	ssyncadd.s32 $0xFFFF5800  }
0x2b5: {  	_ =	swait.ge [sflag:s1], $0xA800  }
0x2b6: {  	[sflag:s1] =	ssyncset.done $0x0  }
0x2b7: {  	[sflag:s1] =	ssyncadd.s32 $0xFFFF5800  }
0x2b8: {  	_ =	swait.ge [sflag:s1], $0x2A00  }
0x2b9: {  	s11 =	sadd.s32 $0xFFFFFFFF, s11;
	[sflag:s1] =	ssyncset.done $0x0  }
0x2ba: {  	p2 =	sne.s32 s11, $0x0;
	[sflag:s1] =	ssyncadd.s32 $0xFFFFD600  }
.Ltmp2:
0x2bb: {  	_ =	swait.ge [sflag:s1], $0x2A00;
	(pc) =	sbr.rel @p2 .LBB2_2-.Ltmp2, $4  }
0x2bc: {  	[sflag:s1] =	ssyncset.done $0x0  }
0x2bd: {  	[sflag:s1] =	ssyncadd.s32 $0xFFFFD600  }
0x2be: {  	_ =	swait.ge [sflag:s1], $0x2A00  }
0x2bf: {  	s12 =	rddreg [dreg:$0x4];
	[sflag:s1] =	ssyncset.done $0x0  }
.LBB2_3:
0x2c0: {  	[sflag:s1] =	ssyncadd.s32 @p1 $0xFFFFD600;
	s8 =	sld [smem:$0x7FA]  }
0x2c1: {  	[tilespmem:s2], [sflag:$0x2] =	stream.linear.gather [hbm4b:s12+s2], $0x20, $0x38;
	[tilespmem:$0x16FA0] =	vst v63  }
0x2c2: {  	s9 =	sld [smem:$0x7FB]  }
0x2c3: {  	[tilespmem:s8], [sflag:$0x2] =	stream.linear.gather [hbm4b:s5+s2], $0xA800, $0x38;
	[tilespmem:$0x16FA0] =	vst v63  }
0x2c4: {  	_ = 	snop  }
0x2c5: {  	[tilespmem:s9], [sflag:$0x2] =	stream.linear.gather [hbm4b:s5+s2], $0xA800, $0x38;
	[tilespmem:$0x16FA0] =	vst v63  }
0x2c6: {  	_ =	swait.ge [sflag:s6], $0x20  }
0x2c7: {  	[sflag:s6] =	ssyncset.done $0x0  }
0x2c8: {  	[sflag:s6] =	ssyncadd.s32 $0xFFFFFFE0  }
0x2c9: {  	_ =	swait.ge [sflag:s6], $0xA800  }
0x2ca: {  	[sflag:s6] =	ssyncset.done $0x0  }
0x2cb: {  	[sflag:s6] =	ssyncadd.s32 $0xFFFF5800  }
0x2cc: {  	_ =	swait.ge [sflag:s6], $0xA800  }
0x2cd: {  	[sflag:s6] =	ssyncset.done $0x0  }
0x2ce: {  	[sflag:s6] =	ssyncadd.s32 $0xFFFF5800;
	s6 =	simm.s32 @!p0 $0x1C02  }
0x2cf: {  	[spmem:s7], [sflag:s6] =	dma.local @!p0 [hbm:s5], $0x1500  }
0x2d0: {  	s7 =	sld [smem:$0x7FC];
	_ =	sdelay $0x2  }
0x2d1: {  	[spmem:s7], [sflag:s6] =	dma.local @!p0 [hbm:s5], $0x1500  }
0x2d2: {  	s7 =	sld [smem:$0x7FD];
	_ =	sdelay $0x1  }
0x2d3: {  	s8 =	simm.s32 @!p0 $0x2  }
0x2d4: {  	[spmem:s7], [sflag:s6] =	dma.local @!p0 [hbm:s5], $0x1500  }
0x2d5: {  	_ =	swait.ge @!p0 [sflag:s8], $0x1500  }
0x2d6: {  	[sflag:s8] =	ssyncset.done @!p0 $0x0  }
0x2d7: {  	[sflag:s8] =	ssyncadd.s32 @!p0 $0xFFFFEB00  }
0x2d8: {  	_ =	swait.ge @!p0 [sflag:s8], $0x1500  }
0x2d9: {  	[sflag:s8] =	ssyncset.done @!p0 $0x0  }
0x2da: {  	[sflag:s8] =	ssyncadd.s32 @!p0 $0xFFFFEB00  }
0x2db: {  	_ =	swait.ge @!p0 [sflag:s8], $0x1500  }
0x2dc: {  	[sflag:s8] =	ssyncset.done @!p0 $0x0  }
0x2dd: {  	[sflag:s8] =	ssyncadd.s32 @!p0 $0xFFFFEB00  }
0x2de: {  	[bflag:$0x0] =	sbarrier.arrive $0xFFFF  }
0x2df: {  	v0 =	vld [tilespmem:$0x0];
	_ =	sdelay $0x4  }
0x2e0: {  	v0 =	vshll.u32 v0, $0xA  }
0x2e1: {  	v0 =	vshra.s32 v0, $0x2  }
0x2e2: {  	(v2sf) =	vpush v0, $0x0  }
0x2e3: {  	(v2sf) =	vpush v0, $0x1;
	_ =	sdelay $0x1  }
0x2e4: {  	(v2sf) =	vpush v0, $0x2  }
0x2e5: {  	(v2sf) =	vpush v0, $0x3;
	_ =	sdelay $0x1  }
0x2e6: {  	(v2sf) =	vpush v0, $0x4;
	_ =	sdelay $0x1  }
0x2e7: {  	(v2sf) =	vpush v0, $0x8;
	_ =	sdelay $0x1  }
0x2e8: {  	(v2sf) =	vpush v0, $0x9;
	_ =	sdelay $0x3  }
0x2e9: {  	(v2sf) =	vpush v0, $0xA  }
0x2ea: {  	s14 =	spop (v2sf)  }
0x2eb: {  	s11 =	rddreg [dreg:$0x5];
	(v2sf) =	vpush v0, $0xB;
	s7 =	sor.u32 $0x20, s14;
	s16 =	spop (v2sf)  }
0x2ec: {  	[hbm4b:s11+s2] =	stream.linear.scatter [tilespmem:s7], [sflag:$0x1], $0xA800, $0x38;
	[tilespmem:$0x16FA0] =	vst v63  }
0x2ed: {  	s12 =	rddreg [dreg:$0xf];
	v1 =	vadd.s32 s3, v0;
	(v2sf) =	vpush v0, $0xC;
	s10 =	spop (v2sf)  }
0x2ee: {  	s15 =	rddreg [dreg:$0x6];
	v60 =	vshrl.u32 v1, $0x3;
	s20 =	spop (v2sf)  }
0x2ef: {  	(v2sf) =	vpush v60, $0x5;
	[hbm4b:s15+s2] =	stream.linear.scatter [tilespmem:s7], [sflag:$0x1], $0xA800, $0x38;
	[tilespmem:$0x16FA0] =	vst v63  }
0x2f0: {  	s17 =	rddreg [dreg:$0x7];
	s18 =	sor.u32 $0x20, s16;
	s11 =	spop (v2sf)  }
0x2f1: {  	[hbm4b:s17+s2] =	stream.linear.scatter [tilespmem:s18], [sflag:$0x1], $0xA800, $0x38;
	[tilespmem:$0x16FA0] =	vst v63  }
0x2f2: {  	s19 =	rddreg [dreg:$0x8];
	(v2sf) =	vpush v60, $0x6;
	s24 =	spop (v2sf)  }
0x2f3: {  	[hbm4b:s19+s2] =	stream.linear.scatter [tilespmem:s18], [sflag:$0x1], $0xA800, $0x38;
	[tilespmem:$0x16FA0] =	vst v63  }
0x2f4: {  	s21 =	rddreg [dreg:$0x9];
	s22 =	sor.u32 $0x20, s10;
	s26 =	spop (v2sf);
	(v2sf) =	vpush v60, $0x7  }
0x2f5: {  	[hbm4b:s21+s2] =	stream.linear.scatter [tilespmem:s22], [sflag:$0x1], $0xA800, $0x38;
	[tilespmem:$0x16FA0] =	vst v63  }
0x2f6: {  	s23 =	rddreg [dreg:$0xa]  }
0x2f7: {  	[hbm4b:s23+s2] =	stream.linear.scatter [tilespmem:s22], [sflag:$0x1], $0xA800, $0x38;
	[tilespmem:$0x16FA0] =	vst v63  }
0x2f8: {  	s25 =	rddreg [dreg:$0xb];
	s28 =	sor.u32 $0x20, s20;
	s30 =	spop (v2sf)  }
0x2f9: {  	[hbm4b:s25+s2] =	stream.linear.scatter [tilespmem:s28], [sflag:$0x1], $0xA800, $0x38;
	[tilespmem:$0x16FA0] =	vst v63  }
0x2fa: {  	s29 =	rddreg [dreg:$0xc];
	s13 =	spop (v2sf)  }
0x2fb: {  	[hbm4b:s29+s2] =	stream.linear.scatter [tilespmem:s28], [sflag:$0x1], $0xA800, $0x38;
	[tilespmem:$0x16FA0] =	vst v63  }
0x2fc: {  	s31 =	rddreg [dreg:$0xd];
	s8 =	sor.u32 $0x20, s11;
	s14 =	spop (v2sf)  }
0x2fd: {  	[hbm4b:s31+s2] =	stream.linear.scatter [tilespmem:s8], [sflag:$0x1], $0xA800, $0x38;
	[tilespmem:$0x16FA0] =	vst v63  }
0x2fe: {  	s4 =	sor.u32 $0x1C01, s4;
	s11 =	rddreg [dreg:$0xe];
	s15 =	spop (v2sf)  }
0x2ff: {  	[hbm4b:s11+s2] =	stream.linear.scatter [tilespmem:s8], [sflag:$0x1], $0xA800, $0x38;
	[tilespmem:$0x16FA0] =	vst v63  }
0x300: {  	[hbm:s12], [sflag:s4] =	dma.local [spmem:s15], $0x2A00  }
0x301: {  	s5 =	rddreg [dreg:$0x10];
	s6 =	spop (v2sf)  }
0x302: {  	[hbm:s5], [sflag:s4] =	dma.local [spmem:s6], $0x2A00  }
0x303: {  	s5 =	rddreg [dreg:$0x11];
	s6 =	spop (v2sf)  }
0x304: {  	[hbm:s5], [sflag:s4] =	dma.local [spmem:s6], $0x2A00  }
0x305: {  	s5 =	rddreg [dreg:$0x12]  }
0x306: {  	s16 =	sor.u32 $0x20, s24;
	s6 =	rddreg [dreg:$0x1c]  }
0x307: {  	[hbm4b:s5+s2] =	stream.linear.scatter [tilespmem:s16], [sflag:$0x1], $0xA800, $0x38;
	[tilespmem:$0x16FA0] =	vst v63  }
0x308: {  	s17 =	rddreg [dreg:$0x13]  }
0x309: {  	(v2sf) =	vpush v60, $0xD;
	[hbm4b:s17+s2] =	stream.linear.scatter [tilespmem:s16], [sflag:$0x1], $0xA800, $0x38;
	[tilespmem:$0x16FA0] =	vst v63  }
0x30a: {  	s19 =	sor.u32 $0x20, s26;
	s18 =	rddreg [dreg:$0x14]  }
0x30b: {  	[hbm4b:s18+s2] =	stream.linear.scatter [tilespmem:s19], [sflag:$0x1], $0xA800, $0x38;
	[tilespmem:$0x16FA0] =	vst v63  }
0x30c: {  	s20 =	rddreg [dreg:$0x15];
	(v2sf) =	vpush v60, $0xE  }
0x30d: {  	[hbm4b:s20+s2] =	stream.linear.scatter [tilespmem:s19], [sflag:$0x1], $0xA800, $0x38;
	[tilespmem:$0x16FA0] =	vst v63  }
0x30e: {  	s22 =	sor.u32 $0x20, s30;
	s21 =	rddreg [dreg:$0x16];
	(v2sf) =	vpush v60, $0xF  }
0x30f: {  	[hbm4b:s21+s2] =	stream.linear.scatter [tilespmem:s22], [sflag:$0x1], $0xA800, $0x38;
	[tilespmem:$0x16FA0] =	vst v63  }
0x310: {  	s23 =	rddreg [dreg:$0x17]  }
0x311: {  	[hbm4b:s23+s2] =	stream.linear.scatter [tilespmem:s22], [sflag:$0x1], $0xA800, $0x38;
	[tilespmem:$0x16FA0] =	vst v63  }
0x312: {  	s25 =	sor.u32 $0x20, s13;
	s24 =	rddreg [dreg:$0x18]  }
0x313: {  	[hbm4b:s24+s2] =	stream.linear.scatter [tilespmem:s25], [sflag:$0x1], $0xA800, $0x38;
	[tilespmem:$0x16FA0] =	vst v63  }
0x314: {  	s26 =	rddreg [dreg:$0x19]  }
0x315: {  	[hbm4b:s26+s2] =	stream.linear.scatter [tilespmem:s25], [sflag:$0x1], $0xA800, $0x38;
	[tilespmem:$0x16FA0] =	vst v63  }
0x316: {  	s29 =	sor.u32 $0x20, s14;
	s28 =	rddreg [dreg:$0x1a]  }
0x317: {  	[hbm4b:s28+s2] =	stream.linear.scatter [tilespmem:s29], [sflag:$0x1], $0xA800, $0x38;
	[tilespmem:$0x16FA0] =	vst v63  }
0x318: {  	s30 =	rddreg [dreg:$0x1b];
	s31 =	spop (v2sf)  }
0x319: {  	[hbm4b:s30+s2] =	stream.linear.scatter [tilespmem:s29], [sflag:$0x1], $0xA800, $0x38;
	[tilespmem:$0x16FA0] =	vst v63  }
0x31a: {  	[hbm:s6], [sflag:s4] =	dma.local [spmem:s31], $0x2A00  }
0x31b: {  	s5 =	rddreg [dreg:$0x1d];
	s6 =	spop (v2sf)  }
0x31c: {  	[hbm:s5], [sflag:s4] =	dma.local [spmem:s6], $0x2A00  }
0x31d: {  	s5 =	rddreg [dreg:$0x1e];
	s6 =	spop (v2sf)  }
0x31e: {  	[hbm:s5], [sflag:s4] =	dma.local [spmem:s6], $0x2A00  }
0x31f: {  	v61 =	vld [tilespmem:$0x10];
	_ =	sdelay $0x4  }
0x320: {  	v0 =	vshll.u32 v61, $0xA  }
0x321: {  	v0 =	vshra.s32 v0, $0x2  }
0x322: {  	(v2sf) =	vpush v0, $0x0  }
0x323: {  	(v2sf) =	vpush v0, $0x1;
	_ =	sdelay $0x1  }
0x324: {  	(v2sf) =	vpush v0, $0x2;
	_ =	sdelay $0x1  }
0x325: {  	(v2sf) =	vpush v0, $0x3;
	_ =	sdelay $0x1  }
0x326: {  	(v2sf) =	vpush v0, $0x4;
	_ =	sdelay $0x1  }
0x327: {  	(v2sf) =	vpush v0, $0x8;
	_ =	sdelay $0x1  }
0x328: {  	(v2sf) =	vpush v0, $0x9;
	_ =	sdelay $0x1  }
0x329: {  	(v2sf) =	vpush v0, $0xA  }
0x32a: {  	s5 =	rddreg [dreg:$0x1f]  }
0x32b: {  	s6 =	sld [smem:$0x7EA];
	s9 =	spop (v2sf);
	(v2sf) =	vpush v0, $0xB  }
0x32c: {  	s10 =	sld [smem:$0x7E1];
	s7 =	sor.u32 $0x20, s9;
	s11 =	spop (v2sf)  }
0x32d: {  	v62 =	vadd.s32 s3, v0;
	(v2sf) =	vpush v0, $0xC;
	[hbm4b:s5+s2] =	stream.linear.scatter [tilespmem:s7], [sflag:$0x1], $0xA800, $0x38;
	[tilespmem:$0x16FA0] =	vst v63  }
0x32e: {  	s12 =	sld [smem:$0x7E2];
	v63 =	vshrl.u32 v62, $0x3;
	s13 =	spop (v2sf)  }
0x32f: {  	(v2sf) =	vpush v63, $0x5;
	[hbm4b:s10+s2] =	stream.linear.scatter [tilespmem:s7], [sflag:$0x1], $0xA800, $0x38;
	[tilespmem:$0x16FA0] =	vst v63  }
0x330: {  	s15 =	sld [smem:$0x7E3];
	s14 =	sor.u32 $0x20, s11;
	s16 =	spop (v2sf)  }
0x331: {  	[hbm4b:s12+s2] =	stream.linear.scatter [tilespmem:s14], [sflag:$0x1], $0xA800, $0x38;
	[tilespmem:$0x16FA0] =	vst v63  }
0x332: {  	s17 =	sld [smem:$0x7E4];
	s18 =	spop (v2sf)  }
0x333: {  	[hbm4b:s15+s2] =	stream.linear.scatter [tilespmem:s14], [sflag:$0x1], $0xA800, $0x38;
	[tilespmem:$0x16FA0] =	vst v63  }
0x334: {  	s19 =	sld [smem:$0x7E5];
	s5 =	sor.u32 $0x20, s13;
	(v2sf) =	vpush v63, $0x6;
	s20 =	spop (v2sf)  }
0x335: {  	[hbm4b:s17+s2] =	stream.linear.scatter [tilespmem:s5], [sflag:$0x1], $0xA800, $0x38;
	[tilespmem:$0x16FA0] =	vst v63  }
0x336: {  	s21 =	sld [smem:$0x7E6];
	s22 =	spop (v2sf)  }
0x337: {  	[hbm4b:s19+s2] =	stream.linear.scatter [tilespmem:s5], [sflag:$0x1], $0xA800, $0x38;
	[tilespmem:$0x16FA0] =	vst v63  }
0x338: {  	s24 =	sld [smem:$0x7E7];
	s23 =	sor.u32 $0x20, s16;
	(v2sf) =	vpush v63, $0x7;
	s25 =	spop (v2sf)  }
0x339: {  	[hbm4b:s21+s2] =	stream.linear.scatter [tilespmem:s23], [sflag:$0x1], $0xA800, $0x38;
	[tilespmem:$0x16FA0] =	vst v63  }
0x33a: {  	s26 =	sld [smem:$0x7E8];
	s28 =	spop (v2sf)  }
0x33b: {  	[hbm4b:s24+s2] =	stream.linear.scatter [tilespmem:s23], [sflag:$0x1], $0xA800, $0x38;
	[tilespmem:$0x16FA0] =	vst v63  }
0x33c: {  	s30 =	sld [smem:$0x7E9];
	s29 =	sor.u32 $0x20, s18;
	s31 =	spop (v2sf)  }
0x33d: {  	[hbm4b:s26+s2] =	stream.linear.scatter [tilespmem:s29], [sflag:$0x1], $0xA800, $0x38;
	[tilespmem:$0x16FA0] =	vst v63  }
0x33e: {  	s13 =	spop (v2sf)  }
0x33f: {  	[hbm4b:s30+s2] =	stream.linear.scatter [tilespmem:s29], [sflag:$0x1], $0xA800, $0x38;
	[tilespmem:$0x16FA0] =	vst v63  }
0x340: {  	[hbm:s6], [sflag:s4] =	dma.local [spmem:s13], $0x2A00  }
0x341: {  	s3 =	sld [smem:$0x7EB];
	_ =	sdelay $0x1  }
0x342: {  	s14 =	spop (v2sf)  }
0x343: {  	[hbm:s3], [sflag:s4] =	dma.local [spmem:s14], $0x2A00  }
0x344: {  	s3 =	sld [smem:$0x7EC];
	_ =	sdelay $0x1  }
0x345: {  	s5 =	spop (v2sf)  }
0x346: {  	[hbm:s3], [sflag:s4] =	dma.local [spmem:s5], $0x2A00  }
0x347: {  	s3 =	sld [smem:$0x7ED]  }
0x348: {  	s5 =	sld [smem:$0x7F7]  }
0x349: {  	s15 =	sor.u32 $0x20, s20;
	s16 =	sld [smem:$0x7EE]  }
0x34a: {  	[hbm4b:s3+s2] =	stream.linear.scatter [tilespmem:s15], [sflag:$0x1], $0xA800, $0x38;
	[tilespmem:$0x16FA0] =	vst v63  }
0x34b: {  	s17 =	sld [smem:$0x7EF]  }
0x34c: {  	(v2sf) =	vpush v63, $0xD;
	[hbm4b:s16+s2] =	stream.linear.scatter [tilespmem:s15], [sflag:$0x1], $0xA800, $0x38;
	[tilespmem:$0x16FA0] =	vst v63  }
0x34d: {  	s18 =	sor.u32 $0x20, s22;
	s19 =	sld [smem:$0x7F0]  }
0x34e: {  	[hbm4b:s17+s2] =	stream.linear.scatter [tilespmem:s18], [sflag:$0x1], $0xA800, $0x38;
	[tilespmem:$0x16FA0] =	vst v63  }
0x34f: {  	s20 =	sld [smem:$0x7F1]  }
0x350: {  	[hbm4b:s19+s2] =	stream.linear.scatter [tilespmem:s18], [sflag:$0x1], $0xA800, $0x38;
	[tilespmem:$0x16FA0] =	vst v63  }
0x351: {  	s21 =	sor.u32 $0x20, s25;
	s22 =	sld [smem:$0x7F2];
	(v2sf) =	vpush v63, $0xE  }
0x352: {  	[hbm4b:s20+s2] =	stream.linear.scatter [tilespmem:s21], [sflag:$0x1], $0xA800, $0x38;
	[tilespmem:$0x16FA0] =	vst v63  }
0x353: {  	s23 =	sld [smem:$0x7F3]  }
0x354: {  	[hbm4b:s22+s2] =	stream.linear.scatter [tilespmem:s21], [sflag:$0x1], $0xA800, $0x38;
	[tilespmem:$0x16FA0] =	vst v63  }
0x355: {  	s24 =	sor.u32 $0x20, s28;
	s25 =	sld [smem:$0x7F4];
	(v2sf) =	vpush v63, $0xF  }
0x356: {  	[hbm4b:s23+s2] =	stream.linear.scatter [tilespmem:s24], [sflag:$0x1], $0xA800, $0x38;
	[tilespmem:$0x16FA0] =	vst v63  }
0x357: {  	s26 =	sld [smem:$0x7F5]  }
0x358: {  	[hbm4b:s25+s2] =	stream.linear.scatter [tilespmem:s24], [sflag:$0x1], $0xA800, $0x38;
	[tilespmem:$0x16FA0] =	vst v63  }
0x359: {  	s28 =	sor.u32 $0x20, s31;
	s29 =	sld [smem:$0x7F6]  }
0x35a: {  	[hbm4b:s26+s2] =	stream.linear.scatter [tilespmem:s28], [sflag:$0x1], $0xA800, $0x38;
	[tilespmem:$0x16FA0] =	vst v63  }
0x35b: {  	s30 =	spop (v2sf)  }
0x35c: {  	[hbm4b:s29+s2] =	stream.linear.scatter [tilespmem:s28], [sflag:$0x1], $0xA800, $0x38;
	[tilespmem:$0x16FA0] =	vst v63  }
0x35d: {  	[hbm:s5], [sflag:s4] =	dma.local [spmem:s30], $0x2A00  }
0x35e: {  	s31 =	sld [smem:$0x7F8];
	_ =	sdelay $0x1  }
0x35f: {  	s3 =	spop (v2sf)  }
0x360: {  	[hbm:s31], [sflag:s4] =	dma.local [spmem:s3], $0x2A00  }
0x361: {  	s2 =	sld [smem:$0x7F9];
	_ =	sdelay $0x1  }
0x362: {  	s3 =	spop (v2sf)  }
0x363: {  	[hbm:s2], [sflag:s4] =	dma.local [spmem:s3], $0x2A00  }
0x364: {  	_ =	swait.ge [sflag:s1], $0xA800  }
0x365: {  	[sflag:s1] =	ssyncset.done $0x0  }
0x366: {  	[sflag:s1] =	ssyncadd.s32 $0xFFFF5800  }
0x367: {  	_ =	swait.ge [sflag:s1], $0xA800  }
0x368: {  	[sflag:s1] =	ssyncset.done $0x0  }
0x369: {  	[sflag:s1] =	ssyncadd.s32 $0xFFFF5800  }
0x36a: {  	_ =	swait.ge [sflag:s1], $0xA800  }
0x36b: {  	[sflag:s1] =	ssyncset.done $0x0  }
0x36c: {  	[sflag:s1] =	ssyncadd.s32 $0xFFFF5800  }
0x36d: {  	_ =	swait.ge [sflag:s1], $0xA800  }
0x36e: {  	[sflag:s1] =	ssyncset.done $0x0  }
0x36f: {  	[sflag:s1] =	ssyncadd.s32 $0xFFFF5800  }
0x370: {  	_ =	swait.ge [sflag:s1], $0xA800  }
0x371: {  	[sflag:s1] =	ssyncset.done $0x0  }
0x372: {  	[sflag:s1] =	ssyncadd.s32 $0xFFFF5800  }
0x373: {  	_ =	swait.ge [sflag:s1], $0xA800  }
0x374: {  	[sflag:s1] =	ssyncset.done $0x0  }
0x375: {  	[sflag:s1] =	ssyncadd.s32 $0xFFFF5800  }
0x376: {  	_ =	swait.ge [sflag:s1], $0xA800  }
0x377: {  	[sflag:s1] =	ssyncset.done $0x0  }
0x378: {  	[sflag:s1] =	ssyncadd.s32 $0xFFFF5800  }
0x379: {  	_ =	swait.ge [sflag:s1], $0xA800  }
0x37a: {  	[sflag:s1] =	ssyncset.done $0x0  }
0x37b: {  	[sflag:s1] =	ssyncadd.s32 $0xFFFF5800  }
0x37c: {  	_ =	swait.ge [sflag:s1], $0xA800  }
0x37d: {  	[sflag:s1] =	ssyncset.done $0x0  }
0x37e: {  	[sflag:s1] =	ssyncadd.s32 $0xFFFF5800  }
0x37f: {  	_ =	swait.ge [sflag:s1], $0xA800  }
0x380: {  	[sflag:s1] =	ssyncset.done $0x0  }
0x381: {  	[sflag:s1] =	ssyncadd.s32 $0xFFFF5800  }
0x382: {  	_ =	swait.ge [sflag:s1], $0x2A00  }
0x383: {  	[sflag:s1] =	ssyncset.done $0x0  }
0x384: {  	[sflag:s1] =	ssyncadd.s32 $0xFFFFD600  }
0x385: {  	_ =	swait.ge [sflag:s1], $0x2A00  }
0x386: {  	[sflag:s1] =	ssyncset.done $0x0  }
0x387: {  	[sflag:s1] =	ssyncadd.s32 $0xFFFFD600  }
0x388: {  	_ =	swait.ge [sflag:s1], $0x2A00  }
0x389: {  	[sflag:s1] =	ssyncset.done $0x0  }
0x38a: {  	[sflag:s1] =	ssyncadd.s32 $0xFFFFD600  }
0x38b: {  	_ =	swait.ge [sflag:s1], $0xA800  }
0x38c: {  	[sflag:s1] =	ssyncset.done $0x0  }
0x38d: {  	[sflag:s1] =	ssyncadd.s32 $0xFFFF5800  }
0x38e: {  	_ =	swait.ge [sflag:s1], $0xA800  }
0x38f: {  	[sflag:s1] =	ssyncset.done $0x0  }
0x390: {  	[sflag:s1] =	ssyncadd.s32 $0xFFFF5800  }
0x391: {  	_ =	swait.ge [sflag:s1], $0xA800  }
0x392: {  	[sflag:s1] =	ssyncset.done $0x0  }
0x393: {  	[sflag:s1] =	ssyncadd.s32 $0xFFFF5800  }
0x394: {  	_ =	swait.ge [sflag:s1], $0xA800  }
0x395: {  	[sflag:s1] =	ssyncset.done $0x0  }
0x396: {  	[sflag:s1] =	ssyncadd.s32 $0xFFFF5800  }
0x397: {  	_ =	swait.ge [sflag:s1], $0xA800  }
0x398: {  	[sflag:s1] =	ssyncset.done $0x0  }
0x399: {  	[sflag:s1] =	ssyncadd.s32 $0xFFFF5800  }
0x39a: {  	_ =	swait.ge [sflag:s1], $0xA800  }
0x39b: {  	[sflag:s1] =	ssyncset.done $0x0  }
0x39c: {  	[sflag:s1] =	ssyncadd.s32 $0xFFFF5800  }
0x39d: {  	_ =	swait.ge [sflag:s1], $0xA800  }
0x39e: {  	[sflag:s1] =	ssyncset.done $0x0  }
0x39f: {  	[sflag:s1] =	ssyncadd.s32 $0xFFFF5800  }
0x3a0: {  	_ =	swait.ge [sflag:s1], $0xA800  }
0x3a1: {  	[sflag:s1] =	ssyncset.done $0x0  }
0x3a2: {  	[sflag:s1] =	ssyncadd.s32 $0xFFFF5800  }
0x3a3: {  	_ =	swait.ge [sflag:s1], $0xA800  }
0x3a4: {  	[sflag:s1] =	ssyncset.done $0x0  }
0x3a5: {  	[sflag:s1] =	ssyncadd.s32 $0xFFFF5800  }
0x3a6: {  	_ =	swait.ge [sflag:s1], $0xA800  }
0x3a7: {  	[sflag:s1] =	ssyncset.done $0x0  }
0x3a8: {  	[sflag:s1] =	ssyncadd.s32 $0xFFFF5800  }
0x3a9: {  	_ =	swait.ge [sflag:s1], $0x2A00  }
0x3aa: {  	[sflag:s1] =	ssyncset.done $0x0  }
0x3ab: {  	[sflag:s1] =	ssyncadd.s32 $0xFFFFD600  }
0x3ac: {  	_ =	swait.ge [sflag:s1], $0x2A00  }
0x3ad: {  	[sflag:s1] =	ssyncset.done $0x0  }
0x3ae: {  	[sflag:s1] =	ssyncadd.s32 $0xFFFFD600  }
0x3af: {  	_ =	swait.ge [sflag:s1], $0x2A00  }
0x3b0: {  	[sflag:s1] =	ssyncset.done $0x0  }
0x3b1: {  	[sflag:s1] =	ssyncadd.s32 $0xFFFFD600  }
0x3b2: {  	_ =	swait.ge [sflag:s1], $0xA800  }
0x3b3: {  	[sflag:s1] =	ssyncset.done $0x0  }
0x3b4: {  	[sflag:s1] =	ssyncadd.s32 $0xFFFF5800  }
0x3b5: {  	_ =	swait.ge [sflag:s1], $0xA800  }
0x3b6: {  	[sflag:s1] =	ssyncset.done $0x0  }
0x3b7: {  	[sflag:s1] =	ssyncadd.s32 $0xFFFF5800  }
0x3b8: {  	_ =	swait.ge [sflag:s1], $0xA800  }
0x3b9: {  	[sflag:s1] =	ssyncset.done $0x0  }
0x3ba: {  	[sflag:s1] =	ssyncadd.s32 $0xFFFF5800  }
0x3bb: {  	_ =	swait.ge [sflag:s1], $0xA800  }
0x3bc: {  	[sflag:s1] =	ssyncset.done $0x0  }
0x3bd: {  	[sflag:s1] =	ssyncadd.s32 $0xFFFF5800  }
0x3be: {  	_ =	swait.ge [sflag:s1], $0xA800  }
0x3bf: {  	[sflag:s1] =	ssyncset.done $0x0  }
0x3c0: {  	[sflag:s1] =	ssyncadd.s32 $0xFFFF5800  }
0x3c1: {  	_ =	swait.ge [sflag:s1], $0xA800  }
0x3c2: {  	[sflag:s1] =	ssyncset.done $0x0  }
0x3c3: {  	[sflag:s1] =	ssyncadd.s32 $0xFFFF5800  }
0x3c4: {  	_ =	swait.ge [sflag:s1], $0xA800  }
0x3c5: {  	[sflag:s1] =	ssyncset.done $0x0  }
0x3c6: {  	[sflag:s1] =	ssyncadd.s32 $0xFFFF5800  }
0x3c7: {  	_ =	swait.ge [sflag:s1], $0xA800  }
0x3c8: {  	[sflag:s1] =	ssyncset.done $0x0  }
0x3c9: {  	[sflag:s1] =	ssyncadd.s32 $0xFFFF5800  }
0x3ca: {  	_ =	swait.ge [sflag:s1], $0xA800  }
0x3cb: {  	[sflag:s1] =	ssyncset.done $0x0  }
0x3cc: {  	[sflag:s1] =	ssyncadd.s32 $0xFFFF5800  }
0x3cd: {  	_ =	swait.ge [sflag:s1], $0xA800  }
0x3ce: {  	[sflag:s1] =	ssyncset.done $0x0  }
0x3cf: {  	[sflag:s1] =	ssyncadd.s32 $0xFFFF5800  }
0x3d0: {  	_ =	swait.ge [sflag:s1], $0x2A00  }
0x3d1: {  	[sflag:s1] =	ssyncset.done $0x0  }
0x3d2: {  	[sflag:s1] =	ssyncadd.s32 $0xFFFFD600  }
0x3d3: {  	_ =	swait.ge [sflag:s1], $0x2A00  }
0x3d4: {  	[sflag:s1] =	ssyncset.done $0x0  }
0x3d5: {  	[sflag:s1] =	ssyncadd.s32 $0xFFFFD600  }
0x3d6: {  	_ =	swait.ge [sflag:s1], $0x2A00  }
0x3d7: {  	[sflag:s1] =	ssyncset.done $0x0  }
0x3d8: {  	[sflag:s1] =	ssyncadd.s32 $0xFFFFD600  }
0x3d9: {  	_ =	swait.ge [sflag:s1], $0xA800  }
0x3da: {  	[sflag:s1] =	ssyncset.done $0x0  }
0x3db: {  	[sflag:s1] =	ssyncadd.s32 $0xFFFF5800  }
0x3dc: {  	_ =	swait.ge [sflag:s1], $0xA800  }
0x3dd: {  	[sflag:s1] =	ssyncset.done $0x0  }
0x3de: {  	[sflag:s1] =	ssyncadd.s32 $0xFFFF5800  }
0x3df: {  	_ =	swait.ge [sflag:s1], $0xA800  }
0x3e0: {  	[sflag:s1] =	ssyncset.done $0x0  }
0x3e1: {  	[sflag:s1] =	ssyncadd.s32 $0xFFFF5800  }
0x3e2: {  	_ =	swait.ge [sflag:s1], $0xA800  }
0x3e3: {  	[sflag:s1] =	ssyncset.done $0x0  }
0x3e4: {  	[sflag:s1] =	ssyncadd.s32 $0xFFFF5800  }
0x3e5: {  	_ =	swait.ge [sflag:s1], $0xA800  }
0x3e6: {  	[sflag:s1] =	ssyncset.done $0x0  }
0x3e7: {  	[sflag:s1] =	ssyncadd.s32 $0xFFFF5800  }
0x3e8: {  	_ =	swait.ge [sflag:s1], $0xA800  }
0x3e9: {  	[sflag:s1] =	ssyncset.done $0x0  }
0x3ea: {  	[sflag:s1] =	ssyncadd.s32 $0xFFFF5800  }
0x3eb: {  	_ =	swait.ge [sflag:s1], $0xA800  }
0x3ec: {  	[sflag:s1] =	ssyncset.done $0x0  }
0x3ed: {  	[sflag:s1] =	ssyncadd.s32 $0xFFFF5800  }
0x3ee: {  	_ =	swait.ge [sflag:s1], $0xA800  }
0x3ef: {  	[sflag:s1] =	ssyncset.done $0x0  }
0x3f0: {  	[sflag:s1] =	ssyncadd.s32 $0xFFFF5800  }
0x3f1: {  	_ =	swait.ge [sflag:s1], $0xA800  }
0x3f2: {  	[sflag:s1] =	ssyncset.done $0x0  }
0x3f3: {  	[sflag:s1] =	ssyncadd.s32 $0xFFFF5800  }
0x3f4: {  	_ =	swait.ge [sflag:s1], $0xA800  }
0x3f5: {  	[sflag:s1] =	ssyncset.done $0x0  }
0x3f6: {  	[sflag:s1] =	ssyncadd.s32 $0xFFFF5800  }
0x3f7: {  	_ =	swait.ge [sflag:s1], $0x2A00  }
0x3f8: {  	[sflag:s1] =	ssyncset.done $0x0  }
0x3f9: {  	[sflag:s1] =	ssyncadd.s32 $0xFFFFD600  }
0x3fa: {  	_ =	swait.ge [sflag:s1], $0x2A00  }
0x3fb: {  	[sflag:s1] =	ssyncset.done $0x0  }
0x3fc: {  	[sflag:s1] =	ssyncadd.s32 $0xFFFFD600  }
0x3fd: {  	_ =	swait.ge [sflag:s1], $0x2A00  }
0x3fe: {  	[sflag:s1] =	ssyncset.done $0x0  }
0x3ff: {  	[sflag:s1] =	ssyncadd.s32 $0xFFFFD600  }
0x400: {  	_ =	sfence.sel $0x180000  }
0x401: {  	[bflag:$0x0] =	sbarrier.arrive $0xFFFF  }
0x402: {  	_ =	strace $0x90000047  }
0x403: {  	s0 =	sadd.s32 @!p0 $0x100000, s0;
	[bflag:$0x2] =	sbarrier.arrive $0xFFFF  }
0x404: {  	[sflag:s0] =	ssyncadd.tile.s32 @!p0 $0x1;
	_ =	shalt  }
.Lfunc_end2:
_tile_overlayer_lowered:
.L_overlay_start_2:
0x405: {  	(tag) =	ssettag $0x2  }
0x406: {  	s0 =	rddreg [dreg:$0x0];
	s2 =	stileid.u32  }
0x407: {  	s1 =	rddreg [dreg:$0x1];
	p0 =	sne.s32 s2, $0x0  }
0x408: {  	s3 =	rddreg [dreg:$0x2];
	[bflag:$0x3] =	sbarrier.arrive $0xFFFF;
	s2 =	simm.s32 @!p0 $0x1C03  }
0x409: {  	[timem:s3], [sflag:s2] =	dma.local @!p0 [hbm:s0], s1  }
0x40a: {  	s0 =	simm.s32 @!p0 $0x3  }
0x40b: {  	_ =	swait.ge @!p0 [sflag:s0], s1  }
0x40c: {  	s1 =	ssub.s32 @!p0 $0x0, s1;
	[sflag:s0] =	ssyncset.done @!p0 $0x0  }
0x40d: {  	[sflag:s0] =	ssyncadd.s32 @!p0 s1  }
0x40e: {  	[bflag:$0x3] =	sbarrier.arrive $0xFFFF  }
0x40f: {  	_ =	shalt  }

</sc_bundles>
